<compile_context>
chip_gen: v7x
topology: tpu7x:2x2x1
jax: 0.10.2.dev20260603
libtpu: 0.0.44.dev20260713+nightly
codegen_flags: <defaults>
</compile_context>

<pallas_src>
import functools

import numpy as np
import jax
import jax.numpy as jnp
from jax import lax
from jax.experimental import pallas as pl
from jax.experimental.pallas import tpu as pltpu
from jax.experimental.pallas import tpu_sc as plsc

N = 10000
K = 32
CN = 6
E = N * K

_LEAK = 0.01


def _leaky(x):
    return jnp.where(x >= 0, x, _LEAK * x)



def _sc_gather(table, idx_2d, D):
    info = plsc.get_sparse_core_info()
    nc, ns = info.num_cores, info.num_subcores
    nw = nc * ns
    per_w = idx_2d.shape[1]
    n_full = per_w // 128
    tail = per_w - n_full * 128
    nbuf = 13
    n_super = n_full // nbuf
    S = nbuf * 128
    mesh = plsc.VectorSubcoreMesh(core_axis_name="c", subcore_axis_name="s")

    @functools.partial(
        pl.kernel,
        mesh=mesh,
        compiler_params=pltpu.CompilerParams(use_tc_tiling_on_sc=False),
        out_type=jax.ShapeDtypeStruct((nw * per_w, D), jnp.float32),
        scratch_types=[
            pltpu.VMEM((per_w,), jnp.int32),
            pltpu.VMEM((S, D), jnp.float32),
            pltpu.SemaphoreType.DMA,
        ],
    )
    def k(table_hbm, idx_hbm, out_hbm, idx_v, buf, sem):
        wid = lax.axis_index("s") * nc + lax.axis_index("c")
        base = wid * per_w
        pltpu.sync_copy(idx_hbm.at[wid], idx_v)

        def body(sg, carry):
            cps = []
            for b in range(nbuf):
                cps.append(pltpu.async_copy(
                    table_hbm.at[idx_v.at[pl.ds((sg * nbuf + b) * 128, 128)]],
                    buf.at[pl.ds(b * 128, 128)], sem))
            for cp in cps:
                cp.wait()
            pltpu.sync_copy(buf, out_hbm.at[pl.ds(base + sg * S, S)])
            return carry

        lax.fori_loop(0, n_super, body, 0)
        if tail:
            pltpu.async_copy(
                table_hbm.at[idx_v.at[pl.ds(n_full * 128, tail)]],
                buf.at[pl.ds(0, tail)], sem).wait()
            pltpu.sync_copy(buf.at[pl.ds(0, tail)],
                            out_hbm.at[pl.ds(base + n_full * 128, tail)])

    return k(table, idx_2d)



def _prep_kernel(x_ref, dis_ref, spec_ref, hfcW_ref, hfcb_ref, attnW_ref,
                 wfcW_ref, wfcb_ref, wfc1W_ref, wfc1b_ref,
                 feat_ref, ew_ref):
    xv = x_ref[...]
    z = jnp.dot(xv, hfcW_ref[...].T,
                preferred_element_type=jnp.float32) + hfcb_ref[...]
    w1 = attnW_ref[:, 0:CN]
    s = jnp.sum(attnW_ref[:, CN:2 * CN])
    c = jnp.sum(z * w1, axis=1, keepdims=True)
    a = _leaky(c + s * z)
    m = jnp.max(a, axis=1, keepdims=True)
    e = jnp.exp(a - m)
    alpha = e / jnp.sum(e, axis=1, keepdims=True)
    feat = alpha * z
    feat_ref[...] = jnp.concatenate(
        [feat, jnp.zeros((feat.shape[0], 16 - CN), jnp.float32)], axis=1)

    A = jnp.dot(wfc1W_ref[...], wfcW_ref[...],
                preferred_element_type=jnp.float32)
    c0 = jnp.dot(wfc1W_ref[...], wfcb_ref[...],
                 preferred_element_type=jnp.float32) + wfc1b_ref[...]
    ew_ref[...] = (dis_ref[...] * A[0:1, 0:1] + spec_ref[...] * A[0:1, 1:2]
                   + c0[0:1, 0:1])



def _dot(a, b):
    return jnp.dot(a, b, preferred_element_type=jnp.float32)


_UNROLL = 2


def _lstm_steps(msg_ref, ewq_ref, selx_ref, h_s, c_s, wih, whh, bias):
    t = pl.program_id(1)

    @pl.when(t == 0)
    def _():
        h_s[...] = jnp.zeros(h_s.shape, jnp.float32)
        c_s[...] = jnp.zeros(c_s.shape, jnp.float32)

    h = h_s[...]
    c = c_s[...]
    for u in range(_UNROLL):
        ewx = _dot(ewq_ref[...], selx_ref[u])
        xts = msg_ref[u] * ewx
        g_i = _dot(xts, wih[0][...]) + _dot(h, whh[0][...]) + bias[0][...]
        g_f = _dot(xts, wih[1][...]) + _dot(h, whh[1][...]) + bias[1][...]
        g_g = _dot(xts, wih[2][...]) + _dot(h, whh[2][...]) + bias[2][...]
        g_o = _dot(xts, wih[3][...]) + _dot(h, whh[3][...]) + bias[3][...]
        i = 0.5 * jnp.tanh(g_i) + 0.5
        f = 0.5 * jnp.tanh(g_f) + 0.5
        gg = jnp.tanh(g_g)
        o = 0.5 * jnp.tanh(g_o) + 0.5
        c = f * c + i * gg
        h = o * jnp.tanh(c)
    h_s[...] = h
    c_s[...] = c
    return h


def _lstm1_kernel(msg_ref, ewq_ref, selx_ref, feat_ref,
                  wih0, wih1, wih2, wih3, whh0, whh1, whh2, whh3,
                  b0, b1, b2, b3,
                  WsB_ref, WnB_ref, cbB_ref, h1a_ref, h1b_ref, h_s, c_s):
    h = _lstm_steps(msg_ref, ewq_ref, selx_ref, h_s, c_s,
                    (wih0, wih1, wih2, wih3), (whh0, whh1, whh2, whh3),
                    (b0, b1, b2, b3))

    @pl.when(pl.program_id(1) == K // _UNROLL - 1)
    def _():
        out = (_dot(feat_ref[...], WsB_ref[...]) + _dot(h, WnB_ref[...])
               + cbB_ref[...])
        out = _leaky(out)
        h1a_ref[...] = out[:, 0:128]
        h1b_ref[...] = out[:, 128:256]


def _lstm2_kernel(msg_ref, ewq_ref, selx_ref, h1_ref,
                  wih0, wih1, wih2, wih3, whh0, whh1, whh2, whh3,
                  b0, b1, b2, b3,
                  WsB_ref, WnB_ref, cbB_ref, scale_ref, shift_ref,
                  gw4_ref, rep_ref, fold_ref, f1W_ref, f1b_ref,
                  f2W_ref, f2b_ref, out_ref, h_s, c_s):
    h = _lstm_steps(msg_ref, ewq_ref, selx_ref, h_s, c_s,
                    (wih0, wih1, wih2, wih3), (whh0, whh1, whh2, whh3),
                    (b0, b1, b2, b3))

    @pl.when(pl.program_id(1) == K // _UNROLL - 1)
    def _():
        h2p = (_dot(h1_ref[...], WsB_ref[...]) + _dot(h, WnB_ref[...])
               + cbB_ref[...])
        h2p = _leaky(h2p * scale_ref[...] + shift_ref[...])
        l4 = _dot(h2p, gw4_ref[...])
        m = jnp.max(l4)
        e4 = jnp.exp(l4 - m)
        s = jnp.sum(e4)
        erep = _dot(e4, rep_ref[...])
        p80 = jnp.sum(erep * h2p, axis=0, keepdims=True)
        pooled = _dot(p80, fold_ref[...]) / s
        o1 = _leaky(_dot(pooled, f1W_ref[...]) + f1b_ref[...])
        out_ref[...] = _dot(o1, f2W_ref[...]) + f2b_ref[...]



def _np_blockdiag(block, n):
    r, c = block.shape
    out = np.zeros((n * r, n * c), np.float32)
    for j in range(n):
        out[j * r:(j + 1) * r, j * c:(j + 1) * c] = block
    return out


def _jnp_blockdiag(block, n):
    r, c = block.shape
    out = jnp.zeros((n * r, n * c), jnp.float32)
    for j in range(n):
        out = out.at[j * r:(j + 1) * r, j * c:(j + 1) * c].set(block)
    return out


@functools.lru_cache()
def _sel_const(npk, GW):
    sel = np.zeros((K, npk * K, npk * GW), np.float32)
    for t in range(K):
        for j in range(npk):
            sel[t, j * K + t, j * GW:(j + 1) * GW] = 1.0
    return sel



def kernel(x, dis, spec, edge_src, params):
    p = params
    x2d = x.reshape(N, CN)
    dis2d = dis.reshape(E // 128, 128)
    spec2d = spec.reshape(E // 128, 128)

    feat_pad, ew2d = pl.pallas_call(
        _prep_kernel,
        out_shape=(jax.ShapeDtypeStruct((N, 16), jnp.float32),
                   jax.ShapeDtypeStruct((E // 128, 128), jnp.float32)),
    )(x2d, dis2d, spec2d,
      p['hfc_W'], p['hfc_b'].reshape(1, CN), p['attn_W'],
      p['wfc_W'], p['wfc_b'].reshape(100, 1), p['wfc1_W'],
      p['wfc1_b'].reshape(1, 1))

    info = plsc.get_sparse_core_info()
    nw = info.num_cores * info.num_subcores
    idx_t = edge_src.reshape(N, K).T.reshape(nw, E // nw)

    msg1 = _sc_gather(feat_pad, idx_t, 16)
    msg1p = msg1.reshape(K, N * 16 // 128, 128)

    bsum1 = p['l1_bih'] + p['l1_bhh']
    wihB1, whhB1, bB1 = [], [], []
    for gi in range(4):
        sc = 1.0 if gi == 2 else 0.5
        wg = jnp.pad(p['l1_Wih'][gi * CN:(gi + 1) * CN, :].T * sc,
                     ((0, 10), (0, 2)))
        hg = jnp.pad(p['l1_Whh'][gi * CN:(gi + 1) * CN, :].T * sc,
                     ((0, 2), (0, 2)))
        bg = jnp.pad(bsum1[gi * CN:(gi + 1) * CN] * sc, (0, 2)).reshape(1, 8)
        wihB1.append(_jnp_blockdiag(wg, 8))
        whhB1.append(_jnp_blockdiag(hg, 8))
        bB1.append(jnp.tile(bg, (1, 8)))
    selx1 = jnp.asarray(_sel_const(8, 16))
    ws1g = jnp.zeros((16, 32), jnp.float32).at[0:CN, :].set(p['c1_Ws'].T)
    wn1g = jnp.zeros((8, 32), jnp.float32).at[0:CN, :].set(p['c1_Wn'].T)
    WsB1 = _jnp_blockdiag(ws1g, 8)
    WnB1 = _jnp_blockdiag(wn1g, 8)
    cbB1 = jnp.tile(p['c1_b'].reshape(1, 32), (1, 8))
    ew8 = ew2d.reshape(N * K // 256, 256)

    def full(shape):
        return pl.BlockSpec(shape, lambda i, t: tuple(0 for _ in shape))

    h1a, h1b = pl.pallas_call(
        _lstm1_kernel,
        grid=(1, K // _UNROLL),
        in_specs=[
            pl.BlockSpec((_UNROLL, 1250, 128), lambda i, t: (t, i, 0)),
            pl.BlockSpec((1250, 256), lambda i, t: (i, 0)),
            pl.BlockSpec((_UNROLL, 256, 128), lambda i, t: (t, 0, 0)),
            pl.BlockSpec((1250, 128), lambda i, t: (i, 0)),
            *[full((128, 64))] * 4, *[full((64, 64))] * 4, *[full((1, 64))] * 4,
            full((128, 256)), full((64, 256)), full((1, 256)),
        ],
        out_specs=[pl.BlockSpec((1250, 128), lambda i, t: (i, 0)),
                   pl.BlockSpec((1250, 128), lambda i, t: (i, 0))],
        out_shape=[jax.ShapeDtypeStruct((1250, 128), jnp.float32),
                   jax.ShapeDtypeStruct((1250, 128), jnp.float32)],
        scratch_shapes=[pltpu.VMEM((1250, 64), jnp.float32),
                        pltpu.VMEM((1250, 64), jnp.float32)],
    )(msg1p, ew8, selx1, feat_pad.reshape(1250, 128),
      *wihB1, *whhB1, *bB1, WsB1, WnB1, cbB1)

    h1p = jnp.stack([h1a, h1b], axis=1).reshape(2500, 128)
    h1_table = h1p.reshape(N, 32)

    msg2 = _sc_gather(h1_table, idx_t, 32)
    msg2p = msg2.reshape(K, N * 32 // 128, 128)

    bsum2 = p['l2_bih'] + p['l2_bhh']
    wihB2, whhB2, bB2 = [], [], []
    for gi in range(4):
        sc = 1.0 if gi == 2 else 0.5
        wihB2.append(_jnp_blockdiag(p['l2_Wih'][gi * 32:(gi + 1) * 32, :].T * sc, 4))
        whhB2.append(_jnp_blockdiag(p['l2_Whh'][gi * 32:(gi + 1) * 32, :].T * sc, 4))
        bB2.append(jnp.tile(bsum2[gi * 32:(gi + 1) * 32].reshape(1, 32) * sc, (1, 4)))
    selx2 = jnp.asarray(_sel_const(4, 32))
    WsB2 = _jnp_blockdiag(p['c2_Ws'].T, 4)
    WnB2 = _jnp_blockdiag(p['c2_Wn'].T, 4)
    cbB2 = jnp.tile(p['c2_b'].reshape(1, 20), (1, 4))
    scale20 = p['bn_g'] * lax.rsqrt(p['bn_rv'] + 1e-5)
    shift20 = p['bn_b'] - p['bn_rm'] * scale20
    scaleB = jnp.tile(scale20.reshape(1, 20), (1, 4))
    shiftB = jnp.tile(shift20.reshape(1, 20), (1, 4))
    gw4 = _jnp_blockdiag(p['gate_W'].T, 4)
    rep = jnp.asarray(_np_blockdiag(np.ones((1, 20), np.float32), 4))
    fold = jnp.asarray(np.tile(np.eye(20, dtype=np.float32), (4, 1)))

    out = pl.pallas_call(
        _lstm2_kernel,
        grid=(1, K // _UNROLL),
        in_specs=[
            pl.BlockSpec((_UNROLL, 2500, 128), lambda i, t: (t, i, 0)),
            pl.BlockSpec((2500, 128), lambda i, t: (i, 0)),
            pl.BlockSpec((_UNROLL, 128, 128), lambda i, t: (t, 0, 0)),
            pl.BlockSpec((2500, 128), lambda i, t: (i, 0)),
            *[full((128, 128))] * 8, *[full((1, 128))] * 4,
            full((128, 80)), full((128, 80)), full((1, 80)),
            full((1, 80)), full((1, 80)),
            full((80, 4)), full((4, 80)), full((80, 20)),
            full((20, 10)), full((1, 10)), full((10, 2)), full((1, 2)),
        ],
        out_specs=pl.BlockSpec((1, 2), lambda i, t: (0, 0)),
        out_shape=jax.ShapeDtypeStruct((1, 2), jnp.float32),
        scratch_shapes=[pltpu.VMEM((2500, 128), jnp.float32),
                        pltpu.VMEM((2500, 128), jnp.float32)],
    )(msg2p, ew2d, selx2, h1p,
      *wihB2, *whhB2, *bB2, WsB2, WnB2, cbB2, scaleB, shiftB,
      gw4, rep, fold, p['fc1_W'].T, p['fc1_b'].reshape(1, 10),
      p['fc2_W'].T, p['fc2_b'].reshape(1, 2))

    return out

# --- scband reference (transcript-rebuilt; emitter-appended) ---
"""Pipeline reference for scband-mcanet-61357902790897 (READ-ONLY COPY).

The authoritative reference and input builder live on the scoring server;
editing this copy changes nothing except your own understanding.
"""

import jax, jax.numpy as jnp
import numpy as np

N = 10000
K = 32
CN = 6

def _init(key, shape, scale=0.1):
    return scale * jax.random.normal(key, shape, dtype=jnp.float32)

def setup_inputs(seed: int = 0):
    key = jax.random.key(seed)
    ks = jax.random.split(key, 40)
    E = N * K
    x = jax.random.normal(ks[0], (N, CN, 1), dtype=jnp.float32)
    edge_src = jax.random.randint(ks[1], (E,), 0, N, dtype=jnp.int32)
    dis = jax.random.normal(ks[2], (E,), dtype=jnp.float32)
    spec = jax.random.normal(ks[3], (E,), dtype=jnp.float32)
    params = {
        'hfc_W': _init(ks[4], (CN, CN)),
        'hfc_b': _init(ks[5], (CN,)),
        'attn_W': _init(ks[6], (1, 2 * CN)),
        'wfc_W': _init(ks[7], (100, 2)),
        'wfc_b': _init(ks[8], (100,)),
        'wfc1_W': _init(ks[9], (1, 100)),
        'wfc1_b': _init(ks[10], (1,)),
        'l1_Wih': _init(ks[11], (24, 6)),
        'l1_Whh': _init(ks[12], (24, 6)),
        'l1_bih': _init(ks[13], (24,)),
        'l1_bhh': _init(ks[14], (24,)),
        'c1_Ws': _init(ks[15], (32, 6)),
        'c1_Wn': _init(ks[16], (32, 6)),
        'c1_b': _init(ks[17], (32,)),
        'l2_Wih': _init(ks[18], (128, 32)),
        'l2_Whh': _init(ks[19], (128, 32)),
        'l2_bih': _init(ks[20], (128,)),
        'l2_bhh': _init(ks[21], (128,)),
        'c2_Ws': _init(ks[22], (20, 32)),
        'c2_Wn': _init(ks[23], (20, 32)),
        'c2_b': _init(ks[24], (20,)),
        'bn_g': jnp.ones((20,), jnp.float32),
        'bn_b': jnp.zeros((20,), jnp.float32),
        'bn_rm': jnp.zeros((20,), jnp.float32),
        'bn_rv': jnp.ones((20,), jnp.float32),
        'gate_W': _init(ks[25], (1, 20)),
        'gate_b': _init(ks[26], (1,)),
        'fc1_W': _init(ks[27], (10, 20)),
        'fc1_b': _init(ks[28], (10,)),
        'fc2_W': _init(ks[29], (2, 10)),
        'fc2_b': _init(ks[30], (2,)),
    }
    return {'x': x, 'dis': dis, 'spec': spec, 'edge_src': edge_src, 'params': params}

def _lstm_agg(m, Wih, Whh, bih, bhh):
    n, k, d = m.shape
    def step(carry, xt):
        h, c = carry
        g = xt @ Wih.T + bih + h @ Whh.T + bhh
        i, f, gg, o = jnp.split(g, 4, axis=-1)
        i = jax.nn.sigmoid(i)
        f = jax.nn.sigmoid(f)
        gg = jnp.tanh(gg)
        o = jax.nn.sigmoid(o)
        c2 = f * c + i * gg
        h2 = o * jnp.tanh(c2)
        return (h2, c2), None
    init = (jnp.zeros((n, d), m.dtype), jnp.zeros((n, d), m.dtype))
    (hN, _), _ = jax.lax.scan(step, init, jnp.transpose(m, (1, 0, 2)))
    return hN

def _sage(feat, edge_src, ew, Wih, Whh, bih, bhh, Ws, Wn, b, n, k):
    msg = feat[edge_src] * ew[:, None]
    m = msg.reshape(n, k, feat.shape[1])
    h_neigh = _lstm_agg(m, Wih, Whh, bih, bhh)
    return feat @ Ws.T + h_neigh @ Wn.T + b

def _forward(x, dis, spec, params, edge_src):
    p = params
    n = x.shape[0]
    cn = x.shape[1]
    k = edge_src.shape[0] // n
    h = x.reshape(n, -1)
    z = h @ p['hfc_W'].T + p['hfc_b']
    h_z = jnp.tile(z, (1, cn)).reshape(n, cn, -1)
    z_r = jnp.tile(z.reshape(n, cn, 1), (1, 1, cn))
    h_z2 = jnp.concatenate([h_z, z_r], axis=2).reshape(-1, 2 * cn)
    a = jax.nn.leaky_relu(h_z2 @ p['attn_W'].T).reshape(n, cn)
    alpha = jax.nn.softmax(a, axis=1)
    feat = alpha * z
    dw = jnp.stack([dis, spec], axis=1)
    ew = ((dw @ p['wfc_W'].T + p['wfc_b']) @ p['wfc1_W'].T + p['wfc1_b']).reshape(-1)
    h1 = jax.nn.leaky_relu(_sage(feat, edge_src, ew, p['l1_Wih'], p['l1_Whh'], p['l1_bih'], p['l1_bhh'], p['c1_Ws'], p['c1_Wn'], p['c1_b'], n, k))
    h2 = _sage(h1, edge_src, ew, p['l2_Wih'], p['l2_Whh'], p['l2_bih'], p['l2_bhh'], p['c2_Ws'], p['c2_Wn'], p['c2_b'], n, k)
    h2 = jax.nn.leaky_relu(p['bn_g'] * (h2 - p['bn_rm']) / jnp.sqrt(p['bn_rv'] + 1e-5) + p['bn_b'])
    gate = jax.nn.softmax(h2 @ p['gate_W'].T + p['gate_b'], axis=0)
    out = jnp.sum(gate * h2, axis=0, keepdims=True)
    out = jax.nn.leaky_relu(out @ p['fc1_W'].T + p['fc1_b'])
    out = out @ p['fc2_W'].T + p['fc2_b']
    return out

def reference(x, dis, spec, edge_src, params):
    return _forward(x, dis, spec, params, edge_src)

if __name__ == "__main__":
    import jax
    _d = setup_inputs()
    print(jax.jit(kernel)(*tuple(_d.values())))

</pallas_src>

<mosaic_0001>
#map = affine_map<(d0, d1) -> (0, 0)>
module attributes {stable_mosaic.version = 14 : i64} {
  func.func @k(%arg0: i32, %arg1: i32, %arg2: memref<10000x16xf32, #tpu.memory_space<hbm>>, %arg3: memref<32x10000xi32, #tpu.memory_space<hbm>>, %arg4: memref<320000x16xf32, #tpu.memory_space<hbm>>, %arg5: memref<10000xi32, #tpu.memory_space<vmem>>, %arg6: memref<1664x16xf32, #tpu.memory_space<vmem>>, %arg7: memref<!tpu.dma_semaphore, #tpu.memory_space<semaphore_mem>>) attributes {dimension_semantics = [#tpu.dimension_semantics<core_parallel>, #tpu.dimension_semantics<subcore_parallel>], iteration_bounds = array<i64: 2, 16>, scalar_prefetch = 0 : i64, scratch_operands = 3 : i64, tpu.core_type = #tpu.core_type<sc_vector_subcore>, window_params = [{transform_indices = #map}, {transform_indices = #map}, {transform_indices = #map}]} {
    %mul3A = arith.constant 2 : i32
    %mul3A_0 = arith.muli %arg1, %mul3A : i32
    %add3A = arith.addi %mul3A_0, %arg0 : i32
    %mul3A_1 = arith.constant 10000 : i32
    %mul3A_2 = arith.muli %add3A, %mul3A_1 : i32
    "tpu.region"() ({
      %run_scoped3A = tpu.sem_alloc : memref<!tpu.dma_semaphore, #tpu.memory_space<semaphore_mem>>
      %dma_start3A_24 = arith.constant 0 : i32
      %dma_start3A_25 = tpu.memref_slice %arg3[%add3A, %dma_start3A_24] : memref<32x10000xi32, #tpu.memory_space<hbm>> -> memref<1x10000xi32, #tpu.memory_space<hbm>>
      %dma_start3A_26 = tpu.memref_squeeze %dma_start3A_25 : memref<1x10000xi32, #tpu.memory_space<hbm>> -> memref<10000xi32, #tpu.memory_space<hbm>>
      %dma_start3A_27 = arith.constant 0 : i32
      %dma_start3A_28 = tpu.memref_slice %arg3[%add3A, %dma_start3A_27] : memref<32x10000xi32, #tpu.memory_space<hbm>> -> memref<1x10000xi32, #tpu.memory_space<hbm>>
      %dma_start3A_29 = tpu.memref_squeeze %dma_start3A_28 : memref<1x10000xi32, #tpu.memory_space<hbm>> -> memref<10000xi32, #tpu.memory_space<hbm>>
      tpu.enqueue_dma source(%dma_start3A_29 : memref<10000xi32, #tpu.memory_space<hbm>>) target(%arg5 : memref<10000xi32, #tpu.memory_space<vmem>>) target_semaphore(%run_scoped3A : memref<!tpu.dma_semaphore, #tpu.memory_space<semaphore_mem>>)
      %dma_wait3A_30 = arith.constant 0 : i32
      %dma_wait3A_31 = tpu.memref_slice %arg3[%add3A, %dma_wait3A_30] : memref<32x10000xi32, #tpu.memory_space<hbm>> -> memref<1x10000xi32, #tpu.memory_space<hbm>>
      %dma_wait3A_32 = tpu.memref_squeeze %dma_wait3A_31 : memref<1x10000xi32, #tpu.memory_space<hbm>> -> memref<10000xi32, #tpu.memory_space<hbm>>
      %dma_wait3A_33 = arith.constant 0 : i32
      %dma_wait3A_34 = tpu.memref_slice %arg3[%add3A, %dma_wait3A_33] : memref<32x10000xi32, #tpu.memory_space<hbm>> -> memref<1x10000xi32, #tpu.memory_space<hbm>>
      %dma_wait3A_35 = tpu.memref_squeeze %dma_wait3A_34 : memref<1x10000xi32, #tpu.memory_space<hbm>> -> memref<10000xi32, #tpu.memory_space<hbm>>
      tpu.wait_dma2 semaphore(%run_scoped3A : memref<!tpu.dma_semaphore, #tpu.memory_space<semaphore_mem>>) src(%dma_wait3A_35 : memref<10000xi32, #tpu.memory_space<hbm>>) dst(%arg5 : memref<10000xi32, #tpu.memory_space<vmem>>)
      tpu.yield
    }) : () -> ()
    %scan3A = arith.constant 0 : i32
    %scan3A_3 = arith.constant 0 : i32
    %scan3A_4 = arith.constant 6 : i32
    %scan3A_5 = arith.addi %scan3A_3, %scan3A_4 : i32
    %scan3A_6 = arith.constant 1 : i32
    scf.for %scan3A_24 = %scan3A_3 to %scan3A_5 step %scan3A_6  : i32 {
      %mul3A_25 = arith.constant 13 : i32
      %mul3A_26 = arith.muli %scan3A_24, %mul3A_25 : i32
      %add3A_27 = arith.constant 0 : i32
      %add3A_28 = arith.addi %mul3A_26, %add3A_27 : i32
      %mul3A_29 = arith.constant 128 : i32
      %mul3A_30 = arith.muli %add3A_28, %mul3A_29 : i32
      %dma_start3A_31 = arith.constant 0 : i32
      %dma_start3A_32 = arith.constant 0 : i32
      %dma_start3A_33 = tpu.memref_slice %arg6[%dma_start3A_31, %dma_start3A_32] : memref<1664x16xf32, #tpu.memory_space<vmem>> -> memref<128x16xf32, #tpu.memory_space<vmem>>
      %dma_start3A_34 = tpu.memref_slice %arg5[%mul3A_30] : memref<10000xi32, #tpu.memory_space<vmem>> -> memref<128xi32, #tpu.memory_space<vmem>>
      %dma_start3A_35 = arith.constant 0 : i32
      %dma_start3A_36 = arith.constant 0 : i32
      %dma_start3A_37 = tpu.memref_slice %arg2[%dma_start3A_35, %dma_start3A_36] : memref<10000x16xf32, #tpu.memory_space<hbm>> -> memref<10000x16xf32, #tpu.memory_space<hbm>>
      tpu.enqueue_indirect_dma source(%dma_start3A_37 : memref<10000x16xf32, #tpu.memory_space<hbm>>) target(%dma_start3A_33 : memref<128x16xf32, #tpu.memory_space<vmem>>) offsets(%dma_start3A_34 : memref<128xi32, #tpu.memory_space<vmem>>) semaphore(%arg7 : memref<!tpu.dma_semaphore, #tpu.memory_space<semaphore_mem>>)
      %mul3A_38 = arith.constant 13 : i32
      %mul3A_39 = arith.muli %scan3A_24, %mul3A_38 : i32
      %add3A_40 = arith.constant 1 : i32
      %add3A_41 = arith.addi %mul3A_39, %add3A_40 : i32
      %mul3A_42 = arith.constant 128 : i32
      %mul3A_43 = arith.muli %add3A_41, %mul3A_42 : i32
      %dma_start3A_44 = arith.constant 128 : i32
      %dma_start3A_45 = arith.constant 0 : i32
      %dma_start3A_46 = tpu.memref_slice %arg6[%dma_start3A_44, %dma_start3A_45] : memref<1664x16xf32, #tpu.memory_space<vmem>> -> memref<128x16xf32, #tpu.memory_space<vmem>>
      %dma_start3A_47 = tpu.memref_slice %arg5[%mul3A_43] : memref<10000xi32, #tpu.memory_space<vmem>> -> memref<128xi32, #tpu.memory_space<vmem>>
      %dma_start3A_48 = arith.constant 0 : i32
      %dma_start3A_49 = arith.constant 0 : i32
      %dma_start3A_50 = tpu.memref_slice %arg2[%dma_start3A_48, %dma_start3A_49] : memref<10000x16xf32, #tpu.memory_space<hbm>> -> memref<10000x16xf32, #tpu.memory_space<hbm>>
      tpu.enqueue_indirect_dma source(%dma_start3A_50 : memref<10000x16xf32, #tpu.memory_space<hbm>>) target(%dma_start3A_46 : memref<128x16xf32, #tpu.memory_space<vmem>>) offsets(%dma_start3A_47 : memref<128xi32, #tpu.memory_space<vmem>>) semaphore(%arg7 : memref<!tpu.dma_semaphore, #tpu.memory_space<semaphore_mem>>)
      %mul3A_51 = arith.constant 13 : i32
      %mul3A_52 = arith.muli %scan3A_24, %mul3A_51 : i32
      %add3A_53 = arith.constant 2 : i32
      %add3A_54 = arith.addi %mul3A_52, %add3A_53 : i32
      %mul3A_55 = arith.constant 128 : i32
      %mul3A_56 = arith.muli %add3A_54, %mul3A_55 : i32
      %dma_start3A_57 = arith.constant 256 : i32
      %dma_start3A_58 = arith.constant 0 : i32
      %dma_start3A_59 = tpu.memref_slice %arg6[%dma_start3A_57, %dma_start3A_58] : memref<1664x16xf32, #tpu.memory_space<vmem>> -> memref<128x16xf32, #tpu.memory_space<vmem>>
      %dma_start3A_60 = tpu.memref_slice %arg5[%mul3A_56] : memref<10000xi32, #tpu.memory_space<vmem>> -> memref<128xi32, #tpu.memory_space<vmem>>
      %dma_start3A_61 = arith.constant 0 : i32
      %dma_start3A_62 = arith.constant 0 : i32
      %dma_start3A_63 = tpu.memref_slice %arg2[%dma_start3A_61, %dma_start3A_62] : memref<10000x16xf32, #tpu.memory_space<hbm>> -> memref<10000x16xf32, #tpu.memory_space<hbm>>
      tpu.enqueue_indirect_dma source(%dma_start3A_63 : memref<10000x16xf32, #tpu.memory_space<hbm>>) target(%dma_start3A_59 : memref<128x16xf32, #tpu.memory_space<vmem>>) offsets(%dma_start3A_60 : memref<128xi32, #tpu.memory_space<vmem>>) semaphore(%arg7 : memref<!tpu.dma_semaphore, #tpu.memory_space<semaphore_mem>>)
      %mul3A_64 = arith.constant 13 : i32
      %mul3A_65 = arith.muli %scan3A_24, %mul3A_64 : i32
      %add3A_66 = arith.constant 3 : i32
      %add3A_67 = arith.addi %mul3A_65, %add3A_66 : i32
      %mul3A_68 = arith.constant 128 : i32
      %mul3A_69 = arith.muli %add3A_67, %mul3A_68 : i32
      %dma_start3A_70 = arith.constant 384 : i32
      %dma_start3A_71 = arith.constant 0 : i32
      %dma_start3A_72 = tpu.memref_slice %arg6[%dma_start3A_70, %dma_start3A_71] : memref<1664x16xf32, #tpu.memory_space<vmem>> -> memref<128x16xf32, #tpu.memory_space<vmem>>
      %dma_start3A_73 = tpu.memref_slice %arg5[%mul3A_69] : memref<10000xi32, #tpu.memory_space<vmem>> -> memref<128xi32, #tpu.memory_space<vmem>>
      %dma_start3A_74 = arith.constant 0 : i32
      %dma_start3A_75 = arith.constant 0 : i32
      %dma_start3A_76 = tpu.memref_slice %arg2[%dma_start3A_74, %dma_start3A_75] : memref<10000x16xf32, #tpu.memory_space<hbm>> -> memref<10000x16xf32, #tpu.memory_space<hbm>>
      tpu.enqueue_indirect_dma source(%dma_start3A_76 : memref<10000x16xf32, #tpu.memory_space<hbm>>) target(%dma_start3A_72 : memref<128x16xf32, #tpu.memory_space<vmem>>) offsets(%dma_start3A_73 : memref<128xi32, #tpu.memory_space<vmem>>) semaphore(%arg7 : memref<!tpu.dma_semaphore, #tpu.memory_space<semaphore_mem>>)
      %mul3A_77 = arith.constant 13 : i32
      %mul3A_78 = arith.muli %scan3A_24, %mul3A_77 : i32
      %add3A_79 = arith.constant 4 : i32
      %add3A_80 = arith.addi %mul3A_78, %add3A_79 : i32
      %mul3A_81 = arith.constant 128 : i32
      %mul3A_82 = arith.muli %add3A_80, %mul3A_81 : i32
      %dma_start3A_83 = arith.constant 512 : i32
      %dma_start3A_84 = arith.constant 0 : i32
      %dma_start3A_85 = tpu.memref_slice %arg6[%dma_start3A_83, %dma_start3A_84] : memref<1664x16xf32, #tpu.memory_space<vmem>> -> memref<128x16xf32, #tpu.memory_space<vmem>>
      %dma_start3A_86 = tpu.memref_slice %arg5[%mul3A_82] : memref<10000xi32, #tpu.memory_space<vmem>> -> memref<128xi32, #tpu.memory_space<vmem>>
      %dma_start3A_87 = arith.constant 0 : i32
      %dma_start3A_88 = arith.constant 0 : i32
      %dma_start3A_89 = tpu.memref_slice %arg2[%dma_start3A_87, %dma_start3A_88] : memref<10000x16xf32, #tpu.memory_space<hbm>> -> memref<10000x16xf32, #tpu.memory_space<hbm>>
      tpu.enqueue_indirect_dma source(%dma_start3A_89 : memref<10000x16xf32, #tpu.memory_space<hbm>>) target(%dma_start3A_85 : memref<128x16xf32, #tpu.memory_space<vmem>>) offsets(%dma_start3A_86 : memref<128xi32, #tpu.memory_space<vmem>>) semaphore(%arg7 : memref<!tpu.dma_semaphore, #tpu.memory_space<semaphore_mem>>)
      %mul3A_90 = arith.constant 13 : i32
      %mul3A_91 = arith.muli %scan3A_24, %mul3A_90 : i32
      %add3A_92 = arith.constant 5 : i32
      %add3A_93 = arith.addi %mul3A_91, %add3A_92 : i32
      %mul3A_94 = arith.constant 128 : i32
      %mul3A_95 = arith.muli %add3A_93, %mul3A_94 : i32
      %dma_start3A_96 = arith.constant 640 : i32
      %dma_start3A_97 = arith.constant 0 : i32
      %dma_start3A_98 = tpu.memref_slice %arg6[%dma_start3A_96, %dma_start3A_97] : memref<1664x16xf32, #tpu.memory_space<vmem>> -> memref<128x16xf32, #tpu.memory_space<vmem>>
      %dma_start3A_99 = tpu.memref_slice %arg5[%mul3A_95] : memref<10000xi32, #tpu.memory_space<vmem>> -> memref<128xi32, #tpu.memory_space<vmem>>
      %dma_start3A_100 = arith.constant 0 : i32
      %dma_start3A_101 = arith.constant 0 : i32
      %dma_start3A_102 = tpu.memref_slice %arg2[%dma_start3A_100, %dma_start3A_101] : memref<10000x16xf32, #tpu.memory_space<hbm>> -> memref<10000x16xf32, #tpu.memory_space<hbm>>
      tpu.enqueue_indirect_dma source(%dma_start3A_102 : memref<10000x16xf32, #tpu.memory_space<hbm>>) target(%dma_start3A_98 : memref<128x16xf32, #tpu.memory_space<vmem>>) offsets(%dma_start3A_99 : memref<128xi32, #tpu.memory_space<vmem>>) semaphore(%arg7 : memref<!tpu.dma_semaphore, #tpu.memory_space<semaphore_mem>>)
      %mul3A_103 = arith.constant 13 : i32
      %mul3A_104 = arith.muli %scan3A_24, %mul3A_103 : i32
      %add3A_105 = arith.constant 6 : i32
      %add3A_106 = arith.addi %mul3A_104, %add3A_105 : i32
      %mul3A_107 = arith.constant 128 : i32
      %mul3A_108 = arith.muli %add3A_106, %mul3A_107 : i32
      %dma_start3A_109 = arith.constant 768 : i32
      %dma_start3A_110 = arith.constant 0 : i32
      %dma_start3A_111 = tpu.memref_slice %arg6[%dma_start3A_109, %dma_start3A_110] : memref<1664x16xf32, #tpu.memory_space<vmem>> -> memref<128x16xf32, #tpu.memory_space<vmem>>
      %dma_start3A_112 = tpu.memref_slice %arg5[%mul3A_108] : memref<10000xi32, #tpu.memory_space<vmem>> -> memref<128xi32, #tpu.memory_space<vmem>>
      %dma_start3A_113 = arith.constant 0 : i32
      %dma_start3A_114 = arith.constant 0 : i32
      %dma_start3A_115 = tpu.memref_slice %arg2[%dma_start3A_113, %dma_start3A_114] : memref<10000x16xf32, #tpu.memory_space<hbm>> -> memref<10000x16xf32, #tpu.memory_space<hbm>>
      tpu.enqueue_indirect_dma source(%dma_start3A_115 : memref<10000x16xf32, #tpu.memory_space<hbm>>) target(%dma_start3A_111 : memref<128x16xf32, #tpu.memory_space<vmem>>) offsets(%dma_start3A_112 : memref<128xi32, #tpu.memory_space<vmem>>) semaphore(%arg7 : memref<!tpu.dma_semaphore, #tpu.memory_space<semaphore_mem>>)
      %mul3A_116 = arith.constant 13 : i32
      %mul3A_117 = arith.muli %scan3A_24, %mul3A_116 : i32
      %add3A_118 = arith.constant 7 : i32
      %add3A_119 = arith.addi %mul3A_117, %add3A_118 : i32
      %mul3A_120 = arith.constant 128 : i32
      %mul3A_121 = arith.muli %add3A_119, %mul3A_120 : i32
      %dma_start3A_122 = arith.constant 896 : i32
      %dma_start3A_123 = arith.constant 0 : i32
      %dma_start3A_124 = tpu.memref_slice %arg6[%dma_start3A_122, %dma_start3A_123] : memref<1664x16xf32, #tpu.memory_space<vmem>> -> memref<128x16xf32, #tpu.memory_space<vmem>>
      %dma_start3A_125 = tpu.memref_slice %arg5[%mul3A_121] : memref<10000xi32, #tpu.memory_space<vmem>> -> memref<128xi32, #tpu.memory_space<vmem>>
      %dma_start3A_126 = arith.constant 0 : i32
      %dma_start3A_127 = arith.constant 0 : i32
      %dma_start3A_128 = tpu.memref_slice %arg2[%dma_start3A_126, %dma_start3A_127] : memref<10000x16xf32, #tpu.memory_space<hbm>> -> memref<10000x16xf32, #tpu.memory_space<hbm>>
      tpu.enqueue_indirect_dma source(%dma_start3A_128 : memref<10000x16xf32, #tpu.memory_space<hbm>>) target(%dma_start3A_124 : memref<128x16xf32, #tpu.memory_space<vmem>>) offsets(%dma_start3A_125 : memref<128xi32, #tpu.memory_space<vmem>>) semaphore(%arg7 : memref<!tpu.dma_semaphore, #tpu.memory_space<semaphore_mem>>)
      %mul3A_129 = arith.constant 13 : i32
      %mul3A_130 = arith.muli %scan3A_24, %mul3A_129 : i32
      %add3A_131 = arith.constant 8 : i32
      %add3A_132 = arith.addi %mul3A_130, %add3A_131 : i32
      %mul3A_133 = arith.constant 128 : i32
      %mul3A_134 = arith.muli %add3A_132, %mul3A_133 : i32
      %dma_start3A_135 = arith.constant 1024 : i32
      %dma_start3A_136 = arith.constant 0 : i32
      %dma_start3A_137 = tpu.memref_slice %arg6[%dma_start3A_135, %dma_start3A_136] : memref<1664x16xf32, #tpu.memory_space<vmem>> -> memref<128x16xf32, #tpu.memory_space<vmem>>
      %dma_start3A_138 = tpu.memref_slice %arg5[%mul3A_134] : memref<10000xi32, #tpu.memory_space<vmem>> -> memref<128xi32, #tpu.memory_space<vmem>>
      %dma_start3A_139 = arith.constant 0 : i32
      %dma_start3A_140 = arith.constant 0 : i32
      %dma_start3A_141 = tpu.memref_slice %arg2[%dma_start3A_139, %dma_start3A_140] : memref<10000x16xf32, #tpu.memory_space<hbm>> -> memref<10000x16xf32, #tpu.memory_space<hbm>>
      tpu.enqueue_indirect_dma source(%dma_start3A_141 : memref<10000x16xf32, #tpu.memory_space<hbm>>) target(%dma_start3A_137 : memref<128x16xf32, #tpu.memory_space<vmem>>) offsets(%dma_start3A_138 : memref<128xi32, #tpu.memory_space<vmem>>) semaphore(%arg7 : memref<!tpu.dma_semaphore, #tpu.memory_space<semaphore_mem>>)
      %mul3A_142 = arith.constant 13 : i32
      %mul3A_143 = arith.muli %scan3A_24, %mul3A_142 : i32
      %add3A_144 = arith.constant 9 : i32
      %add3A_145 = arith.addi %mul3A_143, %add3A_144 : i32
      %mul3A_146 = arith.constant 128 : i32
      %mul3A_147 = arith.muli %add3A_145, %mul3A_146 : i32
      %dma_start3A_148 = arith.constant 1152 : i32
      %dma_start3A_149 = arith.constant 0 : i32
      %dma_start3A_150 = tpu.memref_slice %arg6[%dma_start3A_148, %dma_start3A_149] : memref<1664x16xf32, #tpu.memory_space<vmem>> -> memref<128x16xf32, #tpu.memory_space<vmem>>
      %dma_start3A_151 = tpu.memref_slice %arg5[%mul3A_147] : memref<10000xi32, #tpu.memory_space<vmem>> -> memref<128xi32, #tpu.memory_space<vmem>>
      %dma_start3A_152 = arith.constant 0 : i32
      %dma_start3A_153 = arith.constant 0 : i32
      %dma_start3A_154 = tpu.memref_slice %arg2[%dma_start3A_152, %dma_start3A_153] : memref<10000x16xf32, #tpu.memory_space<hbm>> -> memref<10000x16xf32, #tpu.memory_space<hbm>>
      tpu.enqueue_indirect_dma source(%dma_start3A_154 : memref<10000x16xf32, #tpu.memory_space<hbm>>) target(%dma_start3A_150 : memref<128x16xf32, #tpu.memory_space<vmem>>) offsets(%dma_start3A_151 : memref<128xi32, #tpu.memory_space<vmem>>) semaphore(%arg7 : memref<!tpu.dma_semaphore, #tpu.memory_space<semaphore_mem>>)
      %mul3A_155 = arith.constant 13 : i32
      %mul3A_156 = arith.muli %scan3A_24, %mul3A_155 : i32
      %add3A_157 = arith.constant 10 : i32
      %add3A_158 = arith.addi %mul3A_156, %add3A_157 : i32
      %mul3A_159 = arith.constant 128 : i32
      %mul3A_160 = arith.muli %add3A_158, %mul3A_159 : i32
      %dma_start3A_161 = arith.constant 1280 : i32
      %dma_start3A_162 = arith.constant 0 : i32
      %dma_start3A_163 = tpu.memref_slice %arg6[%dma_start3A_161, %dma_start3A_162] : memref<1664x16xf32, #tpu.memory_space<vmem>> -> memref<128x16xf32, #tpu.memory_space<vmem>>
      %dma_start3A_164 = tpu.memref_slice %arg5[%mul3A_160] : memref<10000xi32, #tpu.memory_space<vmem>> -> memref<128xi32, #tpu.memory_space<vmem>>
      %dma_start3A_165 = arith.constant 0 : i32
      %dma_start3A_166 = arith.constant 0 : i32
      %dma_start3A_167 = tpu.memref_slice %arg2[%dma_start3A_165, %dma_start3A_166] : memref<10000x16xf32, #tpu.memory_space<hbm>> -> memref<10000x16xf32, #tpu.memory_space<hbm>>
      tpu.enqueue_indirect_dma source(%dma_start3A_167 : memref<10000x16xf32, #tpu.memory_space<hbm>>) target(%dma_start3A_163 : memref<128x16xf32, #tpu.memory_space<vmem>>) offsets(%dma_start3A_164 : memref<128xi32, #tpu.memory_space<vmem>>) semaphore(%arg7 : memref<!tpu.dma_semaphore, #tpu.memory_space<semaphore_mem>>)
      %mul3A_168 = arith.constant 13 : i32
      %mul3A_169 = arith.muli %scan3A_24, %mul3A_168 : i32
      %add3A_170 = arith.constant 11 : i32
      %add3A_171 = arith.addi %mul3A_169, %add3A_170 : i32
      %mul3A_172 = arith.constant 128 : i32
      %mul3A_173 = arith.muli %add3A_171, %mul3A_172 : i32
      %dma_start3A_174 = arith.constant 1408 : i32
      %dma_start3A_175 = arith.constant 0 : i32
      %dma_start3A_176 = tpu.memref_slice %arg6[%dma_start3A_174, %dma_start3A_175] : memref<1664x16xf32, #tpu.memory_space<vmem>> -> memref<128x16xf32, #tpu.memory_space<vmem>>
      %dma_start3A_177 = tpu.memref_slice %arg5[%mul3A_173] : memref<10000xi32, #tpu.memory_space<vmem>> -> memref<128xi32, #tpu.memory_space<vmem>>
      %dma_start3A_178 = arith.constant 0 : i32
      %dma_start3A_179 = arith.constant 0 : i32
      %dma_start3A_180 = tpu.memref_slice %arg2[%dma_start3A_178, %dma_start3A_179] : memref<10000x16xf32, #tpu.memory_space<hbm>> -> memref<10000x16xf32, #tpu.memory_space<hbm>>
      tpu.enqueue_indirect_dma source(%dma_start3A_180 : memref<10000x16xf32, #tpu.memory_space<hbm>>) target(%dma_start3A_176 : memref<128x16xf32, #tpu.memory_space<vmem>>) offsets(%dma_start3A_177 : memref<128xi32, #tpu.memory_space<vmem>>) semaphore(%arg7 : memref<!tpu.dma_semaphore, #tpu.memory_space<semaphore_mem>>)
      %mul3A_181 = arith.constant 13 : i32
      %mul3A_182 = arith.muli %scan3A_24, %mul3A_181 : i32
      %add3A_183 = arith.constant 12 : i32
      %add3A_184 = arith.addi %mul3A_182, %add3A_183 : i32
      %mul3A_185 = arith.constant 128 : i32
      %mul3A_186 = arith.muli %add3A_184, %mul3A_185 : i32
      %dma_start3A_187 = arith.constant 1536 : i32
      %dma_start3A_188 = arith.constant 0 : i32
      %dma_start3A_189 = tpu.memref_slice %arg6[%dma_start3A_187, %dma_start3A_188] : memref<1664x16xf32, #tpu.memory_space<vmem>> -> memref<128x16xf32, #tpu.memory_space<vmem>>
      %dma_start3A_190 = tpu.memref_slice %arg5[%mul3A_186] : memref<10000xi32, #tpu.memory_space<vmem>> -> memref<128xi32, #tpu.memory_space<vmem>>
      %dma_start3A_191 = arith.constant 0 : i32
      %dma_start3A_192 = arith.constant 0 : i32
      %dma_start3A_193 = tpu.memref_slice %arg2[%dma_start3A_191, %dma_start3A_192] : memref<10000x16xf32, #tpu.memory_space<hbm>> -> memref<10000x16xf32, #tpu.memory_space<hbm>>
      tpu.enqueue_indirect_dma source(%dma_start3A_193 : memref<10000x16xf32, #tpu.memory_space<hbm>>) target(%dma_start3A_189 : memref<128x16xf32, #tpu.memory_space<vmem>>) offsets(%dma_start3A_190 : memref<128xi32, #tpu.memory_space<vmem>>) semaphore(%arg7 : memref<!tpu.dma_semaphore, #tpu.memory_space<semaphore_mem>>)
      %dma_wait3A_194 = arith.constant 0 : i32
      %dma_wait3A_195 = arith.constant 0 : i32
      %dma_wait3A_196 = tpu.memref_slice %arg6[%dma_wait3A_194, %dma_wait3A_195] : memref<1664x16xf32, #tpu.memory_space<vmem>> -> memref<128x16xf32, #tpu.memory_space<vmem>>
      %dma_wait3A_197 = tpu.memref_slice %arg5[%mul3A_30] : memref<10000xi32, #tpu.memory_space<vmem>> -> memref<128xi32, #tpu.memory_space<vmem>>
      %dma_wait3A_198 = arith.constant 0 : i32
      %dma_wait3A_199 = arith.constant 0 : i32
      %dma_wait3A_200 = tpu.memref_slice %arg2[%dma_wait3A_198, %dma_wait3A_199] : memref<10000x16xf32, #tpu.memory_space<hbm>> -> memref<10000x16xf32, #tpu.memory_space<hbm>>
      tpu.wait_indirect_dma semaphore(%arg7 : memref<!tpu.dma_semaphore, #tpu.memory_space<semaphore_mem>>) src(%dma_wait3A_200 : memref<10000x16xf32, #tpu.memory_space<hbm>>) dst(%dma_wait3A_196 : memref<128x16xf32, #tpu.memory_space<vmem>>)
      %dma_wait3A_201 = arith.constant 128 : i32
      %dma_wait3A_202 = arith.constant 0 : i32
      %dma_wait3A_203 = tpu.memref_slice %arg6[%dma_wait3A_201, %dma_wait3A_202] : memref<1664x16xf32, #tpu.memory_space<vmem>> -> memref<128x16xf32, #tpu.memory_space<vmem>>
      %dma_wait3A_204 = tpu.memref_slice %arg5[%mul3A_43] : memref<10000xi32, #tpu.memory_space<vmem>> -> memref<128xi32, #tpu.memory_space<vmem>>
      %dma_wait3A_205 = arith.constant 0 : i32
      %dma_wait3A_206 = arith.constant 0 : i32
      %dma_wait3A_207 = tpu.memref_slice %arg2[%dma_wait3A_205, %dma_wait3A_206] : memref<10000x16xf32, #tpu.memory_space<hbm>> -> memref<10000x16xf32, #tpu.memory_space<hbm>>
      tpu.wait_indirect_dma semaphore(%arg7 : memref<!tpu.dma_semaphore, #tpu.memory_space<semaphore_mem>>) src(%dma_wait3A_207 : memref<10000x16xf32, #tpu.memory_space<hbm>>) dst(%dma_wait3A_203 : memref<128x16xf32, #tpu.memory_space<vmem>>)
      %dma_wait3A_208 = arith.constant 256 : i32
      %dma_wait3A_209 = arith.constant 0 : i32
      %dma_wait3A_210 = tpu.memref_slice %arg6[%dma_wait3A_208, %dma_wait3A_209] : memref<1664x16xf32, #tpu.memory_space<vmem>> -> memref<128x16xf32, #tpu.memory_space<vmem>>
      %dma_wait3A_211 = tpu.memref_slice %arg5[%mul3A_56] : memref<10000xi32, #tpu.memory_space<vmem>> -> memref<128xi32, #tpu.memory_space<vmem>>
      %dma_wait3A_212 = arith.constant 0 : i32
      %dma_wait3A_213 = arith.constant 0 : i32
      %dma_wait3A_214 = tpu.memref_slice %arg2[%dma_wait3A_212, %dma_wait3A_213] : memref<10000x16xf32, #tpu.memory_space<hbm>> -> memref<10000x16xf32, #tpu.memory_space<hbm>>
      tpu.wait_indirect_dma semaphore(%arg7 : memref<!tpu.dma_semaphore, #tpu.memory_space<semaphore_mem>>) src(%dma_wait3A_214 : memref<10000x16xf32, #tpu.memory_space<hbm>>) dst(%dma_wait3A_210 : memref<128x16xf32, #tpu.memory_space<vmem>>)
      %dma_wait3A_215 = arith.constant 384 : i32
      %dma_wait3A_216 = arith.constant 0 : i32
      %dma_wait3A_217 = tpu.memref_slice %arg6[%dma_wait3A_215, %dma_wait3A_216] : memref<1664x16xf32, #tpu.memory_space<vmem>> -> memref<128x16xf32, #tpu.memory_space<vmem>>
      %dma_wait3A_218 = tpu.memref_slice %arg5[%mul3A_69] : memref<10000xi32, #tpu.memory_space<vmem>> -> memref<128xi32, #tpu.memory_space<vmem>>
      %dma_wait3A_219 = arith.constant 0 : i32
      %dma_wait3A_220 = arith.constant 0 : i32
      %dma_wait3A_221 = tpu.memref_slice %arg2[%dma_wait3A_219, %dma_wait3A_220] : memref<10000x16xf32, #tpu.memory_space<hbm>> -> memref<10000x16xf32, #tpu.memory_space<hbm>>
      tpu.wait_indirect_dma semaphore(%arg7 : memref<!tpu.dma_semaphore, #tpu.memory_space<semaphore_mem>>) src(%dma_wait3A_221 : memref<10000x16xf32, #tpu.memory_space<hbm>>) dst(%dma_wait3A_217 : memref<128x16xf32, #tpu.memory_space<vmem>>)
      %dma_wait3A_222 = arith.constant 512 : i32
      %dma_wait3A_223 = arith.constant 0 : i32
      %dma_wait3A_224 = tpu.memref_slice %arg6[%dma_wait3A_222, %dma_wait3A_223] : memref<1664x16xf32, #tpu.memory_space<vmem>> -> memref<128x16xf32, #tpu.memory_space<vmem>>
      %dma_wait3A_225 = tpu.memref_slice %arg5[%mul3A_82] : memref<10000xi32, #tpu.memory_space<vmem>> -> memref<128xi32, #tpu.memory_space<vmem>>
      %dma_wait3A_226 = arith.constant 0 : i32
      %dma_wait3A_227 = arith.constant 0 : i32
      %dma_wait3A_228 = tpu.memref_slice %arg2[%dma_wait3A_226, %dma_wait3A_227] : memref<10000x16xf32, #tpu.memory_space<hbm>> -> memref<10000x16xf32, #tpu.memory_space<hbm>>
      tpu.wait_indirect_dma semaphore(%arg7 : memref<!tpu.dma_semaphore, #tpu.memory_space<semaphore_mem>>) src(%dma_wait3A_228 : memref<10000x16xf32, #tpu.memory_space<hbm>>) dst(%dma_wait3A_224 : memref<128x16xf32, #tpu.memory_space<vmem>>)
      %dma_wait3A_229 = arith.constant 640 : i32
      %dma_wait3A_230 = arith.constant 0 : i32
      %dma_wait3A_231 = tpu.memref_slice %arg6[%dma_wait3A_229, %dma_wait3A_230] : memref<1664x16xf32, #tpu.memory_space<vmem>> -> memref<128x16xf32, #tpu.memory_space<vmem>>
      %dma_wait3A_232 = tpu.memref_slice %arg5[%mul3A_95] : memref<10000xi32, #tpu.memory_space<vmem>> -> memref<128xi32, #tpu.memory_space<vmem>>
      %dma_wait3A_233 = arith.constant 0 : i32
      %dma_wait3A_234 = arith.constant 0 : i32
      %dma_wait3A_235 = tpu.memref_slice %arg2[%dma_wait3A_233, %dma_wait3A_234] : memref<10000x16xf32, #tpu.memory_space<hbm>> -> memref<10000x16xf32, #tpu.memory_space<hbm>>
      tpu.wait_indirect_dma semaphore(%arg7 : memref<!tpu.dma_semaphore, #tpu.memory_space<semaphore_mem>>) src(%dma_wait3A_235 : memref<10000x16xf32, #tpu.memory_space<hbm>>) dst(%dma_wait3A_231 : memref<128x16xf32, #tpu.memory_space<vmem>>)
      %dma_wait3A_236 = arith.constant 768 : i32
      %dma_wait3A_237 = arith.constant 0 : i32
      %dma_wait3A_238 = tpu.memref_slice %arg6[%dma_wait3A_236, %dma_wait3A_237] : memref<1664x16xf32, #tpu.memory_space<vmem>> -> memref<128x16xf32, #tpu.memory_space<vmem>>
      %dma_wait3A_239 = tpu.memref_slice %arg5[%mul3A_108] : memref<10000xi32, #tpu.memory_space<vmem>> -> memref<128xi32, #tpu.memory_space<vmem>>
      %dma_wait3A_240 = arith.constant 0 : i32
      %dma_wait3A_241 = arith.constant 0 : i32
      %dma_wait3A_242 = tpu.memref_slice %arg2[%dma_wait3A_240, %dma_wait3A_241] : memref<10000x16xf32, #tpu.memory_space<hbm>> -> memref<10000x16xf32, #tpu.memory_space<hbm>>
      tpu.wait_indirect_dma semaphore(%arg7 : memref<!tpu.dma_semaphore, #tpu.memory_space<semaphore_mem>>) src(%dma_wait3A_242 : memref<10000x16xf32, #tpu.memory_space<hbm>>) dst(%dma_wait3A_238 : memref<128x16xf32, #tpu.memory_space<vmem>>)
      %dma_wait3A_243 = arith.constant 896 : i32
      %dma_wait3A_244 = arith.constant 0 : i32
      %dma_wait3A_245 = tpu.memref_slice %arg6[%dma_wait3A_243, %dma_wait3A_244] : memref<1664x16xf32, #tpu.memory_space<vmem>> -> memref<128x16xf32, #tpu.memory_space<vmem>>
      %dma_wait3A_246 = tpu.memref_slice %arg5[%mul3A_121] : memref<10000xi32, #tpu.memory_space<vmem>> -> memref<128xi32, #tpu.memory_space<vmem>>
      %dma_wait3A_247 = arith.constant 0 : i32
      %dma_wait3A_248 = arith.constant 0 : i32
      %dma_wait3A_249 = tpu.memref_slice %arg2[%dma_wait3A_247, %dma_wait3A_248] : memref<10000x16xf32, #tpu.memory_space<hbm>> -> memref<10000x16xf32, #tpu.memory_space<hbm>>
      tpu.wait_indirect_dma semaphore(%arg7 : memref<!tpu.dma_semaphore, #tpu.memory_space<semaphore_mem>>) src(%dma_wait3A_249 : memref<10000x16xf32, #tpu.memory_space<hbm>>) dst(%dma_wait3A_245 : memref<128x16xf32, #tpu.memory_space<vmem>>)
      %dma_wait3A_250 = arith.constant 1024 : i32
      %dma_wait3A_251 = arith.constant 0 : i32
      %dma_wait3A_252 = tpu.memref_slice %arg6[%dma_wait3A_250, %dma_wait3A_251] : memref<1664x16xf32, #tpu.memory_space<vmem>> -> memref<128x16xf32, #tpu.memory_space<vmem>>
      %dma_wait3A_253 = tpu.memref_slice %arg5[%mul3A_134] : memref<10000xi32, #tpu.memory_space<vmem>> -> memref<128xi32, #tpu.memory_space<vmem>>
      %dma_wait3A_254 = arith.constant 0 : i32
      %dma_wait3A_255 = arith.constant 0 : i32
      %dma_wait3A_256 = tpu.memref_slice %arg2[%dma_wait3A_254, %dma_wait3A_255] : memref<10000x16xf32, #tpu.memory_space<hbm>> -> memref<10000x16xf32, #tpu.memory_space<hbm>>
      tpu.wait_indirect_dma semaphore(%arg7 : memref<!tpu.dma_semaphore, #tpu.memory_space<semaphore_mem>>) src(%dma_wait3A_256 : memref<10000x16xf32, #tpu.memory_space<hbm>>) dst(%dma_wait3A_252 : memref<128x16xf32, #tpu.memory_space<vmem>>)
      %dma_wait3A_257 = arith.constant 1152 : i32
      %dma_wait3A_258 = arith.constant 0 : i32
      %dma_wait3A_259 = tpu.memref_slice %arg6[%dma_wait3A_257, %dma_wait3A_258] : memref<1664x16xf32, #tpu.memory_space<vmem>> -> memref<128x16xf32, #tpu.memory_space<vmem>>
      %dma_wait3A_260 = tpu.memref_slice %arg5[%mul3A_147] : memref<10000xi32, #tpu.memory_space<vmem>> -> memref<128xi32, #tpu.memory_space<vmem>>
      %dma_wait3A_261 = arith.constant 0 : i32
      %dma_wait3A_262 = arith.constant 0 : i32
      %dma_wait3A_263 = tpu.memref_slice %arg2[%dma_wait3A_261, %dma_wait3A_262] : memref<10000x16xf32, #tpu.memory_space<hbm>> -> memref<10000x16xf32, #tpu.memory_space<hbm>>
      tpu.wait_indirect_dma semaphore(%arg7 : memref<!tpu.dma_semaphore, #tpu.memory_space<semaphore_mem>>) src(%dma_wait3A_263 : memref<10000x16xf32, #tpu.memory_space<hbm>>) dst(%dma_wait3A_259 : memref<128x16xf32, #tpu.memory_space<vmem>>)
      %dma_wait3A_264 = arith.constant 1280 : i32
      %dma_wait3A_265 = arith.constant 0 : i32
      %dma_wait3A_266 = tpu.memref_slice %arg6[%dma_wait3A_264, %dma_wait3A_265] : memref<1664x16xf32, #tpu.memory_space<vmem>> -> memref<128x16xf32, #tpu.memory_space<vmem>>
      %dma_wait3A_267 = tpu.memref_slice %arg5[%mul3A_160] : memref<10000xi32, #tpu.memory_space<vmem>> -> memref<128xi32, #tpu.memory_space<vmem>>
      %dma_wait3A_268 = arith.constant 0 : i32
      %dma_wait3A_269 = arith.constant 0 : i32
      %dma_wait3A_270 = tpu.memref_slice %arg2[%dma_wait3A_268, %dma_wait3A_269] : memref<10000x16xf32, #tpu.memory_space<hbm>> -> memref<10000x16xf32, #tpu.memory_space<hbm>>
      tpu.wait_indirect_dma semaphore(%arg7 : memref<!tpu.dma_semaphore, #tpu.memory_space<semaphore_mem>>) src(%dma_wait3A_270 : memref<10000x16xf32, #tpu.memory_space<hbm>>) dst(%dma_wait3A_266 : memref<128x16xf32, #tpu.memory_space<vmem>>)
      %dma_wait3A_271 = arith.constant 1408 : i32
      %dma_wait3A_272 = arith.constant 0 : i32
      %dma_wait3A_273 = tpu.memref_slice %arg6[%dma_wait3A_271, %dma_wait3A_272] : memref<1664x16xf32, #tpu.memory_space<vmem>> -> memref<128x16xf32, #tpu.memory_space<vmem>>
      %dma_wait3A_274 = tpu.memref_slice %arg5[%mul3A_173] : memref<10000xi32, #tpu.memory_space<vmem>> -> memref<128xi32, #tpu.memory_space<vmem>>
      %dma_wait3A_275 = arith.constant 0 : i32
      %dma_wait3A_276 = arith.constant 0 : i32
      %dma_wait3A_277 = tpu.memref_slice %arg2[%dma_wait3A_275, %dma_wait3A_276] : memref<10000x16xf32, #tpu.memory_space<hbm>> -> memref<10000x16xf32, #tpu.memory_space<hbm>>
      tpu.wait_indirect_dma semaphore(%arg7 : memref<!tpu.dma_semaphore, #tpu.memory_space<semaphore_mem>>) src(%dma_wait3A_277 : memref<10000x16xf32, #tpu.memory_space<hbm>>) dst(%dma_wait3A_273 : memref<128x16xf32, #tpu.memory_space<vmem>>)
      %dma_wait3A_278 = arith.constant 1536 : i32
      %dma_wait3A_279 = arith.constant 0 : i32
      %dma_wait3A_280 = tpu.memref_slice %arg6[%dma_wait3A_278, %dma_wait3A_279] : memref<1664x16xf32, #tpu.memory_space<vmem>> -> memref<128x16xf32, #tpu.memory_space<vmem>>
      %dma_wait3A_281 = tpu.memref_slice %arg5[%mul3A_186] : memref<10000xi32, #tpu.memory_space<vmem>> -> memref<128xi32, #tpu.memory_space<vmem>>
      %dma_wait3A_282 = arith.constant 0 : i32
      %dma_wait3A_283 = arith.constant 0 : i32
      %dma_wait3A_284 = tpu.memref_slice %arg2[%dma_wait3A_282, %dma_wait3A_283] : memref<10000x16xf32, #tpu.memory_space<hbm>> -> memref<10000x16xf32, #tpu.memory_space<hbm>>
      tpu.wait_indirect_dma semaphore(%arg7 : memref<!tpu.dma_semaphore, #tpu.memory_space<semaphore_mem>>) src(%dma_wait3A_284 : memref<10000x16xf32, #tpu.memory_space<hbm>>) dst(%dma_wait3A_280 : memref<128x16xf32, #tpu.memory_space<vmem>>)
      %mul3A_285 = arith.constant 1664 : i32
      %mul3A_286 = arith.muli %scan3A_24, %mul3A_285 : i32
      %add3A_287 = arith.addi %mul3A_2, %mul3A_286 : i32
      "tpu.region"() ({
        %run_scoped3A = tpu.sem_alloc : memref<!tpu.dma_semaphore, #tpu.memory_space<semaphore_mem>>
        %dma_start3A_288 = arith.constant 0 : i32
        %dma_start3A_289 = tpu.memref_slice %arg4[%add3A_287, %dma_start3A_288] : memref<320000x16xf32, #tpu.memory_space<hbm>> -> memref<1664x16xf32, #tpu.memory_space<hbm>>
        %dma_start3A_290 = arith.constant 0 : i32
        %dma_start3A_291 = tpu.memref_slice %arg4[%add3A_287, %dma_start3A_290] : memref<320000x16xf32, #tpu.memory_space<hbm>> -> memref<1664x16xf32, #tpu.memory_space<hbm>>
        tpu.enqueue_dma source(%arg6 : memref<1664x16xf32, #tpu.memory_space<vmem>>) target(%dma_start3A_291 : memref<1664x16xf32, #tpu.memory_space<hbm>>) target_semaphore(%run_scoped3A : memref<!tpu.dma_semaphore, #tpu.memory_space<semaphore_mem>>)
        %dma_wait3A_292 = arith.constant 0 : i32
        %dma_wait3A_293 = tpu.memref_slice %arg4[%add3A_287, %dma_wait3A_292] : memref<320000x16xf32, #tpu.memory_space<hbm>> -> memref<1664x16xf32, #tpu.memory_space<hbm>>
        %dma_wait3A_294 = arith.constant 0 : i32
        %dma_wait3A_295 = tpu.memref_slice %arg4[%add3A_287, %dma_wait3A_294] : memref<320000x16xf32, #tpu.memory_space<hbm>> -> memref<1664x16xf32, #tpu.memory_space<hbm>>
        tpu.wait_dma2 semaphore(%run_scoped3A : memref<!tpu.dma_semaphore, #tpu.memory_space<semaphore_mem>>) src(%arg6 : memref<1664x16xf32, #tpu.memory_space<vmem>>) dst(%dma_wait3A_295 : memref<1664x16xf32, #tpu.memory_space<hbm>>)
        tpu.yield
      }) : () -> ()
    }
    %scan3A_7 = arith.constant 6 : i32
    %dma_start3A = arith.constant 0 : i32
    %dma_start3A_8 = arith.constant 0 : i32
    %dma_start3A_9 = tpu.memref_slice %arg6[%dma_start3A, %dma_start3A_8] : memref<1664x16xf32, #tpu.memory_space<vmem>> -> memref<16x16xf32, #tpu.memory_space<vmem>>
    %dma_start3A_10 = arith.constant 9984 : i32
    %dma_start3A_11 = tpu.memref_slice %arg5[%dma_start3A_10] : memref<10000xi32, #tpu.memory_space<vmem>> -> memref<16xi32, #tpu.memory_space<vmem>>
    %dma_start3A_12 = arith.constant 0 : i32
    %dma_start3A_13 = arith.constant 0 : i32
    %dma_start3A_14 = tpu.memref_slice %arg2[%dma_start3A_12, %dma_start3A_13] : memref<10000x16xf32, #tpu.memory_space<hbm>> -> memref<10000x16xf32, #tpu.memory_space<hbm>>
    tpu.enqueue_indirect_dma source(%dma_start3A_14 : memref<10000x16xf32, #tpu.memory_space<hbm>>) target(%dma_start3A_9 : memref<16x16xf32, #tpu.memory_space<vmem>>) offsets(%dma_start3A_11 : memref<16xi32, #tpu.memory_space<vmem>>) semaphore(%arg7 : memref<!tpu.dma_semaphore, #tpu.memory_space<semaphore_mem>>)
    %dma_wait3A = arith.constant 0 : i32
    %dma_wait3A_15 = arith.constant 0 : i32
    %dma_wait3A_16 = tpu.memref_slice %arg6[%dma_wait3A, %dma_wait3A_15] : memref<1664x16xf32, #tpu.memory_space<vmem>> -> memref<16x16xf32, #tpu.memory_space<vmem>>
    %dma_wait3A_17 = arith.constant 9984 : i32
    %dma_wait3A_18 = tpu.memref_slice %arg5[%dma_wait3A_17] : memref<10000xi32, #tpu.memory_space<vmem>> -> memref<16xi32, #tpu.memory_space<vmem>>
    %dma_wait3A_19 = arith.constant 0 : i32
    %dma_wait3A_20 = arith.constant 0 : i32
    %dma_wait3A_21 = tpu.memref_slice %arg2[%dma_wait3A_19, %dma_wait3A_20] : memref<10000x16xf32, #tpu.memory_space<hbm>> -> memref<10000x16xf32, #tpu.memory_space<hbm>>
    tpu.wait_indirect_dma semaphore(%arg7 : memref<!tpu.dma_semaphore, #tpu.memory_space<semaphore_mem>>) src(%dma_wait3A_21 : memref<10000x16xf32, #tpu.memory_space<hbm>>) dst(%dma_wait3A_16 : memref<16x16xf32, #tpu.memory_space<vmem>>)
    %add3A_22 = arith.constant 9984 : i32
    %add3A_23 = arith.addi %mul3A_2, %add3A_22 : i32
    "tpu.region"() ({
      %run_scoped3A = tpu.sem_alloc : memref<!tpu.dma_semaphore, #tpu.memory_space<semaphore_mem>>
      %dma_start3A_24 = arith.constant 0 : i32
      %dma_start3A_25 = arith.constant 0 : i32
      %dma_start3A_26 = tpu.memref_slice %arg6[%dma_start3A_24, %dma_start3A_25] : memref<1664x16xf32, #tpu.memory_space<vmem>> -> memref<16x16xf32, #tpu.memory_space<vmem>>
      %dma_start3A_27 = arith.constant 0 : i32
      %dma_start3A_28 = tpu.memref_slice %arg4[%add3A_23, %dma_start3A_27] : memref<320000x16xf32, #tpu.memory_space<hbm>> -> memref<16x16xf32, #tpu.memory_space<hbm>>
      %dma_start3A_29 = arith.constant 0 : i32
      %dma_start3A_30 = tpu.memref_slice %arg4[%add3A_23, %dma_start3A_29] : memref<320000x16xf32, #tpu.memory_space<hbm>> -> memref<16x16xf32, #tpu.memory_space<hbm>>
      %dma_start3A_31 = arith.constant 0 : i32
      %dma_start3A_32 = arith.constant 0 : i32
      %dma_start3A_33 = tpu.memref_slice %arg6[%dma_start3A_31, %dma_start3A_32] : memref<1664x16xf32, #tpu.memory_space<vmem>> -> memref<16x16xf32, #tpu.memory_space<vmem>>
      tpu.enqueue_dma source(%dma_start3A_33 : memref<16x16xf32, #tpu.memory_space<vmem>>) target(%dma_start3A_30 : memref<16x16xf32, #tpu.memory_space<hbm>>) target_semaphore(%run_scoped3A : memref<!tpu.dma_semaphore, #tpu.memory_space<semaphore_mem>>)
      %dma_wait3A_34 = arith.constant 0 : i32
      %dma_wait3A_35 = arith.constant 0 : i32
      %dma_wait3A_36 = tpu.memref_slice %arg6[%dma_wait3A_34, %dma_wait3A_35] : memref<1664x16xf32, #tpu.memory_space<vmem>> -> memref<16x16xf32, #tpu.memory_space<vmem>>
      %dma_wait3A_37 = arith.constant 0 : i32
      %dma_wait3A_38 = tpu.memref_slice %arg4[%add3A_23, %dma_wait3A_37] : memref<320000x16xf32, #tpu.memory_space<hbm>> -> memref<16x16xf32, #tpu.memory_space<hbm>>
      %dma_wait3A_39 = arith.constant 0 : i32
      %dma_wait3A_40 = tpu.memref_slice %arg4[%add3A_23, %dma_wait3A_39] : memref<320000x16xf32, #tpu.memory_space<hbm>> -> memref<16x16xf32, #tpu.memory_space<hbm>>
      %dma_wait3A_41 = arith.constant 0 : i32
      %dma_wait3A_42 = arith.constant 0 : i32
      %dma_wait3A_43 = tpu.memref_slice %arg6[%dma_wait3A_41, %dma_wait3A_42] : memref<1664x16xf32, #tpu.memory_space<vmem>> -> memref<16x16xf32, #tpu.memory_space<vmem>>
      tpu.wait_dma2 semaphore(%run_scoped3A : memref<!tpu.dma_semaphore, #tpu.memory_space<semaphore_mem>>) src(%dma_wait3A_43 : memref<16x16xf32, #tpu.memory_space<vmem>>) dst(%dma_wait3A_40 : memref<16x16xf32, #tpu.memory_space<hbm>>)
      tpu.yield
    }) : () -> ()
    return
  }
}

#map = affine_map<(d0, d1) -> (0, 0)>
module attributes {stable_mosaic.version = 14 : i64} {
  func.func @k(%arg0: i32, %arg1: i32, %arg2: memref<10000x32xf32, #tpu.memory_space<hbm>>, %arg3: memref<32x10000xi32, #tpu.memory_space<hbm>>, %arg4: memref<320000x32xf32, #tpu.memory_space<hbm>>, %arg5: memref<10000xi32, #tpu.memory_space<vmem>>, %arg6: memref<1664x32xf32, #tpu.memory_space<vmem>>, %arg7: memref<!tpu.dma_semaphore, #tpu.memory_space<semaphore_mem>>) attributes {dimension_semantics = [#tpu.dimension_semantics<core_parallel>, #tpu.dimension_semantics<subcore_parallel>], iteration_bounds = array<i64: 2, 16>, scalar_prefetch = 0 : i64, scratch_operands = 3 : i64, tpu.core_type = #tpu.core_type<sc_vector_subcore>, window_params = [{transform_indices = #map}, {transform_indices = #map}, {transform_indices = #map}]} {
    %mul3A = arith.constant 2 : i32
    %mul3A_0 = arith.muli %arg1, %mul3A : i32
    %add3A = arith.addi %mul3A_0, %arg0 : i32
    %mul3A_1 = arith.constant 10000 : i32
    %mul3A_2 = arith.muli %add3A, %mul3A_1 : i32
    "tpu.region"() ({
      %run_scoped3A = tpu.sem_alloc : memref<!tpu.dma_semaphore, #tpu.memory_space<semaphore_mem>>
      %dma_start3A_24 = arith.constant 0 : i32
      %dma_start3A_25 = tpu.memref_slice %arg3[%add3A, %dma_start3A_24] : memref<32x10000xi32, #tpu.memory_space<hbm>> -> memref<1x10000xi32, #tpu.memory_space<hbm>>
      %dma_start3A_26 = tpu.memref_squeeze %dma_start3A_25 : memref<1x10000xi32, #tpu.memory_space<hbm>> -> memref<10000xi32, #tpu.memory_space<hbm>>
      %dma_start3A_27 = arith.constant 0 : i32
      %dma_start3A_28 = tpu.memref_slice %arg3[%add3A, %dma_start3A_27] : memref<32x10000xi32, #tpu.memory_space<hbm>> -> memref<1x10000xi32, #tpu.memory_space<hbm>>
      %dma_start3A_29 = tpu.memref_squeeze %dma_start3A_28 : memref<1x10000xi32, #tpu.memory_space<hbm>> -> memref<10000xi32, #tpu.memory_space<hbm>>
      tpu.enqueue_dma source(%dma_start3A_29 : memref<10000xi32, #tpu.memory_space<hbm>>) target(%arg5 : memref<10000xi32, #tpu.memory_space<vmem>>) target_semaphore(%run_scoped3A : memref<!tpu.dma_semaphore, #tpu.memory_space<semaphore_mem>>)
      %dma_wait3A_30 = arith.constant 0 : i32
      %dma_wait3A_31 = tpu.memref_slice %arg3[%add3A, %dma_wait3A_30] : memref<32x10000xi32, #tpu.memory_space<hbm>> -> memref<1x10000xi32, #tpu.memory_space<hbm>>
      %dma_wait3A_32 = tpu.memref_squeeze %dma_wait3A_31 : memref<1x10000xi32, #tpu.memory_space<hbm>> -> memref<10000xi32, #tpu.memory_space<hbm>>
      %dma_wait3A_33 = arith.constant 0 : i32
      %dma_wait3A_34 = tpu.memref_slice %arg3[%add3A, %dma_wait3A_33] : memref<32x10000xi32, #tpu.memory_space<hbm>> -> memref<1x10000xi32, #tpu.memory_space<hbm>>
      %dma_wait3A_35 = tpu.memref_squeeze %dma_wait3A_34 : memref<1x10000xi32, #tpu.memory_space<hbm>> -> memref<10000xi32, #tpu.memory_space<hbm>>
      tpu.wait_dma2 semaphore(%run_scoped3A : memref<!tpu.dma_semaphore, #tpu.memory_space<semaphore_mem>>) src(%dma_wait3A_35 : memref<10000xi32, #tpu.memory_space<hbm>>) dst(%arg5 : memref<10000xi32, #tpu.memory_space<vmem>>)
      tpu.yield
    }) : () -> ()
    %scan3A = arith.constant 0 : i32
    %scan3A_3 = arith.constant 0 : i32
    %scan3A_4 = arith.constant 6 : i32
    %scan3A_5 = arith.addi %scan3A_3, %scan3A_4 : i32
    %scan3A_6 = arith.constant 1 : i32
    scf.for %scan3A_24 = %scan3A_3 to %scan3A_5 step %scan3A_6  : i32 {
      %mul3A_25 = arith.constant 13 : i32
      %mul3A_26 = arith.muli %scan3A_24, %mul3A_25 : i32
      %add3A_27 = arith.constant 0 : i32
      %add3A_28 = arith.addi %mul3A_26, %add3A_27 : i32
      %mul3A_29 = arith.constant 128 : i32
      %mul3A_30 = arith.muli %add3A_28, %mul3A_29 : i32
      %dma_start3A_31 = arith.constant 0 : i32
      %dma_start3A_32 = arith.constant 0 : i32
      %dma_start3A_33 = tpu.memref_slice %arg6[%dma_start3A_31, %dma_start3A_32] : memref<1664x32xf32, #tpu.memory_space<vmem>> -> memref<128x32xf32, #tpu.memory_space<vmem>>
      %dma_start3A_34 = tpu.memref_slice %arg5[%mul3A_30] : memref<10000xi32, #tpu.memory_space<vmem>> -> memref<128xi32, #tpu.memory_space<vmem>>
      %dma_start3A_35 = arith.constant 0 : i32
      %dma_start3A_36 = arith.constant 0 : i32
      %dma_start3A_37 = tpu.memref_slice %arg2[%dma_start3A_35, %dma_start3A_36] : memref<10000x32xf32, #tpu.memory_space<hbm>> -> memref<10000x32xf32, #tpu.memory_space<hbm>>
      tpu.enqueue_indirect_dma source(%dma_start3A_37 : memref<10000x32xf32, #tpu.memory_space<hbm>>) target(%dma_start3A_33 : memref<128x32xf32, #tpu.memory_space<vmem>>) offsets(%dma_start3A_34 : memref<128xi32, #tpu.memory_space<vmem>>) semaphore(%arg7 : memref<!tpu.dma_semaphore, #tpu.memory_space<semaphore_mem>>)
      %mul3A_38 = arith.constant 13 : i32
      %mul3A_39 = arith.muli %scan3A_24, %mul3A_38 : i32
      %add3A_40 = arith.constant 1 : i32
      %add3A_41 = arith.addi %mul3A_39, %add3A_40 : i32
      %mul3A_42 = arith.constant 128 : i32
      %mul3A_43 = arith.muli %add3A_41, %mul3A_42 : i32
      %dma_start3A_44 = arith.constant 128 : i32
      %dma_start3A_45 = arith.constant 0 : i32
      %dma_start3A_46 = tpu.memref_slice %arg6[%dma_start3A_44, %dma_start3A_45] : memref<1664x32xf32, #tpu.memory_space<vmem>> -> memref<128x32xf32, #tpu.memory_space<vmem>>
      %dma_start3A_47 = tpu.memref_slice %arg5[%mul3A_43] : memref<10000xi32, #tpu.memory_space<vmem>> -> memref<128xi32, #tpu.memory_space<vmem>>
      %dma_start3A_48 = arith.constant 0 : i32
      %dma_start3A_49 = arith.constant 0 : i32
      %dma_start3A_50 = tpu.memref_slice %arg2[%dma_start3A_48, %dma_start3A_49] : memref<10000x32xf32, #tpu.memory_space<hbm>> -> memref<10000x32xf32, #tpu.memory_space<hbm>>
      tpu.enqueue_indirect_dma source(%dma_start3A_50 : memref<10000x32xf32, #tpu.memory_space<hbm>>) target(%dma_start3A_46 : memref<128x32xf32, #tpu.memory_space<vmem>>) offsets(%dma_start3A_47 : memref<128xi32, #tpu.memory_space<vmem>>) semaphore(%arg7 : memref<!tpu.dma_semaphore, #tpu.memory_space<semaphore_mem>>)
      %mul3A_51 = arith.constant 13 : i32
      %mul3A_52 = arith.muli %scan3A_24, %mul3A_51 : i32
      %add3A_53 = arith.constant 2 : i32
      %add3A_54 = arith.addi %mul3A_52, %add3A_53 : i32
      %mul3A_55 = arith.constant 128 : i32
      %mul3A_56 = arith.muli %add3A_54, %mul3A_55 : i32
      %dma_start3A_57 = arith.constant 256 : i32
      %dma_start3A_58 = arith.constant 0 : i32
      %dma_start3A_59 = tpu.memref_slice %arg6[%dma_start3A_57, %dma_start3A_58] : memref<1664x32xf32, #tpu.memory_space<vmem>> -> memref<128x32xf32, #tpu.memory_space<vmem>>
      %dma_start3A_60 = tpu.memref_slice %arg5[%mul3A_56] : memref<10000xi32, #tpu.memory_space<vmem>> -> memref<128xi32, #tpu.memory_space<vmem>>
      %dma_start3A_61 = arith.constant 0 : i32
      %dma_start3A_62 = arith.constant 0 : i32
      %dma_start3A_63 = tpu.memref_slice %arg2[%dma_start3A_61, %dma_start3A_62] : memref<10000x32xf32, #tpu.memory_space<hbm>> -> memref<10000x32xf32, #tpu.memory_space<hbm>>
      tpu.enqueue_indirect_dma source(%dma_start3A_63 : memref<10000x32xf32, #tpu.memory_space<hbm>>) target(%dma_start3A_59 : memref<128x32xf32, #tpu.memory_space<vmem>>) offsets(%dma_start3A_60 : memref<128xi32, #tpu.memory_space<vmem>>) semaphore(%arg7 : memref<!tpu.dma_semaphore, #tpu.memory_space<semaphore_mem>>)
      %mul3A_64 = arith.constant 13 : i32
      %mul3A_65 = arith.muli %scan3A_24, %mul3A_64 : i32
      %add3A_66 = arith.constant 3 : i32
      %add3A_67 = arith.addi %mul3A_65, %add3A_66 : i32
      %mul3A_68 = arith.constant 128 : i32
      %mul3A_69 = arith.muli %add3A_67, %mul3A_68 : i32
      %dma_start3A_70 = arith.constant 384 : i32
      %dma_start3A_71 = arith.constant 0 : i32
      %dma_start3A_72 = tpu.memref_slice %arg6[%dma_start3A_70, %dma_start3A_71] : memref<1664x32xf32, #tpu.memory_space<vmem>> -> memref<128x32xf32, #tpu.memory_space<vmem>>
      %dma_start3A_73 = tpu.memref_slice %arg5[%mul3A_69] : memref<10000xi32, #tpu.memory_space<vmem>> -> memref<128xi32, #tpu.memory_space<vmem>>
      %dma_start3A_74 = arith.constant 0 : i32
      %dma_start3A_75 = arith.constant 0 : i32
      %dma_start3A_76 = tpu.memref_slice %arg2[%dma_start3A_74, %dma_start3A_75] : memref<10000x32xf32, #tpu.memory_space<hbm>> -> memref<10000x32xf32, #tpu.memory_space<hbm>>
      tpu.enqueue_indirect_dma source(%dma_start3A_76 : memref<10000x32xf32, #tpu.memory_space<hbm>>) target(%dma_start3A_72 : memref<128x32xf32, #tpu.memory_space<vmem>>) offsets(%dma_start3A_73 : memref<128xi32, #tpu.memory_space<vmem>>) semaphore(%arg7 : memref<!tpu.dma_semaphore, #tpu.memory_space<semaphore_mem>>)
      %mul3A_77 = arith.constant 13 : i32
      %mul3A_78 = arith.muli %scan3A_24, %mul3A_77 : i32
      %add3A_79 = arith.constant 4 : i32
      %add3A_80 = arith.addi %mul3A_78, %add3A_79 : i32
      %mul3A_81 = arith.constant 128 : i32
      %mul3A_82 = arith.muli %add3A_80, %mul3A_81 : i32
      %dma_start3A_83 = arith.constant 512 : i32
      %dma_start3A_84 = arith.constant 0 : i32
      %dma_start3A_85 = tpu.memref_slice %arg6[%dma_start3A_83, %dma_start3A_84] : memref<1664x32xf32, #tpu.memory_space<vmem>> -> memref<128x32xf32, #tpu.memory_space<vmem>>
      %dma_start3A_86 = tpu.memref_slice %arg5[%mul3A_82] : memref<10000xi32, #tpu.memory_space<vmem>> -> memref<128xi32, #tpu.memory_space<vmem>>
      %dma_start3A_87 = arith.constant 0 : i32
      %dma_start3A_88 = arith.constant 0 : i32
      %dma_start3A_89 = tpu.memref_slice %arg2[%dma_start3A_87, %dma_start3A_88] : memref<10000x32xf32, #tpu.memory_space<hbm>> -> memref<10000x32xf32, #tpu.memory_space<hbm>>
      tpu.enqueue_indirect_dma source(%dma_start3A_89 : memref<10000x32xf32, #tpu.memory_space<hbm>>) target(%dma_start3A_85 : memref<128x32xf32, #tpu.memory_space<vmem>>) offsets(%dma_start3A_86 : memref<128xi32, #tpu.memory_space<vmem>>) semaphore(%arg7 : memref<!tpu.dma_semaphore, #tpu.memory_space<semaphore_mem>>)
      %mul3A_90 = arith.constant 13 : i32
      %mul3A_91 = arith.muli %scan3A_24, %mul3A_90 : i32
      %add3A_92 = arith.constant 5 : i32
      %add3A_93 = arith.addi %mul3A_91, %add3A_92 : i32
      %mul3A_94 = arith.constant 128 : i32
      %mul3A_95 = arith.muli %add3A_93, %mul3A_94 : i32
      %dma_start3A_96 = arith.constant 640 : i32
      %dma_start3A_97 = arith.constant 0 : i32
      %dma_start3A_98 = tpu.memref_slice %arg6[%dma_start3A_96, %dma_start3A_97] : memref<1664x32xf32, #tpu.memory_space<vmem>> -> memref<128x32xf32, #tpu.memory_space<vmem>>
      %dma_start3A_99 = tpu.memref_slice %arg5[%mul3A_95] : memref<10000xi32, #tpu.memory_space<vmem>> -> memref<128xi32, #tpu.memory_space<vmem>>
      %dma_start3A_100 = arith.constant 0 : i32
      %dma_start3A_101 = arith.constant 0 : i32
      %dma_start3A_102 = tpu.memref_slice %arg2[%dma_start3A_100, %dma_start3A_101] : memref<10000x32xf32, #tpu.memory_space<hbm>> -> memref<10000x32xf32, #tpu.memory_space<hbm>>
      tpu.enqueue_indirect_dma source(%dma_start3A_102 : memref<10000x32xf32, #tpu.memory_space<hbm>>) target(%dma_start3A_98 : memref<128x32xf32, #tpu.memory_space<vmem>>) offsets(%dma_start3A_99 : memref<128xi32, #tpu.memory_space<vmem>>) semaphore(%arg7 : memref<!tpu.dma_semaphore, #tpu.memory_space<semaphore_mem>>)
      %mul3A_103 = arith.constant 13 : i32
      %mul3A_104 = arith.muli %scan3A_24, %mul3A_103 : i32
      %add3A_105 = arith.constant 6 : i32
      %add3A_106 = arith.addi %mul3A_104, %add3A_105 : i32
      %mul3A_107 = arith.constant 128 : i32
      %mul3A_108 = arith.muli %add3A_106, %mul3A_107 : i32
      %dma_start3A_109 = arith.constant 768 : i32
      %dma_start3A_110 = arith.constant 0 : i32
      %dma_start3A_111 = tpu.memref_slice %arg6[%dma_start3A_109, %dma_start3A_110] : memref<1664x32xf32, #tpu.memory_space<vmem>> -> memref<128x32xf32, #tpu.memory_space<vmem>>
      %dma_start3A_112 = tpu.memref_slice %arg5[%mul3A_108] : memref<10000xi32, #tpu.memory_space<vmem>> -> memref<128xi32, #tpu.memory_space<vmem>>
      %dma_start3A_113 = arith.constant 0 : i32
      %dma_start3A_114 = arith.constant 0 : i32
      %dma_start3A_115 = tpu.memref_slice %arg2[%dma_start3A_113, %dma_start3A_114] : memref<10000x32xf32, #tpu.memory_space<hbm>> -> memref<10000x32xf32, #tpu.memory_space<hbm>>
      tpu.enqueue_indirect_dma source(%dma_start3A_115 : memref<10000x32xf32, #tpu.memory_space<hbm>>) target(%dma_start3A_111 : memref<128x32xf32, #tpu.memory_space<vmem>>) offsets(%dma_start3A_112 : memref<128xi32, #tpu.memory_space<vmem>>) semaphore(%arg7 : memref<!tpu.dma_semaphore, #tpu.memory_space<semaphore_mem>>)
      %mul3A_116 = arith.constant 13 : i32
      %mul3A_117 = arith.muli %scan3A_24, %mul3A_116 : i32
      %add3A_118 = arith.constant 7 : i32
      %add3A_119 = arith.addi %mul3A_117, %add3A_118 : i32
      %mul3A_120 = arith.constant 128 : i32
      %mul3A_121 = arith.muli %add3A_119, %mul3A_120 : i32
      %dma_start3A_122 = arith.constant 896 : i32
      %dma_start3A_123 = arith.constant 0 : i32
      %dma_start3A_124 = tpu.memref_slice %arg6[%dma_start3A_122, %dma_start3A_123] : memref<1664x32xf32, #tpu.memory_space<vmem>> -> memref<128x32xf32, #tpu.memory_space<vmem>>
      %dma_start3A_125 = tpu.memref_slice %arg5[%mul3A_121] : memref<10000xi32, #tpu.memory_space<vmem>> -> memref<128xi32, #tpu.memory_space<vmem>>
      %dma_start3A_126 = arith.constant 0 : i32
      %dma_start3A_127 = arith.constant 0 : i32
      %dma_start3A_128 = tpu.memref_slice %arg2[%dma_start3A_126, %dma_start3A_127] : memref<10000x32xf32, #tpu.memory_space<hbm>> -> memref<10000x32xf32, #tpu.memory_space<hbm>>
      tpu.enqueue_indirect_dma source(%dma_start3A_128 : memref<10000x32xf32, #tpu.memory_space<hbm>>) target(%dma_start3A_124 : memref<128x32xf32, #tpu.memory_space<vmem>>) offsets(%dma_start3A_125 : memref<128xi32, #tpu.memory_space<vmem>>) semaphore(%arg7 : memref<!tpu.dma_semaphore, #tpu.memory_space<semaphore_mem>>)
      %mul3A_129 = arith.constant 13 : i32
      %mul3A_130 = arith.muli %scan3A_24, %mul3A_129 : i32
      %add3A_131 = arith.constant 8 : i32
      %add3A_132 = arith.addi %mul3A_130, %add3A_131 : i32
      %mul3A_133 = arith.constant 128 : i32
      %mul3A_134 = arith.muli %add3A_132, %mul3A_133 : i32
      %dma_start3A_135 = arith.constant 1024 : i32
      %dma_start3A_136 = arith.constant 0 : i32
      %dma_start3A_137 = tpu.memref_slice %arg6[%dma_start3A_135, %dma_start3A_136] : memref<1664x32xf32, #tpu.memory_space<vmem>> -> memref<128x32xf32, #tpu.memory_space<vmem>>
      %dma_start3A_138 = tpu.memref_slice %arg5[%mul3A_134] : memref<10000xi32, #tpu.memory_space<vmem>> -> memref<128xi32, #tpu.memory_space<vmem>>
      %dma_start3A_139 = arith.constant 0 : i32
      %dma_start3A_140 = arith.constant 0 : i32
      %dma_start3A_141 = tpu.memref_slice %arg2[%dma_start3A_139, %dma_start3A_140] : memref<10000x32xf32, #tpu.memory_space<hbm>> -> memref<10000x32xf32, #tpu.memory_space<hbm>>
      tpu.enqueue_indirect_dma source(%dma_start3A_141 : memref<10000x32xf32, #tpu.memory_space<hbm>>) target(%dma_start3A_137 : memref<128x32xf32, #tpu.memory_space<vmem>>) offsets(%dma_start3A_138 : memref<128xi32, #tpu.memory_space<vmem>>) semaphore(%arg7 : memref<!tpu.dma_semaphore, #tpu.memory_space<semaphore_mem>>)
      %mul3A_142 = arith.constant 13 : i32
      %mul3A_143 = arith.muli %scan3A_24, %mul3A_142 : i32
      %add3A_144 = arith.constant 9 : i32
      %add3A_145 = arith.addi %mul3A_143, %add3A_144 : i32
      %mul3A_146 = arith.constant 128 : i32
      %mul3A_147 = arith.muli %add3A_145, %mul3A_146 : i32
      %dma_start3A_148 = arith.constant 1152 : i32
      %dma_start3A_149 = arith.constant 0 : i32
      %dma_start3A_150 = tpu.memref_slice %arg6[%dma_start3A_148, %dma_start3A_149] : memref<1664x32xf32, #tpu.memory_space<vmem>> -> memref<128x32xf32, #tpu.memory_space<vmem>>
      %dma_start3A_151 = tpu.memref_slice %arg5[%mul3A_147] : memref<10000xi32, #tpu.memory_space<vmem>> -> memref<128xi32, #tpu.memory_space<vmem>>
      %dma_start3A_152 = arith.constant 0 : i32
      %dma_start3A_153 = arith.constant 0 : i32
      %dma_start3A_154 = tpu.memref_slice %arg2[%dma_start3A_152, %dma_start3A_153] : memref<10000x32xf32, #tpu.memory_space<hbm>> -> memref<10000x32xf32, #tpu.memory_space<hbm>>
      tpu.enqueue_indirect_dma source(%dma_start3A_154 : memref<10000x32xf32, #tpu.memory_space<hbm>>) target(%dma_start3A_150 : memref<128x32xf32, #tpu.memory_space<vmem>>) offsets(%dma_start3A_151 : memref<128xi32, #tpu.memory_space<vmem>>) semaphore(%arg7 : memref<!tpu.dma_semaphore, #tpu.memory_space<semaphore_mem>>)
      %mul3A_155 = arith.constant 13 : i32
      %mul3A_156 = arith.muli %scan3A_24, %mul3A_155 : i32
      %add3A_157 = arith.constant 10 : i32
      %add3A_158 = arith.addi %mul3A_156, %add3A_157 : i32
      %mul3A_159 = arith.constant 128 : i32
      %mul3A_160 = arith.muli %add3A_158, %mul3A_159 : i32
      %dma_start3A_161 = arith.constant 1280 : i32
      %dma_start3A_162 = arith.constant 0 : i32
      %dma_start3A_163 = tpu.memref_slice %arg6[%dma_start3A_161, %dma_start3A_162] : memref<1664x32xf32, #tpu.memory_space<vmem>> -> memref<128x32xf32, #tpu.memory_space<vmem>>
      %dma_start3A_164 = tpu.memref_slice %arg5[%mul3A_160] : memref<10000xi32, #tpu.memory_space<vmem>> -> memref<128xi32, #tpu.memory_space<vmem>>
      %dma_start3A_165 = arith.constant 0 : i32
      %dma_start3A_166 = arith.constant 0 : i32
      %dma_start3A_167 = tpu.memref_slice %arg2[%dma_start3A_165, %dma_start3A_166] : memref<10000x32xf32, #tpu.memory_space<hbm>> -> memref<10000x32xf32, #tpu.memory_space<hbm>>
      tpu.enqueue_indirect_dma source(%dma_start3A_167 : memref<10000x32xf32, #tpu.memory_space<hbm>>) target(%dma_start3A_163 : memref<128x32xf32, #tpu.memory_space<vmem>>) offsets(%dma_start3A_164 : memref<128xi32, #tpu.memory_space<vmem>>) semaphore(%arg7 : memref<!tpu.dma_semaphore, #tpu.memory_space<semaphore_mem>>)
      %mul3A_168 = arith.constant 13 : i32
      %mul3A_169 = arith.muli %scan3A_24, %mul3A_168 : i32
      %add3A_170 = arith.constant 11 : i32
      %add3A_171 = arith.addi %mul3A_169, %add3A_170 : i32
      %mul3A_172 = arith.constant 128 : i32
      %mul3A_173 = arith.muli %add3A_171, %mul3A_172 : i32
      %dma_start3A_174 = arith.constant 1408 : i32
      %dma_start3A_175 = arith.constant 0 : i32
      %dma_start3A_176 = tpu.memref_slice %arg6[%dma_start3A_174, %dma_start3A_175] : memref<1664x32xf32, #tpu.memory_space<vmem>> -> memref<128x32xf32, #tpu.memory_space<vmem>>
      %dma_start3A_177 = tpu.memref_slice %arg5[%mul3A_173] : memref<10000xi32, #tpu.memory_space<vmem>> -> memref<128xi32, #tpu.memory_space<vmem>>
      %dma_start3A_178 = arith.constant 0 : i32
      %dma_start3A_179 = arith.constant 0 : i32
      %dma_start3A_180 = tpu.memref_slice %arg2[%dma_start3A_178, %dma_start3A_179] : memref<10000x32xf32, #tpu.memory_space<hbm>> -> memref<10000x32xf32, #tpu.memory_space<hbm>>
      tpu.enqueue_indirect_dma source(%dma_start3A_180 : memref<10000x32xf32, #tpu.memory_space<hbm>>) target(%dma_start3A_176 : memref<128x32xf32, #tpu.memory_space<vmem>>) offsets(%dma_start3A_177 : memref<128xi32, #tpu.memory_space<vmem>>) semaphore(%arg7 : memref<!tpu.dma_semaphore, #tpu.memory_space<semaphore_mem>>)
      %mul3A_181 = arith.constant 13 : i32
      %mul3A_182 = arith.muli %scan3A_24, %mul3A_181 : i32
      %add3A_183 = arith.constant 12 : i32
      %add3A_184 = arith.addi %mul3A_182, %add3A_183 : i32
      %mul3A_185 = arith.constant 128 : i32
      %mul3A_186 = arith.muli %add3A_184, %mul3A_185 : i32
      %dma_start3A_187 = arith.constant 1536 : i32
      %dma_start3A_188 = arith.constant 0 : i32
      %dma_start3A_189 = tpu.memref_slice %arg6[%dma_start3A_187, %dma_start3A_188] : memref<1664x32xf32, #tpu.memory_space<vmem>> -> memref<128x32xf32, #tpu.memory_space<vmem>>
      %dma_start3A_190 = tpu.memref_slice %arg5[%mul3A_186] : memref<10000xi32, #tpu.memory_space<vmem>> -> memref<128xi32, #tpu.memory_space<vmem>>
      %dma_start3A_191 = arith.constant 0 : i32
      %dma_start3A_192 = arith.constant 0 : i32
      %dma_start3A_193 = tpu.memref_slice %arg2[%dma_start3A_191, %dma_start3A_192] : memref<10000x32xf32, #tpu.memory_space<hbm>> -> memref<10000x32xf32, #tpu.memory_space<hbm>>
      tpu.enqueue_indirect_dma source(%dma_start3A_193 : memref<10000x32xf32, #tpu.memory_space<hbm>>) target(%dma_start3A_189 : memref<128x32xf32, #tpu.memory_space<vmem>>) offsets(%dma_start3A_190 : memref<128xi32, #tpu.memory_space<vmem>>) semaphore(%arg7 : memref<!tpu.dma_semaphore, #tpu.memory_space<semaphore_mem>>)
      %dma_wait3A_194 = arith.constant 0 : i32
      %dma_wait3A_195 = arith.constant 0 : i32
      %dma_wait3A_196 = tpu.memref_slice %arg6[%dma_wait3A_194, %dma_wait3A_195] : memref<1664x32xf32, #tpu.memory_space<vmem>> -> memref<128x32xf32, #tpu.memory_space<vmem>>
      %dma_wait3A_197 = tpu.memref_slice %arg5[%mul3A_30] : memref<10000xi32, #tpu.memory_space<vmem>> -> memref<128xi32, #tpu.memory_space<vmem>>
      %dma_wait3A_198 = arith.constant 0 : i32
      %dma_wait3A_199 = arith.constant 0 : i32
      %dma_wait3A_200 = tpu.memref_slice %arg2[%dma_wait3A_198, %dma_wait3A_199] : memref<10000x32xf32, #tpu.memory_space<hbm>> -> memref<10000x32xf32, #tpu.memory_space<hbm>>
      tpu.wait_indirect_dma semaphore(%arg7 : memref<!tpu.dma_semaphore, #tpu.memory_space<semaphore_mem>>) src(%dma_wait3A_200 : memref<10000x32xf32, #tpu.memory_space<hbm>>) dst(%dma_wait3A_196 : memref<128x32xf32, #tpu.memory_space<vmem>>)
      %dma_wait3A_201 = arith.constant 128 : i32
      %dma_wait3A_202 = arith.constant 0 : i32
      %dma_wait3A_203 = tpu.memref_slice %arg6[%dma_wait3A_201, %dma_wait3A_202] : memref<1664x32xf32, #tpu.memory_space<vmem>> -> memref<128x32xf32, #tpu.memory_space<vmem>>
      %dma_wait3A_204 = tpu.memref_slice %arg5[%mul3A_43] : memref<10000xi32, #tpu.memory_space<vmem>> -> memref<128xi32, #tpu.memory_space<vmem>>
      %dma_wait3A_205 = arith.constant 0 : i32
      %dma_wait3A_206 = arith.constant 0 : i32
      %dma_wait3A_207 = tpu.memref_slice %arg2[%dma_wait3A_205, %dma_wait3A_206] : memref<10000x32xf32, #tpu.memory_space<hbm>> -> memref<10000x32xf32, #tpu.memory_space<hbm>>
      tpu.wait_indirect_dma semaphore(%arg7 : memref<!tpu.dma_semaphore, #tpu.memory_space<semaphore_mem>>) src(%dma_wait3A_207 : memref<10000x32xf32, #tpu.memory_space<hbm>>) dst(%dma_wait3A_203 : memref<128x32xf32, #tpu.memory_space<vmem>>)
      %dma_wait3A_208 = arith.constant 256 : i32
      %dma_wait3A_209 = arith.constant 0 : i32
      %dma_wait3A_210 = tpu.memref_slice %arg6[%dma_wait3A_208, %dma_wait3A_209] : memref<1664x32xf32, #tpu.memory_space<vmem>> -> memref<128x32xf32, #tpu.memory_space<vmem>>
      %dma_wait3A_211 = tpu.memref_slice %arg5[%mul3A_56] : memref<10000xi32, #tpu.memory_space<vmem>> -> memref<128xi32, #tpu.memory_space<vmem>>
      %dma_wait3A_212 = arith.constant 0 : i32
      %dma_wait3A_213 = arith.constant 0 : i32
      %dma_wait3A_214 = tpu.memref_slice %arg2[%dma_wait3A_212, %dma_wait3A_213] : memref<10000x32xf32, #tpu.memory_space<hbm>> -> memref<10000x32xf32, #tpu.memory_space<hbm>>
      tpu.wait_indirect_dma semaphore(%arg7 : memref<!tpu.dma_semaphore, #tpu.memory_space<semaphore_mem>>) src(%dma_wait3A_214 : memref<10000x32xf32, #tpu.memory_space<hbm>>) dst(%dma_wait3A_210 : memref<128x32xf32, #tpu.memory_space<vmem>>)
      %dma_wait3A_215 = arith.constant 384 : i32
      %dma_wait3A_216 = arith.constant 0 : i32
      %dma_wait3A_217 = tpu.memref_slice %arg6[%dma_wait3A_215, %dma_wait3A_216] : memref<1664x32xf32, #tpu.memory_space<vmem>> -> memref<128x32xf32, #tpu.memory_space<vmem>>
      %dma_wait3A_218 = tpu.memref_slice %arg5[%mul3A_69] : memref<10000xi32, #tpu.memory_space<vmem>> -> memref<128xi32, #tpu.memory_space<vmem>>
      %dma_wait3A_219 = arith.constant 0 : i32
      %dma_wait3A_220 = arith.constant 0 : i32
      %dma_wait3A_221 = tpu.memref_slice %arg2[%dma_wait3A_219, %dma_wait3A_220] : memref<10000x32xf32, #tpu.memory_space<hbm>> -> memref<10000x32xf32, #tpu.memory_space<hbm>>
      tpu.wait_indirect_dma semaphore(%arg7 : memref<!tpu.dma_semaphore, #tpu.memory_space<semaphore_mem>>) src(%dma_wait3A_221 : memref<10000x32xf32, #tpu.memory_space<hbm>>) dst(%dma_wait3A_217 : memref<128x32xf32, #tpu.memory_space<vmem>>)
      %dma_wait3A_222 = arith.constant 512 : i32
      %dma_wait3A_223 = arith.constant 0 : i32
      %dma_wait3A_224 = tpu.memref_slice %arg6[%dma_wait3A_222, %dma_wait3A_223] : memref<1664x32xf32, #tpu.memory_space<vmem>> -> memref<128x32xf32, #tpu.memory_space<vmem>>
      %dma_wait3A_225 = tpu.memref_slice %arg5[%mul3A_82] : memref<10000xi32, #tpu.memory_space<vmem>> -> memref<128xi32, #tpu.memory_space<vmem>>
      %dma_wait3A_226 = arith.constant 0 : i32
      %dma_wait3A_227 = arith.constant 0 : i32
      %dma_wait3A_228 = tpu.memref_slice %arg2[%dma_wait3A_226, %dma_wait3A_227] : memref<10000x32xf32, #tpu.memory_space<hbm>> -> memref<10000x32xf32, #tpu.memory_space<hbm>>
      tpu.wait_indirect_dma semaphore(%arg7 : memref<!tpu.dma_semaphore, #tpu.memory_space<semaphore_mem>>) src(%dma_wait3A_228 : memref<10000x32xf32, #tpu.memory_space<hbm>>) dst(%dma_wait3A_224 : memref<128x32xf32, #tpu.memory_space<vmem>>)
      %dma_wait3A_229 = arith.constant 640 : i32
      %dma_wait3A_230 = arith.constant 0 : i32
      %dma_wait3A_231 = tpu.memref_slice %arg6[%dma_wait3A_229, %dma_wait3A_230] : memref<1664x32xf32, #tpu.memory_space<vmem>> -> memref<128x32xf32, #tpu.memory_space<vmem>>
      %dma_wait3A_232 = tpu.memref_slice %arg5[%mul3A_95] : memref<10000xi32, #tpu.memory_space<vmem>> -> memref<128xi32, #tpu.memory_space<vmem>>
      %dma_wait3A_233 = arith.constant 0 : i32
      %dma_wait3A_234 = arith.constant 0 : i32
      %dma_wait3A_235 = tpu.memref_slice %arg2[%dma_wait3A_233, %dma_wait3A_234] : memref<10000x32xf32, #tpu.memory_space<hbm>> -> memref<10000x32xf32, #tpu.memory_space<hbm>>
      tpu.wait_indirect_dma semaphore(%arg7 : memref<!tpu.dma_semaphore, #tpu.memory_space<semaphore_mem>>) src(%dma_wait3A_235 : memref<10000x32xf32, #tpu.memory_space<hbm>>) dst(%dma_wait3A_231 : memref<128x32xf32, #tpu.memory_space<vmem>>)
      %dma_wait3A_236 = arith.constant 768 : i32
      %dma_wait3A_237 = arith.constant 0 : i32
      %dma_wait3A_238 = tpu.memref_slice %arg6[%dma_wait3A_236, %dma_wait3A_237] : memref<1664x32xf32, #tpu.memory_space<vmem>> -> memref<128x32xf32, #tpu.memory_space<vmem>>
      %dma_wait3A_239 = tpu.memref_slice %arg5[%mul3A_108] : memref<10000xi32, #tpu.memory_space<vmem>> -> memref<128xi32, #tpu.memory_space<vmem>>
      %dma_wait3A_240 = arith.constant 0 : i32
      %dma_wait3A_241 = arith.constant 0 : i32
      %dma_wait3A_242 = tpu.memref_slice %arg2[%dma_wait3A_240, %dma_wait3A_241] : memref<10000x32xf32, #tpu.memory_space<hbm>> -> memref<10000x32xf32, #tpu.memory_space<hbm>>
      tpu.wait_indirect_dma semaphore(%arg7 : memref<!tpu.dma_semaphore, #tpu.memory_space<semaphore_mem>>) src(%dma_wait3A_242 : memref<10000x32xf32, #tpu.memory_space<hbm>>) dst(%dma_wait3A_238 : memref<128x32xf32, #tpu.memory_space<vmem>>)
      %dma_wait3A_243 = arith.constant 896 : i32
      %dma_wait3A_244 = arith.constant 0 : i32
      %dma_wait3A_245 = tpu.memref_slice %arg6[%dma_wait3A_243, %dma_wait3A_244] : memref<1664x32xf32, #tpu.memory_space<vmem>> -> memref<128x32xf32, #tpu.memory_space<vmem>>
      %dma_wait3A_246 = tpu.memref_slice %arg5[%mul3A_121] : memref<10000xi32, #tpu.memory_space<vmem>> -> memref<128xi32, #tpu.memory_space<vmem>>
      %dma_wait3A_247 = arith.constant 0 : i32
      %dma_wait3A_248 = arith.constant 0 : i32
      %dma_wait3A_249 = tpu.memref_slice %arg2[%dma_wait3A_247, %dma_wait3A_248] : memref<10000x32xf32, #tpu.memory_space<hbm>> -> memref<10000x32xf32, #tpu.memory_space<hbm>>
      tpu.wait_indirect_dma semaphore(%arg7 : memref<!tpu.dma_semaphore, #tpu.memory_space<semaphore_mem>>) src(%dma_wait3A_249 : memref<10000x32xf32, #tpu.memory_space<hbm>>) dst(%dma_wait3A_245 : memref<128x32xf32, #tpu.memory_space<vmem>>)
      %dma_wait3A_250 = arith.constant 1024 : i32
      %dma_wait3A_251 = arith.constant 0 : i32
      %dma_wait3A_252 = tpu.memref_slice %arg6[%dma_wait3A_250, %dma_wait3A_251] : memref<1664x32xf32, #tpu.memory_space<vmem>> -> memref<128x32xf32, #tpu.memory_space<vmem>>
      %dma_wait3A_253 = tpu.memref_slice %arg5[%mul3A_134] : memref<10000xi32, #tpu.memory_space<vmem>> -> memref<128xi32, #tpu.memory_space<vmem>>
      %dma_wait3A_254 = arith.constant 0 : i32
      %dma_wait3A_255 = arith.constant 0 : i32
      %dma_wait3A_256 = tpu.memref_slice %arg2[%dma_wait3A_254, %dma_wait3A_255] : memref<10000x32xf32, #tpu.memory_space<hbm>> -> memref<10000x32xf32, #tpu.memory_space<hbm>>
      tpu.wait_indirect_dma semaphore(%arg7 : memref<!tpu.dma_semaphore, #tpu.memory_space<semaphore_mem>>) src(%dma_wait3A_256 : memref<10000x32xf32, #tpu.memory_space<hbm>>) dst(%dma_wait3A_252 : memref<128x32xf32, #tpu.memory_space<vmem>>)
      %dma_wait3A_257 = arith.constant 1152 : i32
      %dma_wait3A_258 = arith.constant 0 : i32
      %dma_wait3A_259 = tpu.memref_slice %arg6[%dma_wait3A_257, %dma_wait3A_258] : memref<1664x32xf32, #tpu.memory_space<vmem>> -> memref<128x32xf32, #tpu.memory_space<vmem>>
      %dma_wait3A_260 = tpu.memref_slice %arg5[%mul3A_147] : memref<10000xi32, #tpu.memory_space<vmem>> -> memref<128xi32, #tpu.memory_space<vmem>>
      %dma_wait3A_261 = arith.constant 0 : i32
      %dma_wait3A_262 = arith.constant 0 : i32
      %dma_wait3A_263 = tpu.memref_slice %arg2[%dma_wait3A_261, %dma_wait3A_262] : memref<10000x32xf32, #tpu.memory_space<hbm>> -> memref<10000x32xf32, #tpu.memory_space<hbm>>
      tpu.wait_indirect_dma semaphore(%arg7 : memref<!tpu.dma_semaphore, #tpu.memory_space<semaphore_mem>>) src(%dma_wait3A_263 : memref<10000x32xf32, #tpu.memory_space<hbm>>) dst(%dma_wait3A_259 : memref<128x32xf32, #tpu.memory_space<vmem>>)
      %dma_wait3A_264 = arith.constant 1280 : i32
      %dma_wait3A_265 = arith.constant 0 : i32
      %dma_wait3A_266 = tpu.memref_slice %arg6[%dma_wait3A_264, %dma_wait3A_265] : memref<1664x32xf32, #tpu.memory_space<vmem>> -> memref<128x32xf32, #tpu.memory_space<vmem>>
      %dma_wait3A_267 = tpu.memref_slice %arg5[%mul3A_160] : memref<10000xi32, #tpu.memory_space<vmem>> -> memref<128xi32, #tpu.memory_space<vmem>>
      %dma_wait3A_268 = arith.constant 0 : i32
      %dma_wait3A_269 = arith.constant 0 : i32
      %dma_wait3A_270 = tpu.memref_slice %arg2[%dma_wait3A_268, %dma_wait3A_269] : memref<10000x32xf32, #tpu.memory_space<hbm>> -> memref<10000x32xf32, #tpu.memory_space<hbm>>
      tpu.wait_indirect_dma semaphore(%arg7 : memref<!tpu.dma_semaphore, #tpu.memory_space<semaphore_mem>>) src(%dma_wait3A_270 : memref<10000x32xf32, #tpu.memory_space<hbm>>) dst(%dma_wait3A_266 : memref<128x32xf32, #tpu.memory_space<vmem>>)
      %dma_wait3A_271 = arith.constant 1408 : i32
      %dma_wait3A_272 = arith.constant 0 : i32
      %dma_wait3A_273 = tpu.memref_slice %arg6[%dma_wait3A_271, %dma_wait3A_272] : memref<1664x32xf32, #tpu.memory_space<vmem>> -> memref<128x32xf32, #tpu.memory_space<vmem>>
      %dma_wait3A_274 = tpu.memref_slice %arg5[%mul3A_173] : memref<10000xi32, #tpu.memory_space<vmem>> -> memref<128xi32, #tpu.memory_space<vmem>>
      %dma_wait3A_275 = arith.constant 0 : i32
      %dma_wait3A_276 = arith.constant 0 : i32
      %dma_wait3A_277 = tpu.memref_slice %arg2[%dma_wait3A_275, %dma_wait3A_276] : memref<10000x32xf32, #tpu.memory_space<hbm>> -> memref<10000x32xf32, #tpu.memory_space<hbm>>
      tpu.wait_indirect_dma semaphore(%arg7 : memref<!tpu.dma_semaphore, #tpu.memory_space<semaphore_mem>>) src(%dma_wait3A_277 : memref<10000x32xf32, #tpu.memory_space<hbm>>) dst(%dma_wait3A_273 : memref<128x32xf32, #tpu.memory_space<vmem>>)
      %dma_wait3A_278 = arith.constant 1536 : i32
      %dma_wait3A_279 = arith.constant 0 : i32
      %dma_wait3A_280 = tpu.memref_slice %arg6[%dma_wait3A_278, %dma_wait3A_279] : memref<1664x32xf32, #tpu.memory_space<vmem>> -> memref<128x32xf32, #tpu.memory_space<vmem>>
      %dma_wait3A_281 = tpu.memref_slice %arg5[%mul3A_186] : memref<10000xi32, #tpu.memory_space<vmem>> -> memref<128xi32, #tpu.memory_space<vmem>>
      %dma_wait3A_282 = arith.constant 0 : i32
      %dma_wait3A_283 = arith.constant 0 : i32
      %dma_wait3A_284 = tpu.memref_slice %arg2[%dma_wait3A_282, %dma_wait3A_283] : memref<10000x32xf32, #tpu.memory_space<hbm>> -> memref<10000x32xf32, #tpu.memory_space<hbm>>
      tpu.wait_indirect_dma semaphore(%arg7 : memref<!tpu.dma_semaphore, #tpu.memory_space<semaphore_mem>>) src(%dma_wait3A_284 : memref<10000x32xf32, #tpu.memory_space<hbm>>) dst(%dma_wait3A_280 : memref<128x32xf32, #tpu.memory_space<vmem>>)
      %mul3A_285 = arith.constant 1664 : i32
      %mul3A_286 = arith.muli %scan3A_24, %mul3A_285 : i32
      %add3A_287 = arith.addi %mul3A_2, %mul3A_286 : i32
      "tpu.region"() ({
        %run_scoped3A = tpu.sem_alloc : memref<!tpu.dma_semaphore, #tpu.memory_space<semaphore_mem>>
        %dma_start3A_288 = arith.constant 0 : i32
        %dma_start3A_289 = tpu.memref_slice %arg4[%add3A_287, %dma_start3A_288] : memref<320000x32xf32, #tpu.memory_space<hbm>> -> memref<1664x32xf32, #tpu.memory_space<hbm>>
        %dma_start3A_290 = arith.constant 0 : i32
        %dma_start3A_291 = tpu.memref_slice %arg4[%add3A_287, %dma_start3A_290] : memref<320000x32xf32, #tpu.memory_space<hbm>> -> memref<1664x32xf32, #tpu.memory_space<hbm>>
        tpu.enqueue_dma source(%arg6 : memref<1664x32xf32, #tpu.memory_space<vmem>>) target(%dma_start3A_291 : memref<1664x32xf32, #tpu.memory_space<hbm>>) target_semaphore(%run_scoped3A : memref<!tpu.dma_semaphore, #tpu.memory_space<semaphore_mem>>)
        %dma_wait3A_292 = arith.constant 0 : i32
        %dma_wait3A_293 = tpu.memref_slice %arg4[%add3A_287, %dma_wait3A_292] : memref<320000x32xf32, #tpu.memory_space<hbm>> -> memref<1664x32xf32, #tpu.memory_space<hbm>>
        %dma_wait3A_294 = arith.constant 0 : i32
        %dma_wait3A_295 = tpu.memref_slice %arg4[%add3A_287, %dma_wait3A_294] : memref<320000x32xf32, #tpu.memory_space<hbm>> -> memref<1664x32xf32, #tpu.memory_space<hbm>>
        tpu.wait_dma2 semaphore(%run_scoped3A : memref<!tpu.dma_semaphore, #tpu.memory_space<semaphore_mem>>) src(%arg6 : memref<1664x32xf32, #tpu.memory_space<vmem>>) dst(%dma_wait3A_295 : memref<1664x32xf32, #tpu.memory_space<hbm>>)
        tpu.yield
      }) : () -> ()
    }
    %scan3A_7 = arith.constant 6 : i32
    %dma_start3A = arith.constant 0 : i32
    %dma_start3A_8 = arith.constant 0 : i32
    %dma_start3A_9 = tpu.memref_slice %arg6[%dma_start3A, %dma_start3A_8] : memref<1664x32xf32, #tpu.memory_space<vmem>> -> memref<16x32xf32, #tpu.memory_space<vmem>>
    %dma_start3A_10 = arith.constant 9984 : i32
    %dma_start3A_11 = tpu.memref_slice %arg5[%dma_start3A_10] : memref<10000xi32, #tpu.memory_space<vmem>> -> memref<16xi32, #tpu.memory_space<vmem>>
    %dma_start3A_12 = arith.constant 0 : i32
    %dma_start3A_13 = arith.constant 0 : i32
    %dma_start3A_14 = tpu.memref_slice %arg2[%dma_start3A_12, %dma_start3A_13] : memref<10000x32xf32, #tpu.memory_space<hbm>> -> memref<10000x32xf32, #tpu.memory_space<hbm>>
    tpu.enqueue_indirect_dma source(%dma_start3A_14 : memref<10000x32xf32, #tpu.memory_space<hbm>>) target(%dma_start3A_9 : memref<16x32xf32, #tpu.memory_space<vmem>>) offsets(%dma_start3A_11 : memref<16xi32, #tpu.memory_space<vmem>>) semaphore(%arg7 : memref<!tpu.dma_semaphore, #tpu.memory_space<semaphore_mem>>)
    %dma_wait3A = arith.constant 0 : i32
    %dma_wait3A_15 = arith.constant 0 : i32
    %dma_wait3A_16 = tpu.memref_slice %arg6[%dma_wait3A, %dma_wait3A_15] : memref<1664x32xf32, #tpu.memory_space<vmem>> -> memref<16x32xf32, #tpu.memory_space<vmem>>
    %dma_wait3A_17 = arith.constant 9984 : i32
    %dma_wait3A_18 = tpu.memref_slice %arg5[%dma_wait3A_17] : memref<10000xi32, #tpu.memory_space<vmem>> -> memref<16xi32, #tpu.memory_space<vmem>>
    %dma_wait3A_19 = arith.constant 0 : i32
    %dma_wait3A_20 = arith.constant 0 : i32
    %dma_wait3A_21 = tpu.memref_slice %arg2[%dma_wait3A_19, %dma_wait3A_20] : memref<10000x32xf32, #tpu.memory_space<hbm>> -> memref<10000x32xf32, #tpu.memory_space<hbm>>
    tpu.wait_indirect_dma semaphore(%arg7 : memref<!tpu.dma_semaphore, #tpu.memory_space<semaphore_mem>>) src(%dma_wait3A_21 : memref<10000x32xf32, #tpu.memory_space<hbm>>) dst(%dma_wait3A_16 : memref<16x32xf32, #tpu.memory_space<vmem>>)
    %add3A_22 = arith.constant 9984 : i32
    %add3A_23 = arith.addi %mul3A_2, %add3A_22 : i32
    "tpu.region"() ({
      %run_scoped3A = tpu.sem_alloc : memref<!tpu.dma_semaphore, #tpu.memory_space<semaphore_mem>>
      %dma_start3A_24 = arith.constant 0 : i32
      %dma_start3A_25 = arith.constant 0 : i32
      %dma_start3A_26 = tpu.memref_slice %arg6[%dma_start3A_24, %dma_start3A_25] : memref<1664x32xf32, #tpu.memory_space<vmem>> -> memref<16x32xf32, #tpu.memory_space<vmem>>
      %dma_start3A_27 = arith.constant 0 : i32
      %dma_start3A_28 = tpu.memref_slice %arg4[%add3A_23, %dma_start3A_27] : memref<320000x32xf32, #tpu.memory_space<hbm>> -> memref<16x32xf32, #tpu.memory_space<hbm>>
      %dma_start3A_29 = arith.constant 0 : i32
      %dma_start3A_30 = tpu.memref_slice %arg4[%add3A_23, %dma_start3A_29] : memref<320000x32xf32, #tpu.memory_space<hbm>> -> memref<16x32xf32, #tpu.memory_space<hbm>>
      %dma_start3A_31 = arith.constant 0 : i32
      %dma_start3A_32 = arith.constant 0 : i32
      %dma_start3A_33 = tpu.memref_slice %arg6[%dma_start3A_31, %dma_start3A_32] : memref<1664x32xf32, #tpu.memory_space<vmem>> -> memref<16x32xf32, #tpu.memory_space<vmem>>
      tpu.enqueue_dma source(%dma_start3A_33 : memref<16x32xf32, #tpu.memory_space<vmem>>) target(%dma_start3A_30 : memref<16x32xf32, #tpu.memory_space<hbm>>) target_semaphore(%run_scoped3A : memref<!tpu.dma_semaphore, #tpu.memory_space<semaphore_mem>>)
      %dma_wait3A_34 = arith.constant 0 : i32
      %dma_wait3A_35 = arith.constant 0 : i32
      %dma_wait3A_36 = tpu.memref_slice %arg6[%dma_wait3A_34, %dma_wait3A_35] : memref<1664x32xf32, #tpu.memory_space<vmem>> -> memref<16x32xf32, #tpu.memory_space<vmem>>
      %dma_wait3A_37 = arith.constant 0 : i32
      %dma_wait3A_38 = tpu.memref_slice %arg4[%add3A_23, %dma_wait3A_37] : memref<320000x32xf32, #tpu.memory_space<hbm>> -> memref<16x32xf32, #tpu.memory_space<hbm>>
      %dma_wait3A_39 = arith.constant 0 : i32
      %dma_wait3A_40 = tpu.memref_slice %arg4[%add3A_23, %dma_wait3A_39] : memref<320000x32xf32, #tpu.memory_space<hbm>> -> memref<16x32xf32, #tpu.memory_space<hbm>>
      %dma_wait3A_41 = arith.constant 0 : i32
      %dma_wait3A_42 = arith.constant 0 : i32
      %dma_wait3A_43 = tpu.memref_slice %arg6[%dma_wait3A_41, %dma_wait3A_42] : memref<1664x32xf32, #tpu.memory_space<vmem>> -> memref<16x32xf32, #tpu.memory_space<vmem>>
      tpu.wait_dma2 semaphore(%run_scoped3A : memref<!tpu.dma_semaphore, #tpu.memory_space<semaphore_mem>>) src(%dma_wait3A_43 : memref<16x32xf32, #tpu.memory_space<vmem>>) dst(%dma_wait3A_40 : memref<16x32xf32, #tpu.memory_space<hbm>>)
      tpu.yield
    }) : () -> ()
    return
  }
}

module attributes {stable_mosaic.version = 14 : i64} {
  func.func @_prep_kernel(%arg0: memref<10000x6xf32, #tpu.memory_space<vmem>>, %arg1: memref<2500x128xf32, #tpu.memory_space<vmem>>, %arg2: memref<2500x128xf32, #tpu.memory_space<vmem>>, %arg3: memref<6x6xf32, #tpu.memory_space<vmem>>, %arg4: memref<1x6xf32, #tpu.memory_space<vmem>>, %arg5: memref<1x12xf32, #tpu.memory_space<vmem>>, %arg6: memref<100x2xf32, #tpu.memory_space<vmem>>, %arg7: memref<100x1xf32, #tpu.memory_space<vmem>>, %arg8: memref<1x100xf32, #tpu.memory_space<vmem>>, %arg9: memref<1x1xf32, #tpu.memory_space<vmem>>, %arg10: memref<10000x16xf32, #tpu.memory_space<vmem>>, %arg11: memref<2500x128xf32, #tpu.memory_space<vmem>>) attributes {dimension_semantics = [], scalar_prefetch = 0 : i64, scratch_operands = 0 : i64, tpu.core_type = #tpu.core_type<tc>} {
    %get3A = arith.constant 0 : index
    %get3A_0 = arith.constant 0 : index
    %get3A_1 = vector.load %arg0[%get3A, %get3A_0] : memref<10000x6xf32, #tpu.memory_space<vmem>>, vector<10000x6xf32>
    %get3A_2 = arith.constant 0 : index
    %get3A_3 = arith.constant 0 : index
    %get3A_4 = vector.load %arg3[%get3A_2, %get3A_3] : memref<6x6xf32, #tpu.memory_space<vmem>>, vector<6x6xf32>
    %transpose3A = tpu.transpose %get3A_4, [1, 0] : vector<6x6xf32> -> vector<6x6xf32>
    %dot_general3A = arith.constant dense<0.000000e+00> : vector<10000x6xf32>
    %dot_general3A_5 = tpu.matmul %get3A_1, %transpose3A, %dot_general3A {dimension_numbers = #tpu.dot_dimension_numbers<[1], [0], [0], [1], [0, 0, 1, 1], [], []>, transpose_lhs_hint = false} : vector<10000x6xf32>, vector<6x6xf32>, vector<10000x6xf32> -> vector<10000x6xf32>
    %get3A_6 = arith.constant 0 : index
    %get3A_7 = arith.constant 0 : index
    %get3A_8 = vector.load %arg4[%get3A_6, %get3A_7] : memref<1x6xf32, #tpu.memory_space<vmem>>, vector<1x6xf32>
    %add3A = vector.broadcast %get3A_8 : vector<1x6xf32> to vector<10000x6xf32>
    %add3A_9 = arith.addf %dot_general3A_5, %add3A : vector<10000x6xf32>
    %get3A_10 = arith.constant 0 : index
    %get3A_11 = arith.constant 0 : index
    %get3A_12 = vector.load %arg5[%get3A_10, %get3A_11] : memref<1x12xf32, #tpu.memory_space<vmem>>, vector<1x6xf32>
    %get3A_13 = arith.constant 0 : index
    %get3A_14 = arith.constant 6 : index
    %get3A_15 = vector.load %arg5[%get3A_13, %get3A_14] : memref<1x12xf32, #tpu.memory_space<vmem>>, vector<1x6xf32>
    %reduce_sum3A = vector.shape_cast %get3A_15 : vector<1x6xf32> to vector<1x1x6xf32>
    %reduce_sum3A_16 = arith.constant dense<0.000000e+00> : vector<1xf32>
    %reduce_sum3A_17 = vector.multi_reduction <add>, %reduce_sum3A, %reduce_sum3A_16 [1, 2] : vector<1x1x6xf32> to vector<1xf32>
    %reduce_sum3A_18 = vector.shape_cast %reduce_sum3A_17 : vector<1xf32> to vector<1x1x1xf32>
    %reduce_sum3A_19 = vector.extract %reduce_sum3A_18[0, 0, 0] : f32 from vector<1x1x1xf32>
    %mul3A = vector.broadcast %get3A_12 : vector<1x6xf32> to vector<10000x6xf32>
    %mul3A_20 = arith.mulf %add3A_9, %mul3A : vector<10000x6xf32>
    %reduce_sum3A_21 = arith.constant dense<0.000000e+00> : vector<10000xf32>
    %reduce_sum3A_22 = vector.multi_reduction <add>, %mul3A_20, %reduce_sum3A_21 [1] : vector<10000x6xf32> to vector<10000xf32>
    %broadcast_in_dim3A = vector.shape_cast %reduce_sum3A_22 : vector<10000xf32> to vector<10000x1xf32>
    %mul3A_23 = vector.broadcast %reduce_sum3A_19 : f32 to vector<10000x6xf32>
    %mul3A_24 = arith.mulf %mul3A_23, %add3A_9 : vector<10000x6xf32>
    %add3A_25 = vector.broadcast %broadcast_in_dim3A : vector<10000x1xf32> to vector<10000x6xf32>
    %add3A_26 = arith.addf %add3A_25, %mul3A_24 : vector<10000x6xf32>
    %ge3A = arith.constant 0.000000e+00 : f32
    %ge3A_27 = vector.broadcast %ge3A : f32 to vector<10000x6xf32>
    %ge3A_28 = arith.cmpf oge, %add3A_26, %ge3A_27 : vector<10000x6xf32>
    %mul3A_29 = arith.constant 0.00999999977 : f32
    %mul3A_30 = vector.broadcast %mul3A_29 : f32 to vector<10000x6xf32>
    %mul3A_31 = arith.mulf %mul3A_30, %add3A_26 : vector<10000x6xf32>
    %select_n3A = arith.select %ge3A_28, %add3A_26, %mul3A_31 : vector<10000x6xi1>, vector<10000x6xf32>
    %reduce_max3A = arith.constant dense<0xFF800000> : vector<10000xf32>
    %reduce_max3A_32 = vector.multi_reduction <maximumf>, %select_n3A, %reduce_max3A [1] : vector<10000x6xf32> to vector<10000xf32>
    %broadcast_in_dim3A_33 = vector.shape_cast %reduce_max3A_32 : vector<10000xf32> to vector<10000x1xf32>
    %sub3A = vector.broadcast %broadcast_in_dim3A_33 : vector<10000x1xf32> to vector<10000x6xf32>
    %sub3A_34 = arith.subf %select_n3A, %sub3A : vector<10000x6xf32>
    %exp3A = math.exp %sub3A_34 : vector<10000x6xf32>
    %reduce_sum3A_35 = arith.constant dense<0.000000e+00> : vector<10000xf32>
    %reduce_sum3A_36 = vector.multi_reduction <add>, %exp3A, %reduce_sum3A_35 [1] : vector<10000x6xf32> to vector<10000xf32>
    %broadcast_in_dim3A_37 = vector.shape_cast %reduce_sum3A_36 : vector<10000xf32> to vector<10000x1xf32>
    %div3A = vector.broadcast %broadcast_in_dim3A_37 : vector<10000x1xf32> to vector<10000x6xf32>
    %div3A_38 = arith.divf %exp3A, %div3A : vector<10000x6xf32>
    %mul3A_39 = arith.mulf %div3A_38, %add3A_9 : vector<10000x6xf32>
    %broadcast_in_dim3A_40 = arith.constant 0.000000e+00 : f32
    %broadcast_in_dim3A_41 = vector.broadcast %broadcast_in_dim3A_40 : f32 to vector<10000x10xf32>
    %concatenate3A = tpu.concatenate %mul3A_39, %broadcast_in_dim3A_41 in 1 : vector<10000x6xf32>, vector<10000x10xf32> -> vector<10000x16xf32>
    %swap3A = arith.constant 0 : index
    %swap3A_42 = arith.constant 0 : index
    %swap3A_43 = vector.load %arg10[%swap3A, %swap3A_42] : memref<10000x16xf32, #tpu.memory_space<vmem>>, vector<10000x16xf32>
    tpu.vector_store %arg10[%swap3A, %swap3A_42], %concatenate3A {strides = array<i32>} : memref<10000x16xf32, #tpu.memory_space<vmem>>, vector<10000x16xf32>,
    %get3A_44 = arith.constant 0 : index
    %get3A_45 = arith.constant 0 : index
    %get3A_46 = vector.load %arg8[%get3A_44, %get3A_45] : memref<1x100xf32, #tpu.memory_space<vmem>>, vector<1x100xf32>
    %get3A_47 = arith.constant 0 : index
    %get3A_48 = arith.constant 0 : index
    %get3A_49 = vector.load %arg6[%get3A_47, %get3A_48] : memref<100x2xf32, #tpu.memory_space<vmem>>, vector<100x2xf32>
    %dot_general3A_50 = arith.constant dense<0.000000e+00> : vector<1x2xf32>
    %dot_general3A_51 = tpu.matmul %get3A_46, %get3A_49, %dot_general3A_50 {dimension_numbers = #tpu.dot_dimension_numbers<[1], [0], [0], [1], [0, 0, 1, 1], [], []>, transpose_lhs_hint = false} : vector<1x100xf32>, vector<100x2xf32>, vector<1x2xf32> -> vector<1x2xf32>
    %get3A_52 = arith.constant 0 : index
    %get3A_53 = arith.constant 0 : index
    %get3A_54 = vector.load %arg8[%get3A_52, %get3A_53] : memref<1x100xf32, #tpu.memory_space<vmem>>, vector<1x100xf32>
    %get3A_55 = arith.constant 0 : index
    %get3A_56 = arith.constant 0 : index
    %get3A_57 = vector.load %arg7[%get3A_55, %get3A_56] : memref<100x1xf32, #tpu.memory_space<vmem>>, vector<100x1xf32>
    %dot_general3A_58 = arith.constant dense<0.000000e+00> : vector<1x1xf32>
    %dot_general3A_59 = tpu.matmul %get3A_54, %get3A_57, %dot_general3A_58 {dimension_numbers = #tpu.dot_dimension_numbers<[1], [0], [0], [1], [0, 0, 1, 1], [], []>, transpose_lhs_hint = false} : vector<1x100xf32>, vector<100x1xf32>, vector<1x1xf32> -> vector<1x1xf32>
    %get3A_60 = arith.constant 0 : index
    %get3A_61 = arith.constant 0 : index
    %get3A_62 = vector.load %arg9[%get3A_60, %get3A_61] : memref<1x1xf32, #tpu.memory_space<vmem>>, vector<1x1xf32>
    %add3A_63 = arith.addf %dot_general3A_59, %get3A_62 : vector<1x1xf32>
    %get3A_64 = arith.constant 0 : index
    %get3A_65 = arith.constant 0 : index
    %get3A_66 = vector.load %arg1[%get3A_64, %get3A_65] : memref<2500x128xf32, #tpu.memory_space<vmem>>, vector<2500x128xf32>
    %slice3A = vector.extract_strided_slice %dot_general3A_51 {offsets = [0, 0], sizes = [1, 1], strides = [1, 1]} : vector<1x2xf32> to vector<1x1xf32>
    %mul3A_67 = vector.broadcast %slice3A : vector<1x1xf32> to vector<2500x128xf32>
    %mul3A_68 = arith.mulf %get3A_66, %mul3A_67 : vector<2500x128xf32>
    %get3A_69 = arith.constant 0 : index
    %get3A_70 = arith.constant 0 : index
    %get3A_71 = vector.load %arg2[%get3A_69, %get3A_70] : memref<2500x128xf32, #tpu.memory_space<vmem>>, vector<2500x128xf32>
    %slice3A_72 = vector.extract_strided_slice %dot_general3A_51 {offsets = [0, 1], sizes = [1, 1], strides = [1, 1]} : vector<1x2xf32> to vector<1x1xf32>
    %mul3A_73 = vector.broadcast %slice3A_72 : vector<1x1xf32> to vector<2500x128xf32>
    %mul3A_74 = arith.mulf %get3A_71, %mul3A_73 : vector<2500x128xf32>
    %add3A_75 = arith.addf %mul3A_68, %mul3A_74 : vector<2500x128xf32>
    %add3A_76 = vector.broadcast %add3A_63 : vector<1x1xf32> to vector<2500x128xf32>
    %add3A_77 = arith.addf %add3A_75, %add3A_76 : vector<2500x128xf32>
    %swap3A_78 = arith.constant 0 : index
    %swap3A_79 = arith.constant 0 : index
    %swap3A_80 = vector.load %arg11[%swap3A_78, %swap3A_79] : memref<2500x128xf32, #tpu.memory_space<vmem>>, vector<2500x128xf32>
    tpu.vector_store %arg11[%swap3A_78, %swap3A_79], %add3A_77 {strides = array<i32>} : memref<2500x128xf32, #tpu.memory_space<vmem>>, vector<2500x128xf32>,
    return
  }
}

module attributes {stable_mosaic.version = 14 : i64} {
  func.func @_lstm1_kernel(%arg0: i32, %arg1: i32, %arg2: memref<2x1250x128xf32, #tpu.memory_space<vmem>>, %arg3: memref<1250x256xf32, #tpu.memory_space<vmem>>, %arg4: memref<2x256x128xf32, #tpu.memory_space<vmem>>, %arg5: memref<1250x128xf32, #tpu.memory_space<vmem>>, %arg6: memref<128x64xf32, #tpu.memory_space<vmem>>, %arg7: memref<128x64xf32, #tpu.memory_space<vmem>>, %arg8: memref<128x64xf32, #tpu.memory_space<vmem>>, %arg9: memref<128x64xf32, #tpu.memory_space<vmem>>, %arg10: memref<64x64xf32, #tpu.memory_space<vmem>>, %arg11: memref<64x64xf32, #tpu.memory_space<vmem>>, %arg12: memref<64x64xf32, #tpu.memory_space<vmem>>, %arg13: memref<64x64xf32, #tpu.memory_space<vmem>>, %arg14: memref<1x64xf32, #tpu.memory_space<vmem>>, %arg15: memref<1x64xf32, #tpu.memory_space<vmem>>, %arg16: memref<1x64xf32, #tpu.memory_space<vmem>>, %arg17: memref<1x64xf32, #tpu.memory_space<vmem>>, %arg18: memref<128x256xf32, #tpu.memory_space<vmem>>, %arg19: memref<64x256xf32, #tpu.memory_space<vmem>>, %arg20: memref<1x256xf32, #tpu.memory_space<vmem>>, %arg21: memref<1250x128xf32, #tpu.memory_space<vmem>>, %arg22: memref<1250x128xf32, #tpu.memory_space<vmem>>, %arg23: memref<1250x64xf32, #tpu.memory_space<vmem>>, %arg24: memref<1250x64xf32, #tpu.memory_space<vmem>>) attributes {dimension_semantics = [#tpu.dimension_semantics<arbitrary>, #tpu.dimension_semantics<arbitrary>], iteration_bounds = array<i64: 1, 16>, scalar_prefetch = 0 : i64, scratch_operands = 2 : i64, tpu.core_type = #tpu.core_type<tc>, window_params = [{transform_indices = @transform_0, window_bounds = array<i64: 2, 1250, 128>}, {transform_indices = @transform_1, window_bounds = array<i64: 1250, 256>}, {transform_indices = @transform_2, window_bounds = array<i64: 2, 256, 128>}, {transform_indices = @transform_3, window_bounds = array<i64: 1250, 128>}, {pipeline_mode = #tpu.pipeline_mode<synchronous>, transform_indices = @transform_4, window_bounds = array<i64: 128, 64>}, {pipeline_mode = #tpu.pipeline_mode<synchronous>, transform_indices = @transform_5, window_bounds = array<i64: 128, 64>}, {pipeline_mode = #tpu.pipeline_mode<synchronous>, transform_indices = @transform_6, window_bounds = array<i64: 128, 64>}, {pipeline_mode = #tpu.pipeline_mode<synchronous>, transform_indices = @transform_7, window_bounds = array<i64: 128, 64>}, {pipeline_mode = #tpu.pipeline_mode<synchronous>, transform_indices = @transform_8, window_bounds = array<i64: 64, 64>}, {pipeline_mode = #tpu.pipeline_mode<synchronous>, transform_indices = @transform_9, window_bounds = array<i64: 64, 64>}, {pipeline_mode = #tpu.pipeline_mode<synchronous>, transform_indices = @transform_10, window_bounds = array<i64: 64, 64>}, {pipeline_mode = #tpu.pipeline_mode<synchronous>, transform_indices = @transform_11, window_bounds = array<i64: 64, 64>}, {pipeline_mode = #tpu.pipeline_mode<synchronous>, transform_indices = @transform_12, window_bounds = array<i64: 1, 64>}, {pipeline_mode = #tpu.pipeline_mode<synchronous>, transform_indices = @transform_13, window_bounds = array<i64: 1, 64>}, {pipeline_mode = #tpu.pipeline_mode<synchronous>, transform_indices = @transform_14, window_bounds = array<i64: 1, 64>}, {pipeline_mode = #tpu.pipeline_mode<synchronous>, transform_indices = @transform_15, window_bounds = array<i64: 1, 64>}, {pipeline_mode = #tpu.pipeline_mode<synchronous>, transform_indices = @transform_16, window_bounds = array<i64: 128, 256>}, {pipeline_mode = #tpu.pipeline_mode<synchronous>, transform_indices = @transform_17, window_bounds = array<i64: 64, 256>}, {pipeline_mode = #tpu.pipeline_mode<synchronous>, transform_indices = @transform_18, window_bounds = array<i64: 1, 256>}, {transform_indices = @transform_19, window_bounds = array<i64: 1250, 128>}, {transform_indices = @transform_20, window_bounds = array<i64: 1250, 128>}]} {
    %eq3A = arith.constant 0 : i32
    %eq3A_0 = arith.cmpi eq, %arg1, %eq3A : i32
    %convert_element_type3A = arith.extui %eq3A_0 : i1 to i32
    %cond3A = arith.constant 0 : i32
    %cond3A_1 = arith.cmpi ne, %convert_element_type3A, %cond3A : i32
    scf.if %cond3A_1 {
      %broadcast_in_dim3A = arith.constant 0.000000e+00 : f32
      %broadcast_in_dim3A_227 = vector.broadcast %broadcast_in_dim3A : f32 to vector<1250x64xf32>
      %swap3A_228 = arith.constant 0 : index
      %swap3A_229 = arith.constant 0 : index
      %swap3A_230 = vector.load %arg23[%swap3A_228, %swap3A_229] : memref<1250x64xf32, #tpu.memory_space<vmem>>, vector<1250x64xf32>
      tpu.vector_store %arg23[%swap3A_228, %swap3A_229], %broadcast_in_dim3A_227 {strides = array<i32>} : memref<1250x64xf32, #tpu.memory_space<vmem>>, vector<1250x64xf32>,
      %broadcast_in_dim3A_231 = arith.constant 0.000000e+00 : f32
      %broadcast_in_dim3A_232 = vector.broadcast %broadcast_in_dim3A_231 : f32 to vector<1250x64xf32>
      %swap3A_233 = arith.constant 0 : index
      %swap3A_234 = arith.constant 0 : index
      %swap3A_235 = vector.load %arg24[%swap3A_233, %swap3A_234] : memref<1250x64xf32, #tpu.memory_space<vmem>>, vector<1250x64xf32>
      tpu.vector_store %arg24[%swap3A_233, %swap3A_234], %broadcast_in_dim3A_232 {strides = array<i32>} : memref<1250x64xf32, #tpu.memory_space<vmem>>, vector<1250x64xf32>,
    } else {
    }
    %get3A = arith.constant 0 : index
    %get3A_2 = arith.constant 0 : index
    %get3A_3 = vector.load %arg23[%get3A, %get3A_2] : memref<1250x64xf32, #tpu.memory_space<vmem>>, vector<1250x64xf32>
    %get3A_4 = arith.constant 0 : index
    %get3A_5 = arith.constant 0 : index
    %get3A_6 = vector.load %arg24[%get3A_4, %get3A_5] : memref<1250x64xf32, #tpu.memory_space<vmem>>, vector<1250x64xf32>
    %get3A_7 = arith.constant 0 : index
    %get3A_8 = arith.constant 0 : index
    %get3A_9 = vector.load %arg3[%get3A_7, %get3A_8] : memref<1250x256xf32, #tpu.memory_space<vmem>>, vector<1250x256xf32>
    %get3A_10 = arith.constant 0 : index
    %get3A_11 = arith.constant 0 : index
    %get3A_12 = arith.constant 0 : index
    %get3A_13 = vector.load %arg4[%get3A_10, %get3A_11, %get3A_12] : memref<2x256x128xf32, #tpu.memory_space<vmem>>, vector<1x256x128xf32>
    %get3A_14 = vector.shape_cast %get3A_13 : vector<1x256x128xf32> to vector<256x128xf32>
    %dot_general3A = arith.constant dense<0.000000e+00> : vector<1250x128xf32>
    %dot_general3A_15 = tpu.matmul %get3A_9, %get3A_14, %dot_general3A {dimension_numbers = #tpu.dot_dimension_numbers<[1], [0], [0], [1], [0, 0, 1, 1], [], []>, transpose_lhs_hint = false} : vector<1250x256xf32>, vector<256x128xf32>, vector<1250x128xf32> -> vector<1250x128xf32>
    %get3A_16 = arith.constant 0 : index
    %get3A_17 = arith.constant 0 : index
    %get3A_18 = arith.constant 0 : index
    %get3A_19 = vector.load %arg2[%get3A_16, %get3A_17, %get3A_18] : memref<2x1250x128xf32, #tpu.memory_space<vmem>>, vector<1x1250x128xf32>
    %get3A_20 = vector.shape_cast %get3A_19 : vector<1x1250x128xf32> to vector<1250x128xf32>
    %mul3A = arith.mulf %get3A_20, %dot_general3A_15 : vector<1250x128xf32>
    %get3A_21 = arith.constant 0 : index
    %get3A_22 = arith.constant 0 : index
    %get3A_23 = vector.load %arg6[%get3A_21, %get3A_22] : memref<128x64xf32, #tpu.memory_space<vmem>>, vector<128x64xf32>
    %dot_general3A_24 = arith.constant dense<0.000000e+00> : vector<1250x64xf32>
    %dot_general3A_25 = tpu.matmul %mul3A, %get3A_23, %dot_general3A_24 {dimension_numbers = #tpu.dot_dimension_numbers<[1], [0], [0], [1], [0, 0, 1, 1], [], []>, transpose_lhs_hint = false} : vector<1250x128xf32>, vector<128x64xf32>, vector<1250x64xf32> -> vector<1250x64xf32>
    %get3A_26 = arith.constant 0 : index
    %get3A_27 = arith.constant 0 : index
    %get3A_28 = vector.load %arg10[%get3A_26, %get3A_27] : memref<64x64xf32, #tpu.memory_space<vmem>>, vector<64x64xf32>
    %dot_general3A_29 = arith.constant dense<0.000000e+00> : vector<1250x64xf32>
    %dot_general3A_30 = tpu.matmul %get3A_3, %get3A_28, %dot_general3A_29 {dimension_numbers = #tpu.dot_dimension_numbers<[1], [0], [0], [1], [0, 0, 1, 1], [], []>, transpose_lhs_hint = false} : vector<1250x64xf32>, vector<64x64xf32>, vector<1250x64xf32> -> vector<1250x64xf32>
    %add3A = arith.addf %dot_general3A_25, %dot_general3A_30 : vector<1250x64xf32>
    %get3A_31 = arith.constant 0 : index
    %get3A_32 = arith.constant 0 : index
    %get3A_33 = vector.load %arg14[%get3A_31, %get3A_32] : memref<1x64xf32, #tpu.memory_space<vmem>>, vector<1x64xf32>
    %add3A_34 = vector.broadcast %get3A_33 : vector<1x64xf32> to vector<1250x64xf32>
    %add3A_35 = arith.addf %add3A, %add3A_34 : vector<1250x64xf32>
    %get3A_36 = arith.constant 0 : index
    %get3A_37 = arith.constant 0 : index
    %get3A_38 = vector.load %arg7[%get3A_36, %get3A_37] : memref<128x64xf32, #tpu.memory_space<vmem>>, vector<128x64xf32>
    %dot_general3A_39 = arith.constant dense<0.000000e+00> : vector<1250x64xf32>
    %dot_general3A_40 = tpu.matmul %mul3A, %get3A_38, %dot_general3A_39 {dimension_numbers = #tpu.dot_dimension_numbers<[1], [0], [0], [1], [0, 0, 1, 1], [], []>, transpose_lhs_hint = false} : vector<1250x128xf32>, vector<128x64xf32>, vector<1250x64xf32> -> vector<1250x64xf32>
    %get3A_41 = arith.constant 0 : index
    %get3A_42 = arith.constant 0 : index
    %get3A_43 = vector.load %arg11[%get3A_41, %get3A_42] : memref<64x64xf32, #tpu.memory_space<vmem>>, vector<64x64xf32>
    %dot_general3A_44 = arith.constant dense<0.000000e+00> : vector<1250x64xf32>
    %dot_general3A_45 = tpu.matmul %get3A_3, %get3A_43, %dot_general3A_44 {dimension_numbers = #tpu.dot_dimension_numbers<[1], [0], [0], [1], [0, 0, 1, 1], [], []>, transpose_lhs_hint = false} : vector<1250x64xf32>, vector<64x64xf32>, vector<1250x64xf32> -> vector<1250x64xf32>
    %add3A_46 = arith.addf %dot_general3A_40, %dot_general3A_45 : vector<1250x64xf32>
    %get3A_47 = arith.constant 0 : index
    %get3A_48 = arith.constant 0 : index
    %get3A_49 = vector.load %arg15[%get3A_47, %get3A_48] : memref<1x64xf32, #tpu.memory_space<vmem>>, vector<1x64xf32>
    %add3A_50 = vector.broadcast %get3A_49 : vector<1x64xf32> to vector<1250x64xf32>
    %add3A_51 = arith.addf %add3A_46, %add3A_50 : vector<1250x64xf32>
    %get3A_52 = arith.constant 0 : index
    %get3A_53 = arith.constant 0 : index
    %get3A_54 = vector.load %arg8[%get3A_52, %get3A_53] : memref<128x64xf32, #tpu.memory_space<vmem>>, vector<128x64xf32>
    %dot_general3A_55 = arith.constant dense<0.000000e+00> : vector<1250x64xf32>
    %dot_general3A_56 = tpu.matmul %mul3A, %get3A_54, %dot_general3A_55 {dimension_numbers = #tpu.dot_dimension_numbers<[1], [0], [0], [1], [0, 0, 1, 1], [], []>, transpose_lhs_hint = false} : vector<1250x128xf32>, vector<128x64xf32>, vector<1250x64xf32> -> vector<1250x64xf32>
    %get3A_57 = arith.constant 0 : index
    %get3A_58 = arith.constant 0 : index
    %get3A_59 = vector.load %arg12[%get3A_57, %get3A_58] : memref<64x64xf32, #tpu.memory_space<vmem>>, vector<64x64xf32>
    %dot_general3A_60 = arith.constant dense<0.000000e+00> : vector<1250x64xf32>
    %dot_general3A_61 = tpu.matmul %get3A_3, %get3A_59, %dot_general3A_60 {dimension_numbers = #tpu.dot_dimension_numbers<[1], [0], [0], [1], [0, 0, 1, 1], [], []>, transpose_lhs_hint = false} : vector<1250x64xf32>, vector<64x64xf32>, vector<1250x64xf32> -> vector<1250x64xf32>
    %add3A_62 = arith.addf %dot_general3A_56, %dot_general3A_61 : vector<1250x64xf32>
    %get3A_63 = arith.constant 0 : index
    %get3A_64 = arith.constant 0 : index
    %get3A_65 = vector.load %arg16[%get3A_63, %get3A_64] : memref<1x64xf32, #tpu.memory_space<vmem>>, vector<1x64xf32>
    %add3A_66 = vector.broadcast %get3A_65 : vector<1x64xf32> to vector<1250x64xf32>
    %add3A_67 = arith.addf %add3A_62, %add3A_66 : vector<1250x64xf32>
    %get3A_68 = arith.constant 0 : index
    %get3A_69 = arith.constant 0 : index
    %get3A_70 = vector.load %arg9[%get3A_68, %get3A_69] : memref<128x64xf32, #tpu.memory_space<vmem>>, vector<128x64xf32>
    %dot_general3A_71 = arith.constant dense<0.000000e+00> : vector<1250x64xf32>
    %dot_general3A_72 = tpu.matmul %mul3A, %get3A_70, %dot_general3A_71 {dimension_numbers = #tpu.dot_dimension_numbers<[1], [0], [0], [1], [0, 0, 1, 1], [], []>, transpose_lhs_hint = false} : vector<1250x128xf32>, vector<128x64xf32>, vector<1250x64xf32> -> vector<1250x64xf32>
    %get3A_73 = arith.constant 0 : index
    %get3A_74 = arith.constant 0 : index
    %get3A_75 = vector.load %arg13[%get3A_73, %get3A_74] : memref<64x64xf32, #tpu.memory_space<vmem>>, vector<64x64xf32>
    %dot_general3A_76 = arith.constant dense<0.000000e+00> : vector<1250x64xf32>
    %dot_general3A_77 = tpu.matmul %get3A_3, %get3A_75, %dot_general3A_76 {dimension_numbers = #tpu.dot_dimension_numbers<[1], [0], [0], [1], [0, 0, 1, 1], [], []>, transpose_lhs_hint = false} : vector<1250x64xf32>, vector<64x64xf32>, vector<1250x64xf32> -> vector<1250x64xf32>
    %add3A_78 = arith.addf %dot_general3A_72, %dot_general3A_77 : vector<1250x64xf32>
    %get3A_79 = arith.constant 0 : index
    %get3A_80 = arith.constant 0 : index
    %get3A_81 = vector.load %arg17[%get3A_79, %get3A_80] : memref<1x64xf32, #tpu.memory_space<vmem>>, vector<1x64xf32>
    %add3A_82 = vector.broadcast %get3A_81 : vector<1x64xf32> to vector<1250x64xf32>
    %add3A_83 = arith.addf %add3A_78, %add3A_82 : vector<1250x64xf32>
    %tanh3A = math.tanh %add3A_35 : vector<1250x64xf32>
    %mul3A_84 = arith.constant 5.000000e-01 : f32
    %mul3A_85 = vector.broadcast %mul3A_84 : f32 to vector<1250x64xf32>
    %mul3A_86 = arith.mulf %mul3A_85, %tanh3A : vector<1250x64xf32>
    %add3A_87 = arith.constant 5.000000e-01 : f32
    %add3A_88 = vector.broadcast %add3A_87 : f32 to vector<1250x64xf32>
    %add3A_89 = arith.addf %mul3A_86, %add3A_88 : vector<1250x64xf32>
    %tanh3A_90 = math.tanh %add3A_51 : vector<1250x64xf32>
    %mul3A_91 = arith.constant 5.000000e-01 : f32
    %mul3A_92 = vector.broadcast %mul3A_91 : f32 to vector<1250x64xf32>
    %mul3A_93 = arith.mulf %mul3A_92, %tanh3A_90 : vector<1250x64xf32>
    %add3A_94 = arith.constant 5.000000e-01 : f32
    %add3A_95 = vector.broadcast %add3A_94 : f32 to vector<1250x64xf32>
    %add3A_96 = arith.addf %mul3A_93, %add3A_95 : vector<1250x64xf32>
    %tanh3A_97 = math.tanh %add3A_67 : vector<1250x64xf32>
    %tanh3A_98 = math.tanh %add3A_83 : vector<1250x64xf32>
    %mul3A_99 = arith.constant 5.000000e-01 : f32
    %mul3A_100 = vector.broadcast %mul3A_99 : f32 to vector<1250x64xf32>
    %mul3A_101 = arith.mulf %mul3A_100, %tanh3A_98 : vector<1250x64xf32>
    %add3A_102 = arith.constant 5.000000e-01 : f32
    %add3A_103 = vector.broadcast %add3A_102 : f32 to vector<1250x64xf32>
    %add3A_104 = arith.addf %mul3A_101, %add3A_103 : vector<1250x64xf32>
    %mul3A_105 = arith.mulf %add3A_96, %get3A_6 : vector<1250x64xf32>
    %mul3A_106 = arith.mulf %add3A_89, %tanh3A_97 : vector<1250x64xf32>
    %add3A_107 = arith.addf %mul3A_105, %mul3A_106 : vector<1250x64xf32>
    %tanh3A_108 = math.tanh %add3A_107 : vector<1250x64xf32>
    %mul3A_109 = arith.mulf %add3A_104, %tanh3A_108 : vector<1250x64xf32>
    %get3A_110 = arith.constant 0 : index
    %get3A_111 = arith.constant 0 : index
    %get3A_112 = vector.load %arg3[%get3A_110, %get3A_111] : memref<1250x256xf32, #tpu.memory_space<vmem>>, vector<1250x256xf32>
    %get3A_113 = arith.constant 1 : index
    %get3A_114 = arith.constant 0 : index
    %get3A_115 = arith.constant 0 : index
    %get3A_116 = vector.load %arg4[%get3A_113, %get3A_114, %get3A_115] : memref<2x256x128xf32, #tpu.memory_space<vmem>>, vector<1x256x128xf32>
    %get3A_117 = vector.shape_cast %get3A_116 : vector<1x256x128xf32> to vector<256x128xf32>
    %dot_general3A_118 = arith.constant dense<0.000000e+00> : vector<1250x128xf32>
    %dot_general3A_119 = tpu.matmul %get3A_112, %get3A_117, %dot_general3A_118 {dimension_numbers = #tpu.dot_dimension_numbers<[1], [0], [0], [1], [0, 0, 1, 1], [], []>, transpose_lhs_hint = false} : vector<1250x256xf32>, vector<256x128xf32>, vector<1250x128xf32> -> vector<1250x128xf32>
    %get3A_120 = arith.constant 1 : index
    %get3A_121 = arith.constant 0 : index
    %get3A_122 = arith.constant 0 : index
    %get3A_123 = vector.load %arg2[%get3A_120, %get3A_121, %get3A_122] : memref<2x1250x128xf32, #tpu.memory_space<vmem>>, vector<1x1250x128xf32>
    %get3A_124 = vector.shape_cast %get3A_123 : vector<1x1250x128xf32> to vector<1250x128xf32>
    %mul3A_125 = arith.mulf %get3A_124, %dot_general3A_119 : vector<1250x128xf32>
    %get3A_126 = arith.constant 0 : index
    %get3A_127 = arith.constant 0 : index
    %get3A_128 = vector.load %arg6[%get3A_126, %get3A_127] : memref<128x64xf32, #tpu.memory_space<vmem>>, vector<128x64xf32>
    %dot_general3A_129 = arith.constant dense<0.000000e+00> : vector<1250x64xf32>
    %dot_general3A_130 = tpu.matmul %mul3A_125, %get3A_128, %dot_general3A_129 {dimension_numbers = #tpu.dot_dimension_numbers<[1], [0], [0], [1], [0, 0, 1, 1], [], []>, transpose_lhs_hint = false} : vector<1250x128xf32>, vector<128x64xf32>, vector<1250x64xf32> -> vector<1250x64xf32>
    %get3A_131 = arith.constant 0 : index
    %get3A_132 = arith.constant 0 : index
    %get3A_133 = vector.load %arg10[%get3A_131, %get3A_132] : memref<64x64xf32, #tpu.memory_space<vmem>>, vector<64x64xf32>
    %dot_general3A_134 = arith.constant dense<0.000000e+00> : vector<1250x64xf32>
    %dot_general3A_135 = tpu.matmul %mul3A_109, %get3A_133, %dot_general3A_134 {dimension_numbers = #tpu.dot_dimension_numbers<[1], [0], [0], [1], [0, 0, 1, 1], [], []>, transpose_lhs_hint = false} : vector<1250x64xf32>, vector<64x64xf32>, vector<1250x64xf32> -> vector<1250x64xf32>
    %add3A_136 = arith.addf %dot_general3A_130, %dot_general3A_135 : vector<1250x64xf32>
    %get3A_137 = arith.constant 0 : index
    %get3A_138 = arith.constant 0 : index
    %get3A_139 = vector.load %arg14[%get3A_137, %get3A_138] : memref<1x64xf32, #tpu.memory_space<vmem>>, vector<1x64xf32>
    %add3A_140 = vector.broadcast %get3A_139 : vector<1x64xf32> to vector<1250x64xf32>
    %add3A_141 = arith.addf %add3A_136, %add3A_140 : vector<1250x64xf32>
    %get3A_142 = arith.constant 0 : index
    %get3A_143 = arith.constant 0 : index
    %get3A_144 = vector.load %arg7[%get3A_142, %get3A_143] : memref<128x64xf32, #tpu.memory_space<vmem>>, vector<128x64xf32>
    %dot_general3A_145 = arith.constant dense<0.000000e+00> : vector<1250x64xf32>
    %dot_general3A_146 = tpu.matmul %mul3A_125, %get3A_144, %dot_general3A_145 {dimension_numbers = #tpu.dot_dimension_numbers<[1], [0], [0], [1], [0, 0, 1, 1], [], []>, transpose_lhs_hint = false} : vector<1250x128xf32>, vector<128x64xf32>, vector<1250x64xf32> -> vector<1250x64xf32>
    %get3A_147 = arith.constant 0 : index
    %get3A_148 = arith.constant 0 : index
    %get3A_149 = vector.load %arg11[%get3A_147, %get3A_148] : memref<64x64xf32, #tpu.memory_space<vmem>>, vector<64x64xf32>
    %dot_general3A_150 = arith.constant dense<0.000000e+00> : vector<1250x64xf32>
    %dot_general3A_151 = tpu.matmul %mul3A_109, %get3A_149, %dot_general3A_150 {dimension_numbers = #tpu.dot_dimension_numbers<[1], [0], [0], [1], [0, 0, 1, 1], [], []>, transpose_lhs_hint = false} : vector<1250x64xf32>, vector<64x64xf32>, vector<1250x64xf32> -> vector<1250x64xf32>
    %add3A_152 = arith.addf %dot_general3A_146, %dot_general3A_151 : vector<1250x64xf32>
    %get3A_153 = arith.constant 0 : index
    %get3A_154 = arith.constant 0 : index
    %get3A_155 = vector.load %arg15[%get3A_153, %get3A_154] : memref<1x64xf32, #tpu.memory_space<vmem>>, vector<1x64xf32>
    %add3A_156 = vector.broadcast %get3A_155 : vector<1x64xf32> to vector<1250x64xf32>
    %add3A_157 = arith.addf %add3A_152, %add3A_156 : vector<1250x64xf32>
    %get3A_158 = arith.constant 0 : index
    %get3A_159 = arith.constant 0 : index
    %get3A_160 = vector.load %arg8[%get3A_158, %get3A_159] : memref<128x64xf32, #tpu.memory_space<vmem>>, vector<128x64xf32>
    %dot_general3A_161 = arith.constant dense<0.000000e+00> : vector<1250x64xf32>
    %dot_general3A_162 = tpu.matmul %mul3A_125, %get3A_160, %dot_general3A_161 {dimension_numbers = #tpu.dot_dimension_numbers<[1], [0], [0], [1], [0, 0, 1, 1], [], []>, transpose_lhs_hint = false} : vector<1250x128xf32>, vector<128x64xf32>, vector<1250x64xf32> -> vector<1250x64xf32>
    %get3A_163 = arith.constant 0 : index
    %get3A_164 = arith.constant 0 : index
    %get3A_165 = vector.load %arg12[%get3A_163, %get3A_164] : memref<64x64xf32, #tpu.memory_space<vmem>>, vector<64x64xf32>
    %dot_general3A_166 = arith.constant dense<0.000000e+00> : vector<1250x64xf32>
    %dot_general3A_167 = tpu.matmul %mul3A_109, %get3A_165, %dot_general3A_166 {dimension_numbers = #tpu.dot_dimension_numbers<[1], [0], [0], [1], [0, 0, 1, 1], [], []>, transpose_lhs_hint = false} : vector<1250x64xf32>, vector<64x64xf32>, vector<1250x64xf32> -> vector<1250x64xf32>
    %add3A_168 = arith.addf %dot_general3A_162, %dot_general3A_167 : vector<1250x64xf32>
    %get3A_169 = arith.constant 0 : index
    %get3A_170 = arith.constant 0 : index
    %get3A_171 = vector.load %arg16[%get3A_169, %get3A_170] : memref<1x64xf32, #tpu.memory_space<vmem>>, vector<1x64xf32>
    %add3A_172 = vector.broadcast %get3A_171 : vector<1x64xf32> to vector<1250x64xf32>
    %add3A_173 = arith.addf %add3A_168, %add3A_172 : vector<1250x64xf32>
    %get3A_174 = arith.constant 0 : index
    %get3A_175 = arith.constant 0 : index
    %get3A_176 = vector.load %arg9[%get3A_174, %get3A_175] : memref<128x64xf32, #tpu.memory_space<vmem>>, vector<128x64xf32>
    %dot_general3A_177 = arith.constant dense<0.000000e+00> : vector<1250x64xf32>
    %dot_general3A_178 = tpu.matmul %mul3A_125, %get3A_176, %dot_general3A_177 {dimension_numbers = #tpu.dot_dimension_numbers<[1], [0], [0], [1], [0, 0, 1, 1], [], []>, transpose_lhs_hint = false} : vector<1250x128xf32>, vector<128x64xf32>, vector<1250x64xf32> -> vector<1250x64xf32>
    %get3A_179 = arith.constant 0 : index
    %get3A_180 = arith.constant 0 : index
    %get3A_181 = vector.load %arg13[%get3A_179, %get3A_180] : memref<64x64xf32, #tpu.memory_space<vmem>>, vector<64x64xf32>
    %dot_general3A_182 = arith.constant dense<0.000000e+00> : vector<1250x64xf32>
    %dot_general3A_183 = tpu.matmul %mul3A_109, %get3A_181, %dot_general3A_182 {dimension_numbers = #tpu.dot_dimension_numbers<[1], [0], [0], [1], [0, 0, 1, 1], [], []>, transpose_lhs_hint = false} : vector<1250x64xf32>, vector<64x64xf32>, vector<1250x64xf32> -> vector<1250x64xf32>
    %add3A_184 = arith.addf %dot_general3A_178, %dot_general3A_183 : vector<1250x64xf32>
    %get3A_185 = arith.constant 0 : index
    %get3A_186 = arith.constant 0 : index
    %get3A_187 = vector.load %arg17[%get3A_185, %get3A_186] : memref<1x64xf32, #tpu.memory_space<vmem>>, vector<1x64xf32>
    %add3A_188 = vector.broadcast %get3A_187 : vector<1x64xf32> to vector<1250x64xf32>
    %add3A_189 = arith.addf %add3A_184, %add3A_188 : vector<1250x64xf32>
    %tanh3A_190 = math.tanh %add3A_141 : vector<1250x64xf32>
    %mul3A_191 = arith.constant 5.000000e-01 : f32
    %mul3A_192 = vector.broadcast %mul3A_191 : f32 to vector<1250x64xf32>
    %mul3A_193 = arith.mulf %mul3A_192, %tanh3A_190 : vector<1250x64xf32>
    %add3A_194 = arith.constant 5.000000e-01 : f32
    %add3A_195 = vector.broadcast %add3A_194 : f32 to vector<1250x64xf32>
    %add3A_196 = arith.addf %mul3A_193, %add3A_195 : vector<1250x64xf32>
    %tanh3A_197 = math.tanh %add3A_157 : vector<1250x64xf32>
    %mul3A_198 = arith.constant 5.000000e-01 : f32
    %mul3A_199 = vector.broadcast %mul3A_198 : f32 to vector<1250x64xf32>
    %mul3A_200 = arith.mulf %mul3A_199, %tanh3A_197 : vector<1250x64xf32>
    %add3A_201 = arith.constant 5.000000e-01 : f32
    %add3A_202 = vector.broadcast %add3A_201 : f32 to vector<1250x64xf32>
    %add3A_203 = arith.addf %mul3A_200, %add3A_202 : vector<1250x64xf32>
    %tanh3A_204 = math.tanh %add3A_173 : vector<1250x64xf32>
    %tanh3A_205 = math.tanh %add3A_189 : vector<1250x64xf32>
    %mul3A_206 = arith.constant 5.000000e-01 : f32
    %mul3A_207 = vector.broadcast %mul3A_206 : f32 to vector<1250x64xf32>
    %mul3A_208 = arith.mulf %mul3A_207, %tanh3A_205 : vector<1250x64xf32>
    %add3A_209 = arith.constant 5.000000e-01 : f32
    %add3A_210 = vector.broadcast %add3A_209 : f32 to vector<1250x64xf32>
    %add3A_211 = arith.addf %mul3A_208, %add3A_210 : vector<1250x64xf32>
    %mul3A_212 = arith.mulf %add3A_203, %add3A_107 : vector<1250x64xf32>
    %mul3A_213 = arith.mulf %add3A_196, %tanh3A_204 : vector<1250x64xf32>
    %add3A_214 = arith.addf %mul3A_212, %mul3A_213 : vector<1250x64xf32>
    %tanh3A_215 = math.tanh %add3A_214 : vector<1250x64xf32>
    %mul3A_216 = arith.mulf %add3A_211, %tanh3A_215 : vector<1250x64xf32>
    %swap3A = arith.constant 0 : index
    %swap3A_217 = arith.constant 0 : index
    %swap3A_218 = vector.load %arg23[%swap3A, %swap3A_217] : memref<1250x64xf32, #tpu.memory_space<vmem>>, vector<1250x64xf32>
    tpu.vector_store %arg23[%swap3A, %swap3A_217], %mul3A_216 {strides = array<i32>} : memref<1250x64xf32, #tpu.memory_space<vmem>>, vector<1250x64xf32>,
    %swap3A_219 = arith.constant 0 : index
    %swap3A_220 = arith.constant 0 : index
    %swap3A_221 = vector.load %arg24[%swap3A_219, %swap3A_220] : memref<1250x64xf32, #tpu.memory_space<vmem>>, vector<1250x64xf32>
    tpu.vector_store %arg24[%swap3A_219, %swap3A_220], %add3A_214 {strides = array<i32>} : memref<1250x64xf32, #tpu.memory_space<vmem>>, vector<1250x64xf32>,
    %eq3A_222 = arith.constant 15 : i32
    %eq3A_223 = arith.cmpi eq, %arg1, %eq3A_222 : i32
    %convert_element_type3A_224 = arith.extui %eq3A_223 : i1 to i32
    %cond3A_225 = arith.constant 0 : i32
    %cond3A_226 = arith.cmpi ne, %convert_element_type3A_224, %cond3A_225 : i32
    scf.if %cond3A_226 {
      %get3A_227 = arith.constant 0 : index
      %get3A_228 = arith.constant 0 : index
      %get3A_229 = vector.load %arg5[%get3A_227, %get3A_228] : memref<1250x128xf32, #tpu.memory_space<vmem>>, vector<1250x128xf32>
      %get3A_230 = arith.constant 0 : index
      %get3A_231 = arith.constant 0 : index
      %get3A_232 = vector.load %arg18[%get3A_230, %get3A_231] : memref<128x256xf32, #tpu.memory_space<vmem>>, vector<128x256xf32>
      %dot_general3A_233 = arith.constant dense<0.000000e+00> : vector<1250x256xf32>
      %dot_general3A_234 = tpu.matmul %get3A_229, %get3A_232, %dot_general3A_233 {dimension_numbers = #tpu.dot_dimension_numbers<[1], [0], [0], [1], [0, 0, 1, 1], [], []>, transpose_lhs_hint = false} : vector<1250x128xf32>, vector<128x256xf32>, vector<1250x256xf32> -> vector<1250x256xf32>
      %get3A_235 = arith.constant 0 : index
      %get3A_236 = arith.constant 0 : index
      %get3A_237 = vector.load %arg19[%get3A_235, %get3A_236] : memref<64x256xf32, #tpu.memory_space<vmem>>, vector<64x256xf32>
      %dot_general3A_238 = arith.constant dense<0.000000e+00> : vector<1250x256xf32>
      %dot_general3A_239 = tpu.matmul %mul3A_216, %get3A_237, %dot_general3A_238 {dimension_numbers = #tpu.dot_dimension_numbers<[1], [0], [0], [1], [0, 0, 1, 1], [], []>, transpose_lhs_hint = false} : vector<1250x64xf32>, vector<64x256xf32>, vector<1250x256xf32> -> vector<1250x256xf32>
      %add3A_240 = arith.addf %dot_general3A_234, %dot_general3A_239 : vector<1250x256xf32>
      %get3A_241 = arith.constant 0 : index
      %get3A_242 = arith.constant 0 : index
      %get3A_243 = vector.load %arg20[%get3A_241, %get3A_242] : memref<1x256xf32, #tpu.memory_space<vmem>>, vector<1x256xf32>
      %add3A_244 = vector.broadcast %get3A_243 : vector<1x256xf32> to vector<1250x256xf32>
      %add3A_245 = arith.addf %add3A_240, %add3A_244 : vector<1250x256xf32>
      %ge3A = arith.constant 0.000000e+00 : f32
      %ge3A_246 = vector.broadcast %ge3A : f32 to vector<1250x256xf32>
      %ge3A_247 = arith.cmpf oge, %add3A_245, %ge3A_246 : vector<1250x256xf32>
      %mul3A_248 = arith.constant 0.00999999977 : f32
      %mul3A_249 = vector.broadcast %mul3A_248 : f32 to vector<1250x256xf32>
      %mul3A_250 = arith.mulf %mul3A_249, %add3A_245 : vector<1250x256xf32>
      %select_n3A = arith.select %ge3A_247, %add3A_245, %mul3A_250 : vector<1250x256xi1>, vector<1250x256xf32>
      %slice3A = vector.extract_strided_slice %select_n3A {offsets = [0, 0], sizes = [1250, 128], strides = [1, 1]} : vector<1250x256xf32> to vector<1250x128xf32>
      %swap3A_251 = arith.constant 0 : index
      %swap3A_252 = arith.constant 0 : index
      %swap3A_253 = vector.load %arg21[%swap3A_251, %swap3A_252] : memref<1250x128xf32, #tpu.memory_space<vmem>>, vector<1250x128xf32>
      tpu.vector_store %arg21[%swap3A_251, %swap3A_252], %slice3A {strides = array<i32>} : memref<1250x128xf32, #tpu.memory_space<vmem>>, vector<1250x128xf32>,
      %slice3A_254 = vector.extract_strided_slice %select_n3A {offsets = [0, 128], sizes = [1250, 128], strides = [1, 1]} : vector<1250x256xf32> to vector<1250x128xf32>
      %swap3A_255 = arith.constant 0 : index
      %swap3A_256 = arith.constant 0 : index
      %swap3A_257 = vector.load %arg22[%swap3A_255, %swap3A_256] : memref<1250x128xf32, #tpu.memory_space<vmem>>, vector<1250x128xf32>
      tpu.vector_store %arg22[%swap3A_255, %swap3A_256], %slice3A_254 {strides = array<i32>} : memref<1250x128xf32, #tpu.memory_space<vmem>>, vector<1250x128xf32>,
    } else {
    }
    return
  }
  func.func @transform_0(%arg0: i32, %arg1: i32) -> (i32, i32, i32) {
    %c0_i32 = arith.constant 0 : i32
    %c0_i32_0 = arith.constant 0 : i32
    return %arg1, %arg0, %c0_i32 : i32, i32, i32
  }
  func.func @transform_1(%arg0: i32, %arg1: i32) -> (i32, i32) {
    %c0_i32 = arith.constant 0 : i32
    %c0_i32_0 = arith.constant 0 : i32
    return %arg0, %c0_i32 : i32, i32
  }
  func.func @transform_2(%arg0: i32, %arg1: i32) -> (i32, i32, i32) {
    %c0_i32 = arith.constant 0 : i32
    %c0_i32_0 = arith.constant 0 : i32
    %c0_i32_1 = arith.constant 0 : i32
    return %arg1, %c0_i32, %c0_i32_0 : i32, i32, i32
  }
  func.func @transform_3(%arg0: i32, %arg1: i32) -> (i32, i32) {
    %c0_i32 = arith.constant 0 : i32
    %c0_i32_0 = arith.constant 0 : i32
    return %arg0, %c0_i32 : i32, i32
  }
  func.func @transform_4(%arg0: i32, %arg1: i32) -> (i32, i32) {
    %c0_i32 = arith.constant 0 : i32
    %c0_i32_0 = arith.constant 0 : i32
    %c0_i32_1 = arith.constant 0 : i32
    return %c0_i32, %c0_i32_0 : i32, i32
  }
  func.func @transform_5(%arg0: i32, %arg1: i32) -> (i32, i32) {
    %c0_i32 = arith.constant 0 : i32
    %c0_i32_0 = arith.constant 0 : i32
    %c0_i32_1 = arith.constant 0 : i32
    return %c0_i32, %c0_i32_0 : i32, i32
  }
  func.func @transform_6(%arg0: i32, %arg1: i32) -> (i32, i32) {
    %c0_i32 = arith.constant 0 : i32
    %c0_i32_0 = arith.constant 0 : i32
    %c0_i32_1 = arith.constant 0 : i32
    return %c0_i32, %c0_i32_0 : i32, i32
  }
  func.func @transform_7(%arg0: i32, %arg1: i32) -> (i32, i32) {
    %c0_i32 = arith.constant 0 : i32
    %c0_i32_0 = arith.constant 0 : i32
    %c0_i32_1 = arith.constant 0 : i32
    return %c0_i32, %c0_i32_0 : i32, i32
  }
  func.func @transform_8(%arg0: i32, %arg1: i32) -> (i32, i32) {
    %c0_i32 = arith.constant 0 : i32
    %c0_i32_0 = arith.constant 0 : i32
    %c0_i32_1 = arith.constant 0 : i32
    return %c0_i32, %c0_i32_0 : i32, i32
  }
  func.func @transform_9(%arg0: i32, %arg1: i32) -> (i32, i32) {
    %c0_i32 = arith.constant 0 : i32
    %c0_i32_0 = arith.constant 0 : i32
    %c0_i32_1 = arith.constant 0 : i32
    return %c0_i32, %c0_i32_0 : i32, i32
  }
  func.func @transform_10(%arg0: i32, %arg1: i32) -> (i32, i32) {
    %c0_i32 = arith.constant 0 : i32
    %c0_i32_0 = arith.constant 0 : i32
    %c0_i32_1 = arith.constant 0 : i32
    return %c0_i32, %c0_i32_0 : i32, i32
  }
  func.func @transform_11(%arg0: i32, %arg1: i32) -> (i32, i32) {
    %c0_i32 = arith.constant 0 : i32
    %c0_i32_0 = arith.constant 0 : i32
    %c0_i32_1 = arith.constant 0 : i32
    return %c0_i32, %c0_i32_0 : i32, i32
  }
  func.func @transform_12(%arg0: i32, %arg1: i32) -> (i32, i32) {
    %c0_i32 = arith.constant 0 : i32
    %c0_i32_0 = arith.constant 0 : i32
    %c0_i32_1 = arith.constant 0 : i32
    return %c0_i32, %c0_i32_0 : i32, i32
  }
  func.func @transform_13(%arg0: i32, %arg1: i32) -> (i32, i32) {
    %c0_i32 = arith.constant 0 : i32
    %c0_i32_0 = arith.constant 0 : i32
    %c0_i32_1 = arith.constant 0 : i32
    return %c0_i32, %c0_i32_0 : i32, i32
  }
  func.func @transform_14(%arg0: i32, %arg1: i32) -> (i32, i32) {
    %c0_i32 = arith.constant 0 : i32
    %c0_i32_0 = arith.constant 0 : i32
    %c0_i32_1 = arith.constant 0 : i32
    return %c0_i32, %c0_i32_0 : i32, i32
  }
  func.func @transform_15(%arg0: i32, %arg1: i32) -> (i32, i32) {
    %c0_i32 = arith.constant 0 : i32
    %c0_i32_0 = arith.constant 0 : i32
    %c0_i32_1 = arith.constant 0 : i32
    return %c0_i32, %c0_i32_0 : i32, i32
  }
  func.func @transform_16(%arg0: i32, %arg1: i32) -> (i32, i32) {
    %c0_i32 = arith.constant 0 : i32
    %c0_i32_0 = arith.constant 0 : i32
    %c0_i32_1 = arith.constant 0 : i32
    return %c0_i32, %c0_i32_0 : i32, i32
  }
  func.func @transform_17(%arg0: i32, %arg1: i32) -> (i32, i32) {
    %c0_i32 = arith.constant 0 : i32
    %c0_i32_0 = arith.constant 0 : i32
    %c0_i32_1 = arith.constant 0 : i32
    return %c0_i32, %c0_i32_0 : i32, i32
  }
  func.func @transform_18(%arg0: i32, %arg1: i32) -> (i32, i32) {
    %c0_i32 = arith.constant 0 : i32
    %c0_i32_0 = arith.constant 0 : i32
    %c0_i32_1 = arith.constant 0 : i32
    return %c0_i32, %c0_i32_0 : i32, i32
  }
  func.func @transform_19(%arg0: i32, %arg1: i32) -> (i32, i32) {
    %c0_i32 = arith.constant 0 : i32
    %c0_i32_0 = arith.constant 0 : i32
    return %arg0, %c0_i32 : i32, i32
  }
  func.func @transform_20(%arg0: i32, %arg1: i32) -> (i32, i32) {
    %c0_i32 = arith.constant 0 : i32
    %c0_i32_0 = arith.constant 0 : i32
    return %arg0, %c0_i32 : i32, i32
  }
}

module attributes {stable_mosaic.version = 14 : i64} {
  func.func @_lstm2_kernel(%arg0: i32, %arg1: i32, %arg2: memref<2x2500x128xf32, #tpu.memory_space<vmem>>, %arg3: memref<2500x128xf32, #tpu.memory_space<vmem>>, %arg4: memref<2x128x128xf32, #tpu.memory_space<vmem>>, %arg5: memref<2500x128xf32, #tpu.memory_space<vmem>>, %arg6: memref<128x128xf32, #tpu.memory_space<vmem>>, %arg7: memref<128x128xf32, #tpu.memory_space<vmem>>, %arg8: memref<128x128xf32, #tpu.memory_space<vmem>>, %arg9: memref<128x128xf32, #tpu.memory_space<vmem>>, %arg10: memref<128x128xf32, #tpu.memory_space<vmem>>, %arg11: memref<128x128xf32, #tpu.memory_space<vmem>>, %arg12: memref<128x128xf32, #tpu.memory_space<vmem>>, %arg13: memref<128x128xf32, #tpu.memory_space<vmem>>, %arg14: memref<1x128xf32, #tpu.memory_space<vmem>>, %arg15: memref<1x128xf32, #tpu.memory_space<vmem>>, %arg16: memref<1x128xf32, #tpu.memory_space<vmem>>, %arg17: memref<1x128xf32, #tpu.memory_space<vmem>>, %arg18: memref<128x80xf32, #tpu.memory_space<vmem>>, %arg19: memref<128x80xf32, #tpu.memory_space<vmem>>, %arg20: memref<1x80xf32, #tpu.memory_space<vmem>>, %arg21: memref<1x80xf32, #tpu.memory_space<vmem>>, %arg22: memref<1x80xf32, #tpu.memory_space<vmem>>, %arg23: memref<80x4xf32, #tpu.memory_space<vmem>>, %arg24: memref<4x80xf32, #tpu.memory_space<vmem>>, %arg25: memref<80x20xf32, #tpu.memory_space<vmem>>, %arg26: memref<20x10xf32, #tpu.memory_space<vmem>>, %arg27: memref<1x10xf32, #tpu.memory_space<vmem>>, %arg28: memref<10x2xf32, #tpu.memory_space<vmem>>, %arg29: memref<1x2xf32, #tpu.memory_space<vmem>>, %arg30: memref<1x2xf32, #tpu.memory_space<vmem>>, %arg31: memref<2500x128xf32, #tpu.memory_space<vmem>>, %arg32: memref<2500x128xf32, #tpu.memory_space<vmem>>) attributes {dimension_semantics = [#tpu.dimension_semantics<arbitrary>, #tpu.dimension_semantics<arbitrary>], iteration_bounds = array<i64: 1, 16>, scalar_prefetch = 0 : i64, scratch_operands = 2 : i64, tpu.core_type = #tpu.core_type<tc>, window_params = [{transform_indices = @transform_0, window_bounds = array<i64: 2, 2500, 128>}, {transform_indices = @transform_1, window_bounds = array<i64: 2500, 128>}, {transform_indices = @transform_2, window_bounds = array<i64: 2, 128, 128>}, {transform_indices = @transform_3, window_bounds = array<i64: 2500, 128>}, {pipeline_mode = #tpu.pipeline_mode<synchronous>, transform_indices = @transform_4, window_bounds = array<i64: 128, 128>}, {pipeline_mode = #tpu.pipeline_mode<synchronous>, transform_indices = @transform_5, window_bounds = array<i64: 128, 128>}, {pipeline_mode = #tpu.pipeline_mode<synchronous>, transform_indices = @transform_6, window_bounds = array<i64: 128, 128>}, {pipeline_mode = #tpu.pipeline_mode<synchronous>, transform_indices = @transform_7, window_bounds = array<i64: 128, 128>}, {pipeline_mode = #tpu.pipeline_mode<synchronous>, transform_indices = @transform_8, window_bounds = array<i64: 128, 128>}, {pipeline_mode = #tpu.pipeline_mode<synchronous>, transform_indices = @transform_9, window_bounds = array<i64: 128, 128>}, {pipeline_mode = #tpu.pipeline_mode<synchronous>, transform_indices = @transform_10, window_bounds = array<i64: 128, 128>}, {pipeline_mode = #tpu.pipeline_mode<synchronous>, transform_indices = @transform_11, window_bounds = array<i64: 128, 128>}, {pipeline_mode = #tpu.pipeline_mode<synchronous>, transform_indices = @transform_12, window_bounds = array<i64: 1, 128>}, {pipeline_mode = #tpu.pipeline_mode<synchronous>, transform_indices = @transform_13, window_bounds = array<i64: 1, 128>}, {pipeline_mode = #tpu.pipeline_mode<synchronous>, transform_indices = @transform_14, window_bounds = array<i64: 1, 128>}, {pipeline_mode = #tpu.pipeline_mode<synchronous>, transform_indices = @transform_15, window_bounds = array<i64: 1, 128>}, {pipeline_mode = #tpu.pipeline_mode<synchronous>, transform_indices = @transform_16, window_bounds = array<i64: 128, 80>}, {pipeline_mode = #tpu.pipeline_mode<synchronous>, transform_indices = @transform_17, window_bounds = array<i64: 128, 80>}, {pipeline_mode = #tpu.pipeline_mode<synchronous>, transform_indices = @transform_18, window_bounds = array<i64: 1, 80>}, {pipeline_mode = #tpu.pipeline_mode<synchronous>, transform_indices = @transform_19, window_bounds = array<i64: 1, 80>}, {pipeline_mode = #tpu.pipeline_mode<synchronous>, transform_indices = @transform_20, window_bounds = array<i64: 1, 80>}, {pipeline_mode = #tpu.pipeline_mode<synchronous>, transform_indices = @transform_21, window_bounds = array<i64: 80, 4>}, {pipeline_mode = #tpu.pipeline_mode<synchronous>, transform_indices = @transform_22, window_bounds = array<i64: 4, 80>}, {pipeline_mode = #tpu.pipeline_mode<synchronous>, transform_indices = @transform_23, window_bounds = array<i64: 80, 20>}, {pipeline_mode = #tpu.pipeline_mode<synchronous>, transform_indices = @transform_24, window_bounds = array<i64: 20, 10>}, {pipeline_mode = #tpu.pipeline_mode<synchronous>, transform_indices = @transform_25, window_bounds = array<i64: 1, 10>}, {pipeline_mode = #tpu.pipeline_mode<synchronous>, transform_indices = @transform_26, window_bounds = array<i64: 10, 2>}, {pipeline_mode = #tpu.pipeline_mode<synchronous>, transform_indices = @transform_27, window_bounds = array<i64: 1, 2>}, {pipeline_mode = #tpu.pipeline_mode<synchronous>, transform_indices = @transform_28, window_bounds = array<i64: 1, 2>}]} {
    %eq3A = arith.constant 0 : i32
    %eq3A_0 = arith.cmpi eq, %arg1, %eq3A : i32
    %convert_element_type3A = arith.extui %eq3A_0 : i1 to i32
    %cond3A = arith.constant 0 : i32
    %cond3A_1 = arith.cmpi ne, %convert_element_type3A, %cond3A : i32
    scf.if %cond3A_1 {
      %broadcast_in_dim3A = arith.constant 0.000000e+00 : f32
      %broadcast_in_dim3A_227 = vector.broadcast %broadcast_in_dim3A : f32 to vector<2500x128xf32>
      %swap3A_228 = arith.constant 0 : index
      %swap3A_229 = arith.constant 0 : index
      %swap3A_230 = vector.load %arg31[%swap3A_228, %swap3A_229] : memref<2500x128xf32, #tpu.memory_space<vmem>>, vector<2500x128xf32>
      tpu.vector_store %arg31[%swap3A_228, %swap3A_229], %broadcast_in_dim3A_227 {strides = array<i32>} : memref<2500x128xf32, #tpu.memory_space<vmem>>, vector<2500x128xf32>,
      %broadcast_in_dim3A_231 = arith.constant 0.000000e+00 : f32
      %broadcast_in_dim3A_232 = vector.broadcast %broadcast_in_dim3A_231 : f32 to vector<2500x128xf32>
      %swap3A_233 = arith.constant 0 : index
      %swap3A_234 = arith.constant 0 : index
      %swap3A_235 = vector.load %arg32[%swap3A_233, %swap3A_234] : memref<2500x128xf32, #tpu.memory_space<vmem>>, vector<2500x128xf32>
      tpu.vector_store %arg32[%swap3A_233, %swap3A_234], %broadcast_in_dim3A_232 {strides = array<i32>} : memref<2500x128xf32, #tpu.memory_space<vmem>>, vector<2500x128xf32>,
    } else {
    }
    %get3A = arith.constant 0 : index
    %get3A_2 = arith.constant 0 : index
    %get3A_3 = vector.load %arg31[%get3A, %get3A_2] : memref<2500x128xf32, #tpu.memory_space<vmem>>, vector<2500x128xf32>
    %get3A_4 = arith.constant 0 : index
    %get3A_5 = arith.constant 0 : index
    %get3A_6 = vector.load %arg32[%get3A_4, %get3A_5] : memref<2500x128xf32, #tpu.memory_space<vmem>>, vector<2500x128xf32>
    %get3A_7 = arith.constant 0 : index
    %get3A_8 = arith.constant 0 : index
    %get3A_9 = vector.load %arg3[%get3A_7, %get3A_8] : memref<2500x128xf32, #tpu.memory_space<vmem>>, vector<2500x128xf32>
    %get3A_10 = arith.constant 0 : index
    %get3A_11 = arith.constant 0 : index
    %get3A_12 = arith.constant 0 : index
    %get3A_13 = vector.load %arg4[%get3A_10, %get3A_11, %get3A_12] : memref<2x128x128xf32, #tpu.memory_space<vmem>>, vector<1x128x128xf32>
    %get3A_14 = vector.shape_cast %get3A_13 : vector<1x128x128xf32> to vector<128x128xf32>
    %dot_general3A = arith.constant dense<0.000000e+00> : vector<2500x128xf32>
    %dot_general3A_15 = tpu.matmul %get3A_9, %get3A_14, %dot_general3A {dimension_numbers = #tpu.dot_dimension_numbers<[1], [0], [0], [1], [0, 0, 1, 1], [], []>, transpose_lhs_hint = false} : vector<2500x128xf32>, vector<128x128xf32>, vector<2500x128xf32> -> vector<2500x128xf32>
    %get3A_16 = arith.constant 0 : index
    %get3A_17 = arith.constant 0 : index
    %get3A_18 = arith.constant 0 : index
    %get3A_19 = vector.load %arg2[%get3A_16, %get3A_17, %get3A_18] : memref<2x2500x128xf32, #tpu.memory_space<vmem>>, vector<1x2500x128xf32>
    %get3A_20 = vector.shape_cast %get3A_19 : vector<1x2500x128xf32> to vector<2500x128xf32>
    %mul3A = arith.mulf %get3A_20, %dot_general3A_15 : vector<2500x128xf32>
    %get3A_21 = arith.constant 0 : index
    %get3A_22 = arith.constant 0 : index
    %get3A_23 = vector.load %arg6[%get3A_21, %get3A_22] : memref<128x128xf32, #tpu.memory_space<vmem>>, vector<128x128xf32>
    %dot_general3A_24 = arith.constant dense<0.000000e+00> : vector<2500x128xf32>
    %dot_general3A_25 = tpu.matmul %mul3A, %get3A_23, %dot_general3A_24 {dimension_numbers = #tpu.dot_dimension_numbers<[1], [0], [0], [1], [0, 0, 1, 1], [], []>, transpose_lhs_hint = false} : vector<2500x128xf32>, vector<128x128xf32>, vector<2500x128xf32> -> vector<2500x128xf32>
    %get3A_26 = arith.constant 0 : index
    %get3A_27 = arith.constant 0 : index
    %get3A_28 = vector.load %arg10[%get3A_26, %get3A_27] : memref<128x128xf32, #tpu.memory_space<vmem>>, vector<128x128xf32>
    %dot_general3A_29 = arith.constant dense<0.000000e+00> : vector<2500x128xf32>
    %dot_general3A_30 = tpu.matmul %get3A_3, %get3A_28, %dot_general3A_29 {dimension_numbers = #tpu.dot_dimension_numbers<[1], [0], [0], [1], [0, 0, 1, 1], [], []>, transpose_lhs_hint = false} : vector<2500x128xf32>, vector<128x128xf32>, vector<2500x128xf32> -> vector<2500x128xf32>
    %add3A = arith.addf %dot_general3A_25, %dot_general3A_30 : vector<2500x128xf32>
    %get3A_31 = arith.constant 0 : index
    %get3A_32 = arith.constant 0 : index
    %get3A_33 = vector.load %arg14[%get3A_31, %get3A_32] : memref<1x128xf32, #tpu.memory_space<vmem>>, vector<1x128xf32>
    %add3A_34 = vector.broadcast %get3A_33 : vector<1x128xf32> to vector<2500x128xf32>
    %add3A_35 = arith.addf %add3A, %add3A_34 : vector<2500x128xf32>
    %get3A_36 = arith.constant 0 : index
    %get3A_37 = arith.constant 0 : index
    %get3A_38 = vector.load %arg7[%get3A_36, %get3A_37] : memref<128x128xf32, #tpu.memory_space<vmem>>, vector<128x128xf32>
    %dot_general3A_39 = arith.constant dense<0.000000e+00> : vector<2500x128xf32>
    %dot_general3A_40 = tpu.matmul %mul3A, %get3A_38, %dot_general3A_39 {dimension_numbers = #tpu.dot_dimension_numbers<[1], [0], [0], [1], [0, 0, 1, 1], [], []>, transpose_lhs_hint = false} : vector<2500x128xf32>, vector<128x128xf32>, vector<2500x128xf32> -> vector<2500x128xf32>
    %get3A_41 = arith.constant 0 : index
    %get3A_42 = arith.constant 0 : index
    %get3A_43 = vector.load %arg11[%get3A_41, %get3A_42] : memref<128x128xf32, #tpu.memory_space<vmem>>, vector<128x128xf32>
    %dot_general3A_44 = arith.constant dense<0.000000e+00> : vector<2500x128xf32>
    %dot_general3A_45 = tpu.matmul %get3A_3, %get3A_43, %dot_general3A_44 {dimension_numbers = #tpu.dot_dimension_numbers<[1], [0], [0], [1], [0, 0, 1, 1], [], []>, transpose_lhs_hint = false} : vector<2500x128xf32>, vector<128x128xf32>, vector<2500x128xf32> -> vector<2500x128xf32>
    %add3A_46 = arith.addf %dot_general3A_40, %dot_general3A_45 : vector<2500x128xf32>
    %get3A_47 = arith.constant 0 : index
    %get3A_48 = arith.constant 0 : index
    %get3A_49 = vector.load %arg15[%get3A_47, %get3A_48] : memref<1x128xf32, #tpu.memory_space<vmem>>, vector<1x128xf32>
    %add3A_50 = vector.broadcast %get3A_49 : vector<1x128xf32> to vector<2500x128xf32>
    %add3A_51 = arith.addf %add3A_46, %add3A_50 : vector<2500x128xf32>
    %get3A_52 = arith.constant 0 : index
    %get3A_53 = arith.constant 0 : index
    %get3A_54 = vector.load %arg8[%get3A_52, %get3A_53] : memref<128x128xf32, #tpu.memory_space<vmem>>, vector<128x128xf32>
    %dot_general3A_55 = arith.constant dense<0.000000e+00> : vector<2500x128xf32>
    %dot_general3A_56 = tpu.matmul %mul3A, %get3A_54, %dot_general3A_55 {dimension_numbers = #tpu.dot_dimension_numbers<[1], [0], [0], [1], [0, 0, 1, 1], [], []>, transpose_lhs_hint = false} : vector<2500x128xf32>, vector<128x128xf32>, vector<2500x128xf32> -> vector<2500x128xf32>
    %get3A_57 = arith.constant 0 : index
    %get3A_58 = arith.constant 0 : index
    %get3A_59 = vector.load %arg12[%get3A_57, %get3A_58] : memref<128x128xf32, #tpu.memory_space<vmem>>, vector<128x128xf32>
    %dot_general3A_60 = arith.constant dense<0.000000e+00> : vector<2500x128xf32>
    %dot_general3A_61 = tpu.matmul %get3A_3, %get3A_59, %dot_general3A_60 {dimension_numbers = #tpu.dot_dimension_numbers<[1], [0], [0], [1], [0, 0, 1, 1], [], []>, transpose_lhs_hint = false} : vector<2500x128xf32>, vector<128x128xf32>, vector<2500x128xf32> -> vector<2500x128xf32>
    %add3A_62 = arith.addf %dot_general3A_56, %dot_general3A_61 : vector<2500x128xf32>
    %get3A_63 = arith.constant 0 : index
    %get3A_64 = arith.constant 0 : index
    %get3A_65 = vector.load %arg16[%get3A_63, %get3A_64] : memref<1x128xf32, #tpu.memory_space<vmem>>, vector<1x128xf32>
    %add3A_66 = vector.broadcast %get3A_65 : vector<1x128xf32> to vector<2500x128xf32>
    %add3A_67 = arith.addf %add3A_62, %add3A_66 : vector<2500x128xf32>
    %get3A_68 = arith.constant 0 : index
    %get3A_69 = arith.constant 0 : index
    %get3A_70 = vector.load %arg9[%get3A_68, %get3A_69] : memref<128x128xf32, #tpu.memory_space<vmem>>, vector<128x128xf32>
    %dot_general3A_71 = arith.constant dense<0.000000e+00> : vector<2500x128xf32>
    %dot_general3A_72 = tpu.matmul %mul3A, %get3A_70, %dot_general3A_71 {dimension_numbers = #tpu.dot_dimension_numbers<[1], [0], [0], [1], [0, 0, 1, 1], [], []>, transpose_lhs_hint = false} : vector<2500x128xf32>, vector<128x128xf32>, vector<2500x128xf32> -> vector<2500x128xf32>
    %get3A_73 = arith.constant 0 : index
    %get3A_74 = arith.constant 0 : index
    %get3A_75 = vector.load %arg13[%get3A_73, %get3A_74] : memref<128x128xf32, #tpu.memory_space<vmem>>, vector<128x128xf32>
    %dot_general3A_76 = arith.constant dense<0.000000e+00> : vector<2500x128xf32>
    %dot_general3A_77 = tpu.matmul %get3A_3, %get3A_75, %dot_general3A_76 {dimension_numbers = #tpu.dot_dimension_numbers<[1], [0], [0], [1], [0, 0, 1, 1], [], []>, transpose_lhs_hint = false} : vector<2500x128xf32>, vector<128x128xf32>, vector<2500x128xf32> -> vector<2500x128xf32>
    %add3A_78 = arith.addf %dot_general3A_72, %dot_general3A_77 : vector<2500x128xf32>
    %get3A_79 = arith.constant 0 : index
    %get3A_80 = arith.constant 0 : index
    %get3A_81 = vector.load %arg17[%get3A_79, %get3A_80] : memref<1x128xf32, #tpu.memory_space<vmem>>, vector<1x128xf32>
    %add3A_82 = vector.broadcast %get3A_81 : vector<1x128xf32> to vector<2500x128xf32>
    %add3A_83 = arith.addf %add3A_78, %add3A_82 : vector<2500x128xf32>
    %tanh3A = math.tanh %add3A_35 : vector<2500x128xf32>
    %mul3A_84 = arith.constant 5.000000e-01 : f32
    %mul3A_85 = vector.broadcast %mul3A_84 : f32 to vector<2500x128xf32>
    %mul3A_86 = arith.mulf %mul3A_85, %tanh3A : vector<2500x128xf32>
    %add3A_87 = arith.constant 5.000000e-01 : f32
    %add3A_88 = vector.broadcast %add3A_87 : f32 to vector<2500x128xf32>
    %add3A_89 = arith.addf %mul3A_86, %add3A_88 : vector<2500x128xf32>
    %tanh3A_90 = math.tanh %add3A_51 : vector<2500x128xf32>
    %mul3A_91 = arith.constant 5.000000e-01 : f32
    %mul3A_92 = vector.broadcast %mul3A_91 : f32 to vector<2500x128xf32>
    %mul3A_93 = arith.mulf %mul3A_92, %tanh3A_90 : vector<2500x128xf32>
    %add3A_94 = arith.constant 5.000000e-01 : f32
    %add3A_95 = vector.broadcast %add3A_94 : f32 to vector<2500x128xf32>
    %add3A_96 = arith.addf %mul3A_93, %add3A_95 : vector<2500x128xf32>
    %tanh3A_97 = math.tanh %add3A_67 : vector<2500x128xf32>
    %tanh3A_98 = math.tanh %add3A_83 : vector<2500x128xf32>
    %mul3A_99 = arith.constant 5.000000e-01 : f32
    %mul3A_100 = vector.broadcast %mul3A_99 : f32 to vector<2500x128xf32>
    %mul3A_101 = arith.mulf %mul3A_100, %tanh3A_98 : vector<2500x128xf32>
    %add3A_102 = arith.constant 5.000000e-01 : f32
    %add3A_103 = vector.broadcast %add3A_102 : f32 to vector<2500x128xf32>
    %add3A_104 = arith.addf %mul3A_101, %add3A_103 : vector<2500x128xf32>
    %mul3A_105 = arith.mulf %add3A_96, %get3A_6 : vector<2500x128xf32>
    %mul3A_106 = arith.mulf %add3A_89, %tanh3A_97 : vector<2500x128xf32>
    %add3A_107 = arith.addf %mul3A_105, %mul3A_106 : vector<2500x128xf32>
    %tanh3A_108 = math.tanh %add3A_107 : vector<2500x128xf32>
    %mul3A_109 = arith.mulf %add3A_104, %tanh3A_108 : vector<2500x128xf32>
    %get3A_110 = arith.constant 0 : index
    %get3A_111 = arith.constant 0 : index
    %get3A_112 = vector.load %arg3[%get3A_110, %get3A_111] : memref<2500x128xf32, #tpu.memory_space<vmem>>, vector<2500x128xf32>
    %get3A_113 = arith.constant 1 : index
    %get3A_114 = arith.constant 0 : index
    %get3A_115 = arith.constant 0 : index
    %get3A_116 = vector.load %arg4[%get3A_113, %get3A_114, %get3A_115] : memref<2x128x128xf32, #tpu.memory_space<vmem>>, vector<1x128x128xf32>
    %get3A_117 = vector.shape_cast %get3A_116 : vector<1x128x128xf32> to vector<128x128xf32>
    %dot_general3A_118 = arith.constant dense<0.000000e+00> : vector<2500x128xf32>
    %dot_general3A_119 = tpu.matmul %get3A_112, %get3A_117, %dot_general3A_118 {dimension_numbers = #tpu.dot_dimension_numbers<[1], [0], [0], [1], [0, 0, 1, 1], [], []>, transpose_lhs_hint = false} : vector<2500x128xf32>, vector<128x128xf32>, vector<2500x128xf32> -> vector<2500x128xf32>
    %get3A_120 = arith.constant 1 : index
    %get3A_121 = arith.constant 0 : index
    %get3A_122 = arith.constant 0 : index
    %get3A_123 = vector.load %arg2[%get3A_120, %get3A_121, %get3A_122] : memref<2x2500x128xf32, #tpu.memory_space<vmem>>, vector<1x2500x128xf32>
    %get3A_124 = vector.shape_cast %get3A_123 : vector<1x2500x128xf32> to vector<2500x128xf32>
    %mul3A_125 = arith.mulf %get3A_124, %dot_general3A_119 : vector<2500x128xf32>
    %get3A_126 = arith.constant 0 : index
    %get3A_127 = arith.constant 0 : index
    %get3A_128 = vector.load %arg6[%get3A_126, %get3A_127] : memref<128x128xf32, #tpu.memory_space<vmem>>, vector<128x128xf32>
    %dot_general3A_129 = arith.constant dense<0.000000e+00> : vector<2500x128xf32>
    %dot_general3A_130 = tpu.matmul %mul3A_125, %get3A_128, %dot_general3A_129 {dimension_numbers = #tpu.dot_dimension_numbers<[1], [0], [0], [1], [0, 0, 1, 1], [], []>, transpose_lhs_hint = false} : vector<2500x128xf32>, vector<128x128xf32>, vector<2500x128xf32> -> vector<2500x128xf32>
    %get3A_131 = arith.constant 0 : index
    %get3A_132 = arith.constant 0 : index
    %get3A_133 = vector.load %arg10[%get3A_131, %get3A_132] : memref<128x128xf32, #tpu.memory_space<vmem>>, vector<128x128xf32>
    %dot_general3A_134 = arith.constant dense<0.000000e+00> : vector<2500x128xf32>
    %dot_general3A_135 = tpu.matmul %mul3A_109, %get3A_133, %dot_general3A_134 {dimension_numbers = #tpu.dot_dimension_numbers<[1], [0], [0], [1], [0, 0, 1, 1], [], []>, transpose_lhs_hint = false} : vector<2500x128xf32>, vector<128x128xf32>, vector<2500x128xf32> -> vector<2500x128xf32>
    %add3A_136 = arith.addf %dot_general3A_130, %dot_general3A_135 : vector<2500x128xf32>
    %get3A_137 = arith.constant 0 : index
    %get3A_138 = arith.constant 0 : index
    %get3A_139 = vector.load %arg14[%get3A_137, %get3A_138] : memref<1x128xf32, #tpu.memory_space<vmem>>, vector<1x128xf32>
    %add3A_140 = vector.broadcast %get3A_139 : vector<1x128xf32> to vector<2500x128xf32>
    %add3A_141 = arith.addf %add3A_136, %add3A_140 : vector<2500x128xf32>
    %get3A_142 = arith.constant 0 : index
    %get3A_143 = arith.constant 0 : index
    %get3A_144 = vector.load %arg7[%get3A_142, %get3A_143] : memref<128x128xf32, #tpu.memory_space<vmem>>, vector<128x128xf32>
    %dot_general3A_145 = arith.constant dense<0.000000e+00> : vector<2500x128xf32>
    %dot_general3A_146 = tpu.matmul %mul3A_125, %get3A_144, %dot_general3A_145 {dimension_numbers = #tpu.dot_dimension_numbers<[1], [0], [0], [1], [0, 0, 1, 1], [], []>, transpose_lhs_hint = false} : vector<2500x128xf32>, vector<128x128xf32>, vector<2500x128xf32> -> vector<2500x128xf32>
    %get3A_147 = arith.constant 0 : index
    %get3A_148 = arith.constant 0 : index
    %get3A_149 = vector.load %arg11[%get3A_147, %get3A_148] : memref<128x128xf32, #tpu.memory_space<vmem>>, vector<128x128xf32>
    %dot_general3A_150 = arith.constant dense<0.000000e+00> : vector<2500x128xf32>
    %dot_general3A_151 = tpu.matmul %mul3A_109, %get3A_149, %dot_general3A_150 {dimension_numbers = #tpu.dot_dimension_numbers<[1], [0], [0], [1], [0, 0, 1, 1], [], []>, transpose_lhs_hint = false} : vector<2500x128xf32>, vector<128x128xf32>, vector<2500x128xf32> -> vector<2500x128xf32>
    %add3A_152 = arith.addf %dot_general3A_146, %dot_general3A_151 : vector<2500x128xf32>
    %get3A_153 = arith.constant 0 : index
    %get3A_154 = arith.constant 0 : index
    %get3A_155 = vector.load %arg15[%get3A_153, %get3A_154] : memref<1x128xf32, #tpu.memory_space<vmem>>, vector<1x128xf32>
    %add3A_156 = vector.broadcast %get3A_155 : vector<1x128xf32> to vector<2500x128xf32>
    %add3A_157 = arith.addf %add3A_152, %add3A_156 : vector<2500x128xf32>
    %get3A_158 = arith.constant 0 : index
    %get3A_159 = arith.constant 0 : index
    %get3A_160 = vector.load %arg8[%get3A_158, %get3A_159] : memref<128x128xf32, #tpu.memory_space<vmem>>, vector<128x128xf32>
    %dot_general3A_161 = arith.constant dense<0.000000e+00> : vector<2500x128xf32>
    %dot_general3A_162 = tpu.matmul %mul3A_125, %get3A_160, %dot_general3A_161 {dimension_numbers = #tpu.dot_dimension_numbers<[1], [0], [0], [1], [0, 0, 1, 1], [], []>, transpose_lhs_hint = false} : vector<2500x128xf32>, vector<128x128xf32>, vector<2500x128xf32> -> vector<2500x128xf32>
    %get3A_163 = arith.constant 0 : index
    %get3A_164 = arith.constant 0 : index
    %get3A_165 = vector.load %arg12[%get3A_163, %get3A_164] : memref<128x128xf32, #tpu.memory_space<vmem>>, vector<128x128xf32>
    %dot_general3A_166 = arith.constant dense<0.000000e+00> : vector<2500x128xf32>
    %dot_general3A_167 = tpu.matmul %mul3A_109, %get3A_165, %dot_general3A_166 {dimension_numbers = #tpu.dot_dimension_numbers<[1], [0], [0], [1], [0, 0, 1, 1], [], []>, transpose_lhs_hint = false} : vector<2500x128xf32>, vector<128x128xf32>, vector<2500x128xf32> -> vector<2500x128xf32>
    %add3A_168 = arith.addf %dot_general3A_162, %dot_general3A_167 : vector<2500x128xf32>
    %get3A_169 = arith.constant 0 : index
    %get3A_170 = arith.constant 0 : index
    %get3A_171 = vector.load %arg16[%get3A_169, %get3A_170] : memref<1x128xf32, #tpu.memory_space<vmem>>, vector<1x128xf32>
    %add3A_172 = vector.broadcast %get3A_171 : vector<1x128xf32> to vector<2500x128xf32>
    %add3A_173 = arith.addf %add3A_168, %add3A_172 : vector<2500x128xf32>
    %get3A_174 = arith.constant 0 : index
    %get3A_175 = arith.constant 0 : index
    %get3A_176 = vector.load %arg9[%get3A_174, %get3A_175] : memref<128x128xf32, #tpu.memory_space<vmem>>, vector<128x128xf32>
    %dot_general3A_177 = arith.constant dense<0.000000e+00> : vector<2500x128xf32>
    %dot_general3A_178 = tpu.matmul %mul3A_125, %get3A_176, %dot_general3A_177 {dimension_numbers = #tpu.dot_dimension_numbers<[1], [0], [0], [1], [0, 0, 1, 1], [], []>, transpose_lhs_hint = false} : vector<2500x128xf32>, vector<128x128xf32>, vector<2500x128xf32> -> vector<2500x128xf32>
    %get3A_179 = arith.constant 0 : index
    %get3A_180 = arith.constant 0 : index
    %get3A_181 = vector.load %arg13[%get3A_179, %get3A_180] : memref<128x128xf32, #tpu.memory_space<vmem>>, vector<128x128xf32>
    %dot_general3A_182 = arith.constant dense<0.000000e+00> : vector<2500x128xf32>
    %dot_general3A_183 = tpu.matmul %mul3A_109, %get3A_181, %dot_general3A_182 {dimension_numbers = #tpu.dot_dimension_numbers<[1], [0], [0], [1], [0, 0, 1, 1], [], []>, transpose_lhs_hint = false} : vector<2500x128xf32>, vector<128x128xf32>, vector<2500x128xf32> -> vector<2500x128xf32>
    %add3A_184 = arith.addf %dot_general3A_178, %dot_general3A_183 : vector<2500x128xf32>
    %get3A_185 = arith.constant 0 : index
    %get3A_186 = arith.constant 0 : index
    %get3A_187 = vector.load %arg17[%get3A_185, %get3A_186] : memref<1x128xf32, #tpu.memory_space<vmem>>, vector<1x128xf32>
    %add3A_188 = vector.broadcast %get3A_187 : vector<1x128xf32> to vector<2500x128xf32>
    %add3A_189 = arith.addf %add3A_184, %add3A_188 : vector<2500x128xf32>
    %tanh3A_190 = math.tanh %add3A_141 : vector<2500x128xf32>
    %mul3A_191 = arith.constant 5.000000e-01 : f32
    %mul3A_192 = vector.broadcast %mul3A_191 : f32 to vector<2500x128xf32>
    %mul3A_193 = arith.mulf %mul3A_192, %tanh3A_190 : vector<2500x128xf32>
    %add3A_194 = arith.constant 5.000000e-01 : f32
    %add3A_195 = vector.broadcast %add3A_194 : f32 to vector<2500x128xf32>
    %add3A_196 = arith.addf %mul3A_193, %add3A_195 : vector<2500x128xf32>
    %tanh3A_197 = math.tanh %add3A_157 : vector<2500x128xf32>
    %mul3A_198 = arith.constant 5.000000e-01 : f32
    %mul3A_199 = vector.broadcast %mul3A_198 : f32 to vector<2500x128xf32>
    %mul3A_200 = arith.mulf %mul3A_199, %tanh3A_197 : vector<2500x128xf32>
    %add3A_201 = arith.constant 5.000000e-01 : f32
    %add3A_202 = vector.broadcast %add3A_201 : f32 to vector<2500x128xf32>
    %add3A_203 = arith.addf %mul3A_200, %add3A_202 : vector<2500x128xf32>
    %tanh3A_204 = math.tanh %add3A_173 : vector<2500x128xf32>
    %tanh3A_205 = math.tanh %add3A_189 : vector<2500x128xf32>
    %mul3A_206 = arith.constant 5.000000e-01 : f32
    %mul3A_207 = vector.broadcast %mul3A_206 : f32 to vector<2500x128xf32>
    %mul3A_208 = arith.mulf %mul3A_207, %tanh3A_205 : vector<2500x128xf32>
    %add3A_209 = arith.constant 5.000000e-01 : f32
    %add3A_210 = vector.broadcast %add3A_209 : f32 to vector<2500x128xf32>
    %add3A_211 = arith.addf %mul3A_208, %add3A_210 : vector<2500x128xf32>
    %mul3A_212 = arith.mulf %add3A_203, %add3A_107 : vector<2500x128xf32>
    %mul3A_213 = arith.mulf %add3A_196, %tanh3A_204 : vector<2500x128xf32>
    %add3A_214 = arith.addf %mul3A_212, %mul3A_213 : vector<2500x128xf32>
    %tanh3A_215 = math.tanh %add3A_214 : vector<2500x128xf32>
    %mul3A_216 = arith.mulf %add3A_211, %tanh3A_215 : vector<2500x128xf32>
    %swap3A = arith.constant 0 : index
    %swap3A_217 = arith.constant 0 : index
    %swap3A_218 = vector.load %arg31[%swap3A, %swap3A_217] : memref<2500x128xf32, #tpu.memory_space<vmem>>, vector<2500x128xf32>
    tpu.vector_store %arg31[%swap3A, %swap3A_217], %mul3A_216 {strides = array<i32>} : memref<2500x128xf32, #tpu.memory_space<vmem>>, vector<2500x128xf32>,
    %swap3A_219 = arith.constant 0 : index
    %swap3A_220 = arith.constant 0 : index
    %swap3A_221 = vector.load %arg32[%swap3A_219, %swap3A_220] : memref<2500x128xf32, #tpu.memory_space<vmem>>, vector<2500x128xf32>
    tpu.vector_store %arg32[%swap3A_219, %swap3A_220], %add3A_214 {strides = array<i32>} : memref<2500x128xf32, #tpu.memory_space<vmem>>, vector<2500x128xf32>,
    %eq3A_222 = arith.constant 15 : i32
    %eq3A_223 = arith.cmpi eq, %arg1, %eq3A_222 : i32
    %convert_element_type3A_224 = arith.extui %eq3A_223 : i1 to i32
    %cond3A_225 = arith.constant 0 : i32
    %cond3A_226 = arith.cmpi ne, %convert_element_type3A_224, %cond3A_225 : i32
    scf.if %cond3A_226 {
      %get3A_227 = arith.constant 0 : index
      %get3A_228 = arith.constant 0 : index
      %get3A_229 = vector.load %arg5[%get3A_227, %get3A_228] : memref<2500x128xf32, #tpu.memory_space<vmem>>, vector<2500x128xf32>
      %get3A_230 = arith.constant 0 : index
      %get3A_231 = arith.constant 0 : index
      %get3A_232 = vector.load %arg18[%get3A_230, %get3A_231] : memref<128x80xf32, #tpu.memory_space<vmem>>, vector<128x80xf32>
      %dot_general3A_233 = arith.constant dense<0.000000e+00> : vector<2500x80xf32>
      %dot_general3A_234 = tpu.matmul %get3A_229, %get3A_232, %dot_general3A_233 {dimension_numbers = #tpu.dot_dimension_numbers<[1], [0], [0], [1], [0, 0, 1, 1], [], []>, transpose_lhs_hint = false} : vector<2500x128xf32>, vector<128x80xf32>, vector<2500x80xf32> -> vector<2500x80xf32>
      %get3A_235 = arith.constant 0 : index
      %get3A_236 = arith.constant 0 : index
      %get3A_237 = vector.load %arg19[%get3A_235, %get3A_236] : memref<128x80xf32, #tpu.memory_space<vmem>>, vector<128x80xf32>
      %dot_general3A_238 = arith.constant dense<0.000000e+00> : vector<2500x80xf32>
      %dot_general3A_239 = tpu.matmul %mul3A_216, %get3A_237, %dot_general3A_238 {dimension_numbers = #tpu.dot_dimension_numbers<[1], [0], [0], [1], [0, 0, 1, 1], [], []>, transpose_lhs_hint = false} : vector<2500x128xf32>, vector<128x80xf32>, vector<2500x80xf32> -> vector<2500x80xf32>
      %add3A_240 = arith.addf %dot_general3A_234, %dot_general3A_239 : vector<2500x80xf32>
      %get3A_241 = arith.constant 0 : index
      %get3A_242 = arith.constant 0 : index
      %get3A_243 = vector.load %arg20[%get3A_241, %get3A_242] : memref<1x80xf32, #tpu.memory_space<vmem>>, vector<1x80xf32>
      %add3A_244 = vector.broadcast %get3A_243 : vector<1x80xf32> to vector<2500x80xf32>
      %add3A_245 = arith.addf %add3A_240, %add3A_244 : vector<2500x80xf32>
      %get3A_246 = arith.constant 0 : index
      %get3A_247 = arith.constant 0 : index
      %get3A_248 = vector.load %arg21[%get3A_246, %get3A_247] : memref<1x80xf32, #tpu.memory_space<vmem>>, vector<1x80xf32>
      %mul3A_249 = vector.broadcast %get3A_248 : vector<1x80xf32> to vector<2500x80xf32>
      %mul3A_250 = arith.mulf %add3A_245, %mul3A_249 : vector<2500x80xf32>
      %get3A_251 = arith.constant 0 : index
      %get3A_252 = arith.constant 0 : index
      %get3A_253 = vector.load %arg22[%get3A_251, %get3A_252] : memref<1x80xf32, #tpu.memory_space<vmem>>, vector<1x80xf32>
      %add3A_254 = vector.broadcast %get3A_253 : vector<1x80xf32> to vector<2500x80xf32>
      %add3A_255 = arith.addf %mul3A_250, %add3A_254 : vector<2500x80xf32>
      %ge3A = arith.constant 0.000000e+00 : f32
      %ge3A_256 = vector.broadcast %ge3A : f32 to vector<2500x80xf32>
      %ge3A_257 = arith.cmpf oge, %add3A_255, %ge3A_256 : vector<2500x80xf32>
      %mul3A_258 = arith.constant 0.00999999977 : f32
      %mul3A_259 = vector.broadcast %mul3A_258 : f32 to vector<2500x80xf32>
      %mul3A_260 = arith.mulf %mul3A_259, %add3A_255 : vector<2500x80xf32>
      %select_n3A = arith.select %ge3A_257, %add3A_255, %mul3A_260 : vector<2500x80xi1>, vector<2500x80xf32>
      %get3A_261 = arith.constant 0 : index
      %get3A_262 = arith.constant 0 : index
      %get3A_263 = vector.load %arg23[%get3A_261, %get3A_262] : memref<80x4xf32, #tpu.memory_space<vmem>>, vector<80x4xf32>
      %dot_general3A_264 = arith.constant dense<0.000000e+00> : vector<2500x4xf32>
      %dot_general3A_265 = tpu.matmul %select_n3A, %get3A_263, %dot_general3A_264 {dimension_numbers = #tpu.dot_dimension_numbers<[1], [0], [0], [1], [0, 0, 1, 1], [], []>, transpose_lhs_hint = false} : vector<2500x80xf32>, vector<80x4xf32>, vector<2500x4xf32> -> vector<2500x4xf32>
      %reduce_max3A = vector.shape_cast %dot_general3A_265 : vector<2500x4xf32> to vector<1x2500x4xf32>
      %reduce_max3A_266 = arith.constant dense<0xFF800000> : vector<1xf32>
      %reduce_max3A_267 = vector.multi_reduction <maximumf>, %reduce_max3A, %reduce_max3A_266 [1, 2] : vector<1x2500x4xf32> to vector<1xf32>
      %reduce_max3A_268 = vector.shape_cast %reduce_max3A_267 : vector<1xf32> to vector<1x1x1xf32>
      %reduce_max3A_269 = vector.extract %reduce_max3A_268[0, 0, 0] : f32 from vector<1x1x1xf32>
      %sub3A = vector.broadcast %reduce_max3A_269 : f32 to vector<2500x4xf32>
      %sub3A_270 = arith.subf %dot_general3A_265, %sub3A : vector<2500x4xf32>
      %exp3A = math.exp %sub3A_270 : vector<2500x4xf32>
      %reduce_sum3A = vector.shape_cast %exp3A : vector<2500x4xf32> to vector<1x2500x4xf32>
      %reduce_sum3A_271 = arith.constant dense<0.000000e+00> : vector<1xf32>
      %reduce_sum3A_272 = vector.multi_reduction <add>, %reduce_sum3A, %reduce_sum3A_271 [1, 2] : vector<1x2500x4xf32> to vector<1xf32>
      %reduce_sum3A_273 = vector.shape_cast %reduce_sum3A_272 : vector<1xf32> to vector<1x1x1xf32>
      %reduce_sum3A_274 = vector.extract %reduce_sum3A_273[0, 0, 0] : f32 from vector<1x1x1xf32>
      %get3A_275 = arith.constant 0 : index
      %get3A_276 = arith.constant 0 : index
      %get3A_277 = vector.load %arg24[%get3A_275, %get3A_276] : memref<4x80xf32, #tpu.memory_space<vmem>>, vector<4x80xf32>
      %dot_general3A_278 = arith.constant dense<0.000000e+00> : vector<2500x80xf32>
      %dot_general3A_279 = tpu.matmul %exp3A, %get3A_277, %dot_general3A_278 {dimension_numbers = #tpu.dot_dimension_numbers<[1], [0], [0], [1], [0, 0, 1, 1], [], []>, transpose_lhs_hint = false} : vector<2500x4xf32>, vector<4x80xf32>, vector<2500x80xf32> -> vector<2500x80xf32>
      %mul3A_280 = arith.mulf %dot_general3A_279, %select_n3A : vector<2500x80xf32>
      %reduce_sum3A_281 = arith.constant dense<0.000000e+00> : vector<80xf32>
      %reduce_sum3A_282 = vector.multi_reduction <add>, %mul3A_280, %reduce_sum3A_281 [0] : vector<2500x80xf32> to vector<80xf32>
      %broadcast_in_dim3A = vector.shape_cast %reduce_sum3A_282 : vector<80xf32> to vector<1x80xf32>
      %get3A_283 = arith.constant 0 : index
      %get3A_284 = arith.constant 0 : index
      %get3A_285 = vector.load %arg25[%get3A_283, %get3A_284] : memref<80x20xf32, #tpu.memory_space<vmem>>, vector<80x20xf32>
      %dot_general3A_286 = arith.constant dense<0.000000e+00> : vector<1x20xf32>
      %dot_general3A_287 = tpu.matmul %broadcast_in_dim3A, %get3A_285, %dot_general3A_286 {dimension_numbers = #tpu.dot_dimension_numbers<[1], [0], [0], [1], [0, 0, 1, 1], [], []>, transpose_lhs_hint = false} : vector<1x80xf32>, vector<80x20xf32>, vector<1x20xf32> -> vector<1x20xf32>
      %div3A = vector.broadcast %reduce_sum3A_274 : f32 to vector<1x20xf32>
      %div3A_288 = arith.divf %dot_general3A_287, %div3A : vector<1x20xf32>
      %get3A_289 = arith.constant 0 : index
      %get3A_290 = arith.constant 0 : index
      %get3A_291 = vector.load %arg26[%get3A_289, %get3A_290] : memref<20x10xf32, #tpu.memory_space<vmem>>, vector<20x10xf32>
      %dot_general3A_292 = arith.constant dense<0.000000e+00> : vector<1x10xf32>
      %dot_general3A_293 = tpu.matmul %div3A_288, %get3A_291, %dot_general3A_292 {dimension_numbers = #tpu.dot_dimension_numbers<[1], [0], [0], [1], [0, 0, 1, 1], [], []>, transpose_lhs_hint = false} : vector<1x20xf32>, vector<20x10xf32>, vector<1x10xf32> -> vector<1x10xf32>
      %get3A_294 = arith.constant 0 : index
      %get3A_295 = arith.constant 0 : index
      %get3A_296 = vector.load %arg27[%get3A_294, %get3A_295] : memref<1x10xf32, #tpu.memory_space<vmem>>, vector<1x10xf32>
      %add3A_297 = arith.addf %dot_general3A_293, %get3A_296 : vector<1x10xf32>
      %ge3A_298 = arith.constant 0.000000e+00 : f32
      %ge3A_299 = vector.broadcast %ge3A_298 : f32 to vector<1x10xf32>
      %ge3A_300 = arith.cmpf oge, %add3A_297, %ge3A_299 : vector<1x10xf32>
      %mul3A_301 = arith.constant 0.00999999977 : f32
      %mul3A_302 = vector.broadcast %mul3A_301 : f32 to vector<1x10xf32>
      %mul3A_303 = arith.mulf %mul3A_302, %add3A_297 : vector<1x10xf32>
      %select_n3A_304 = arith.select %ge3A_300, %add3A_297, %mul3A_303 : vector<1x10xi1>, vector<1x10xf32>
      %get3A_305 = arith.constant 0 : index
      %get3A_306 = arith.constant 0 : index
      %get3A_307 = vector.load %arg28[%get3A_305, %get3A_306] : memref<10x2xf32, #tpu.memory_space<vmem>>, vector<10x2xf32>
      %dot_general3A_308 = arith.constant dense<0.000000e+00> : vector<1x2xf32>
      %dot_general3A_309 = tpu.matmul %select_n3A_304, %get3A_307, %dot_general3A_308 {dimension_numbers = #tpu.dot_dimension_numbers<[1], [0], [0], [1], [0, 0, 1, 1], [], []>, transpose_lhs_hint = false} : vector<1x10xf32>, vector<10x2xf32>, vector<1x2xf32> -> vector<1x2xf32>
      %get3A_310 = arith.constant 0 : index
      %get3A_311 = arith.constant 0 : index
      %get3A_312 = vector.load %arg29[%get3A_310, %get3A_311] : memref<1x2xf32, #tpu.memory_space<vmem>>, vector<1x2xf32>
      %add3A_313 = arith.addf %dot_general3A_309, %get3A_312 : vector<1x2xf32>
      %swap3A_314 = arith.constant 0 : index
      %swap3A_315 = arith.constant 0 : index
      %swap3A_316 = vector.load %arg30[%swap3A_314, %swap3A_315] : memref<1x2xf32, #tpu.memory_space<vmem>>, vector<1x2xf32>
      tpu.vector_store %arg30[%swap3A_314, %swap3A_315], %add3A_313 {strides = array<i32>} : memref<1x2xf32, #tpu.memory_space<vmem>>, vector<1x2xf32>,
    } else {
    }
    return
  }
  func.func @transform_0(%arg0: i32, %arg1: i32) -> (i32, i32, i32) {
    %c0_i32 = arith.constant 0 : i32
    %c0_i32_0 = arith.constant 0 : i32
    return %arg1, %arg0, %c0_i32 : i32, i32, i32
  }
  func.func @transform_1(%arg0: i32, %arg1: i32) -> (i32, i32) {
    %c0_i32 = arith.constant 0 : i32
    %c0_i32_0 = arith.constant 0 : i32
    return %arg0, %c0_i32 : i32, i32
  }
  func.func @transform_2(%arg0: i32, %arg1: i32) -> (i32, i32, i32) {
    %c0_i32 = arith.constant 0 : i32
    %c0_i32_0 = arith.constant 0 : i32
    %c0_i32_1 = arith.constant 0 : i32
    return %arg1, %c0_i32, %c0_i32_0 : i32, i32, i32
  }
  func.func @transform_3(%arg0: i32, %arg1: i32) -> (i32, i32) {
    %c0_i32 = arith.constant 0 : i32
    %c0_i32_0 = arith.constant 0 : i32
    return %arg0, %c0_i32 : i32, i32
  }
  func.func @transform_4(%arg0: i32, %arg1: i32) -> (i32, i32) {
    %c0_i32 = arith.constant 0 : i32
    %c0_i32_0 = arith.constant 0 : i32
    %c0_i32_1 = arith.constant 0 : i32
    return %c0_i32, %c0_i32_0 : i32, i32
  }
  func.func @transform_5(%arg0: i32, %arg1: i32) -> (i32, i32) {
    %c0_i32 = arith.constant 0 : i32
    %c0_i32_0 = arith.constant 0 : i32
    %c0_i32_1 = arith.constant 0 : i32
    return %c0_i32, %c0_i32_0 : i32, i32
  }
  func.func @transform_6(%arg0: i32, %arg1: i32) -> (i32, i32) {
    %c0_i32 = arith.constant 0 : i32
    %c0_i32_0 = arith.constant 0 : i32
    %c0_i32_1 = arith.constant 0 : i32
    return %c0_i32, %c0_i32_0 : i32, i32
  }
  func.func @transform_7(%arg0: i32, %arg1: i32) -> (i32, i32) {
    %c0_i32 = arith.constant 0 : i32
    %c0_i32_0 = arith.constant 0 : i32
    %c0_i32_1 = arith.constant 0 : i32
    return %c0_i32, %c0_i32_0 : i32, i32
  }
  func.func @transform_8(%arg0: i32, %arg1: i32) -> (i32, i32) {
    %c0_i32 = arith.constant 0 : i32
    %c0_i32_0 = arith.constant 0 : i32
    %c0_i32_1 = arith.constant 0 : i32
    return %c0_i32, %c0_i32_0 : i32, i32
  }
  func.func @transform_9(%arg0: i32, %arg1: i32) -> (i32, i32) {
    %c0_i32 = arith.constant 0 : i32
    %c0_i32_0 = arith.constant 0 : i32
    %c0_i32_1 = arith.constant 0 : i32
    return %c0_i32, %c0_i32_0 : i32, i32
  }
  func.func @transform_10(%arg0: i32, %arg1: i32) -> (i32, i32) {
    %c0_i32 = arith.constant 0 : i32
    %c0_i32_0 = arith.constant 0 : i32
    %c0_i32_1 = arith.constant 0 : i32
    return %c0_i32, %c0_i32_0 : i32, i32
  }
  func.func @transform_11(%arg0: i32, %arg1: i32) -> (i32, i32) {
    %c0_i32 = arith.constant 0 : i32
    %c0_i32_0 = arith.constant 0 : i32
    %c0_i32_1 = arith.constant 0 : i32
    return %c0_i32, %c0_i32_0 : i32, i32
  }
  func.func @transform_12(%arg0: i32, %arg1: i32) -> (i32, i32) {
    %c0_i32 = arith.constant 0 : i32
    %c0_i32_0 = arith.constant 0 : i32
    %c0_i32_1 = arith.constant 0 : i32
    return %c0_i32, %c0_i32_0 : i32, i32
  }
  func.func @transform_13(%arg0: i32, %arg1: i32) -> (i32, i32) {
    %c0_i32 = arith.constant 0 : i32
    %c0_i32_0 = arith.constant 0 : i32
    %c0_i32_1 = arith.constant 0 : i32
    return %c0_i32, %c0_i32_0 : i32, i32
  }
  func.func @transform_14(%arg0: i32, %arg1: i32) -> (i32, i32) {
    %c0_i32 = arith.constant 0 : i32
    %c0_i32_0 = arith.constant 0 : i32
    %c0_i32_1 = arith.constant 0 : i32
    return %c0_i32, %c0_i32_0 : i32, i32
  }
  func.func @transform_15(%arg0: i32, %arg1: i32) -> (i32, i32) {
    %c0_i32 = arith.constant 0 : i32
    %c0_i32_0 = arith.constant 0 : i32
    %c0_i32_1 = arith.constant 0 : i32
    return %c0_i32, %c0_i32_0 : i32, i32
  }
  func.func @transform_16(%arg0: i32, %arg1: i32) -> (i32, i32) {
    %c0_i32 = arith.constant 0 : i32
    %c0_i32_0 = arith.constant 0 : i32
    %c0_i32_1 = arith.constant 0 : i32
    return %c0_i32, %c0_i32_0 : i32, i32
  }
  func.func @transform_17(%arg0: i32, %arg1: i32) -> (i32, i32) {
    %c0_i32 = arith.constant 0 : i32
    %c0_i32_0 = arith.constant 0 : i32
    %c0_i32_1 = arith.constant 0 : i32
    return %c0_i32, %c0_i32_0 : i32, i32
  }
  func.func @transform_18(%arg0: i32, %arg1: i32) -> (i32, i32) {
    %c0_i32 = arith.constant 0 : i32
    %c0_i32_0 = arith.constant 0 : i32
    %c0_i32_1 = arith.constant 0 : i32
    return %c0_i32, %c0_i32_0 : i32, i32
  }
  func.func @transform_19(%arg0: i32, %arg1: i32) -> (i32, i32) {
    %c0_i32 = arith.constant 0 : i32
    %c0_i32_0 = arith.constant 0 : i32
    %c0_i32_1 = arith.constant 0 : i32
    return %c0_i32, %c0_i32_0 : i32, i32
  }
  func.func @transform_20(%arg0: i32, %arg1: i32) -> (i32, i32) {
    %c0_i32 = arith.constant 0 : i32
    %c0_i32_0 = arith.constant 0 : i32
    %c0_i32_1 = arith.constant 0 : i32
    return %c0_i32, %c0_i32_0 : i32, i32
  }
  func.func @transform_21(%arg0: i32, %arg1: i32) -> (i32, i32) {
    %c0_i32 = arith.constant 0 : i32
    %c0_i32_0 = arith.constant 0 : i32
    %c0_i32_1 = arith.constant 0 : i32
    return %c0_i32, %c0_i32_0 : i32, i32
  }
  func.func @transform_22(%arg0: i32, %arg1: i32) -> (i32, i32) {
    %c0_i32 = arith.constant 0 : i32
    %c0_i32_0 = arith.constant 0 : i32
    %c0_i32_1 = arith.constant 0 : i32
    return %c0_i32, %c0_i32_0 : i32, i32
  }
  func.func @transform_23(%arg0: i32, %arg1: i32) -> (i32, i32) {
    %c0_i32 = arith.constant 0 : i32
    %c0_i32_0 = arith.constant 0 : i32
    %c0_i32_1 = arith.constant 0 : i32
    return %c0_i32, %c0_i32_0 : i32, i32
  }
  func.func @transform_24(%arg0: i32, %arg1: i32) -> (i32, i32) {
    %c0_i32 = arith.constant 0 : i32
    %c0_i32_0 = arith.constant 0 : i32
    %c0_i32_1 = arith.constant 0 : i32
    return %c0_i32, %c0_i32_0 : i32, i32
  }
  func.func @transform_25(%arg0: i32, %arg1: i32) -> (i32, i32) {
    %c0_i32 = arith.constant 0 : i32
    %c0_i32_0 = arith.constant 0 : i32
    %c0_i32_1 = arith.constant 0 : i32
    return %c0_i32, %c0_i32_0 : i32, i32
  }
  func.func @transform_26(%arg0: i32, %arg1: i32) -> (i32, i32) {
    %c0_i32 = arith.constant 0 : i32
    %c0_i32_0 = arith.constant 0 : i32
    %c0_i32_1 = arith.constant 0 : i32
    return %c0_i32, %c0_i32_0 : i32, i32
  }
  func.func @transform_27(%arg0: i32, %arg1: i32) -> (i32, i32) {
    %c0_i32 = arith.constant 0 : i32
    %c0_i32_0 = arith.constant 0 : i32
    %c0_i32_1 = arith.constant 0 : i32
    return %c0_i32, %c0_i32_0 : i32, i32
  }
  func.func @transform_28(%arg0: i32, %arg1: i32) -> (i32, i32) {
    %c0_i32 = arith.constant 0 : i32
    %c0_i32_0 = arith.constant 0 : i32
    %c0_i32_1 = arith.constant 0 : i32
    return %c0_i32, %c0_i32_0 : i32, i32
  }
}

</mosaic_0001>

<sc_bundles>
// kernel: kernel.10.cloned.1.call-start
scs
__scs_entry_jumppad:
0x0: {  	(pc) =	sbr.rel $0x88, $3  }
0x1: {  	(tag) =	ssettag $0x0;
	lr =	simm.s32 $0x1  }
0x2: {  	[smem:$0x3F7F] =	sst lr;
	_ =	strace $0xD0000000  }
0x3: {  	_ = 	snop  }
0x4: {  	_ = 	snop  }
0x5: {  	_ = 	snop  }
0x6: {  	_ = 	snop  }
0x7: {  	_ = 	snop  }
__scs_overlays_trampoline_lowered:
0x8: {  	[smem:$0x3F8E] =	sst s0  }
0x9: {  	[smem:$0x3F8F] =	sst s1  }
0xa: {  	[smem:$0x3F90] =	sst s2  }
0xb: {  	[smem:$0x3F91] =	sst s3  }
0xc: {  	[smem:$0x3F92] =	sst s4  }
0xd: {  	[smem:$0x3F93] =	sst s5  }
0xe: {  	[smem:$0x3F94] =	sst s6  }
0xf: {  	[smem:$0x3F95] =	sst s7  }
0x10: {  	[smem:$0x3F96] =	sst s8  }
0x11: {  	[smem:$0x3F97] =	sst s9;
	s0 =	simm.s32 @!p0 $0x0  }
0x12: {  	s1 =	sld [smem:$0x3F7D];
	s0 =	simm.s32 @p0 $0x1  }
0x13: {  	[smem:$0x3F98] =	sst s0;
	s0 =	simm.s32 @!p1 $0x0  }
0x14: {  	s2 =	sld [smem:$0x3F7C];
	s0 =	simm.s32 @p1 $0x1  }
0x15: {  	[smem:$0x3F99] =	sst s0;
	s0 =	simm.s32 @!p2 $0x0  }
0x16: {  	s3 =	sld [smem:$0x3FDB];
	s0 =	simm.s32 @p2 $0x1  }
0x17: {  	s4 =	simm.s32 $0x1BF5;
	[smem:$0x3F9B] =	sst s0  }
0x18: {  	s0 =	sld [smem:$0x3F7E];
	_ =	swait.ge [sflag:s4], $0x0  }
0x19: {  	s7 =	sld [smem:$0x3F7F]  }
0x1a: {  	s8 =	sadd.s32 $0xFFFFE003, lr  }
0x1b: {  	s9 =	sadd.s32 $0xFFFFFEF7, lr;
	s5 =	simm.s32 $0xFFFFFFFF;
	p2 =	slt.u32 s8, $0xFFFFF086  }
0x1c: {  	p1 =	slt.u32 s9, $0xF7A;
	s5 =	simm.s32 @!p2 $0x0  }
0x1d: {  	s5 =	simm.s32 @p1 $0x1;
	p0 =	seq.s32 s7, s2  }
0x1e: {  	s7 =	smul.u32 @!p0 $0xF7A, s2;
	p2 =	seq.s32 @!p0 s5, $0x0  }
0x1f: {  	s9 =	smul.u32 $0xF7A, s1;
	s8 =	simm.s32 @!p0 $0x1BF5;
	p2 =	por !p2, p0  }
0x20: {  	[sflag:s8] =	ssyncset.s32 @!p0 $0xFFFFF086;
	s6 =	sadd.s32 @!p0 s3, s7;
	s7 =	simm.s32 @!p0 $0x108  }
0x21: {  	s3 =	sadd.s32 s3, s9;
	s6 =	sadd.s32 @!p0 $0x88, s6;
	s7 =	simm.s32 @p2 $0x1082  }
0x22: {  	[simem:s7], [sflag:s8] =	dma.local @!p0 [hbm:s6], $0xF7A  }
0x23: {  	s9 =	sor.u32 $0xD0000000, s2;
	s6 =	simm.s32 $0x108;
	_ =	swait.ge @!p0 [sflag:s8], $0x0  }
0x24: {  	s3 =	sadd.s32 $0x88, s3;
	s6 =	simm.s32 @!p1 $0x1082;
	[sflag:s4] =	ssyncset.s32 $0xFFFFF086  }
0x25: {  	[simem:s6], [sflag:s4] =	dma.local [hbm:s3], $0xF7A  }
0x26: {  	[smem:$0x3F7F] =	sst s1;
	(tag) =	ssettag s2;
	_ =	strace s9  }
0x27: {  	s1 =	sld [smem:$0x3F8F]  }
0x28: {  	s2 =	sld [smem:$0x3F90]  }
0x29: {  	s4 =	sld [smem:$0x3F92]  }
0x2a: {  	p0 =	seq.s32 s5, $0x0;
	s5 =	sld [smem:$0x3F93]  }
0x2b: {  	s6 =	sld [smem:$0x3F94]  }
0x2c: {  	s7 =	sld [smem:$0x3F95]  }
0x2d: {  	s3 =	simm.s32 $0x108;
	s8 =	sld [smem:$0x3F96]  }
0x2e: {  	s3 =	simm.s32 @!p0 $0x1082;
	s9 =	sld [smem:$0x3F97]  }
0x2f: {  	lr =	sadd.s32 s0, s3;
	s0 =	sld [smem:$0x3F8E]  }
0x30: {  	s3 =	sld [smem:$0x3F91]  }
0x31: {  	[smem:$0x3F9A] =	sst s10  }
0x32: {  	s10 =	sld [smem:$0x3F98];
	_ =	sdelay $0x3  }
0x33: {  	p0 =	seq.s32 s10, $0x1;
	s10 =	sld [smem:$0x3F9A];
	_ =	sdelay $0x3  }
0x34: {  	[smem:$0x3F9A] =	sst s10  }
0x35: {  	s10 =	sld [smem:$0x3F99];
	_ =	sdelay $0x3  }
0x36: {  	p1 =	seq.s32 s10, $0x1;
	s10 =	sld [smem:$0x3F9A];
	_ =	sdelay $0x3  }
0x37: {  	[smem:$0x3F9A] =	sst s10  }
0x38: {  	s10 =	sld [smem:$0x3F9B]  }
0x39: {  	_ = 	snop;
	(pc) =	sbr.ind lr, $3  }
0x3a: {  	_ = 	snop  }
0x3b: {  	_ = 	snop  }
0x3c: {  	p2 =	seq.s32 s10, $0x1;
	s10 =	sld [smem:$0x3F9A]  }
0x3d: {  	_ =	shalt  }
0x3e: {  	_ =	shalt  }
0x3f: {  	_ =	shalt  }
0x40: {  	_ =	shalt  }
0x41: {  	_ =	shalt  }
0x42: {  	_ =	shalt  }
0x43: {  	_ =	shalt  }
0x44: {  	_ =	shalt  }
0x45: {  	_ =	shalt  }
0x46: {  	_ =	shalt  }
0x47: {  	_ =	shalt  }
0x48: {  	_ =	shalt  }
0x49: {  	_ =	shalt  }
0x4a: {  	_ =	shalt  }
0x4b: {  	_ =	shalt  }
0x4c: {  	_ =	shalt  }
0x4d: {  	_ =	shalt  }
0x4e: {  	_ =	shalt  }
0x4f: {  	_ =	shalt  }
0x50: {  	_ =	shalt  }
0x51: {  	_ =	shalt  }
0x52: {  	_ =	shalt  }
0x53: {  	_ =	shalt  }
0x54: {  	_ =	shalt  }
0x55: {  	_ =	shalt  }
0x56: {  	_ =	shalt  }
0x57: {  	_ =	shalt  }
0x58: {  	_ =	shalt  }
0x59: {  	_ =	shalt  }
0x5a: {  	_ =	shalt  }
0x5b: {  	_ =	shalt  }
0x5c: {  	_ =	shalt  }
0x5d: {  	_ =	shalt  }
0x5e: {  	_ =	shalt  }
0x5f: {  	_ =	shalt  }
0x60: {  	_ =	shalt  }
0x61: {  	_ =	shalt  }
0x62: {  	_ =	shalt  }
0x63: {  	_ =	shalt  }
0x64: {  	_ =	shalt  }
0x65: {  	_ =	shalt  }
0x66: {  	_ =	shalt  }
0x67: {  	_ =	shalt  }
0x68: {  	_ =	shalt  }
0x69: {  	_ =	shalt  }
0x6a: {  	_ =	shalt  }
0x6b: {  	_ =	shalt  }
0x6c: {  	_ =	shalt  }
0x6d: {  	_ =	shalt  }
0x6e: {  	_ =	shalt  }
0x6f: {  	_ =	shalt  }
0x70: {  	_ =	shalt  }
0x71: {  	_ =	shalt  }
0x72: {  	_ =	shalt  }
0x73: {  	_ =	shalt  }
0x74: {  	_ =	shalt  }
0x75: {  	_ =	shalt  }
0x76: {  	_ =	shalt  }
0x77: {  	_ =	shalt  }
0x78: {  	_ =	shalt  }
0x79: {  	_ =	shalt  }
0x7a: {  	_ =	shalt  }
0x7b: {  	_ =	shalt  }
0x7c: {  	_ =	shalt  }
0x7d: {  	_ =	shalt  }
0x7e: {  	_ =	shalt  }
0x7f: {  	_ =	shalt  }
0x80: {  	_ =	shalt  }
0x81: {  	_ =	shalt  }
0x82: {  	_ =	shalt  }
0x83: {  	_ =	shalt  }
0x84: {  	_ =	shalt  }
0x85: {  	_ =	shalt  }
0x86: {  	_ =	shalt  }
0x87: {  	_ =	shalt  }
.Lfunc_end0:
.L_simem_size_0:
called_computation.1_lowered:
.L_overlay_start_0:
0x88: {  	s2 =	sld [smem:$0x3FD9]  }
0x89: {  	s3 =	sld [smem:$0x3FFE];
	_ =	sdelay $0x1  }
0x8a: {  	s1 =	srdreg.scid  }
0x8b: {  	s0 =	sand.u32 $0x1, s1  }
0x8c: {  	s16 =	sshll.u32 s0, $0xA;
	s2 =	sadd.s32 s3, s2  }
0x8d: {  	s2 =	sadd.s32 s2, s16  }
0x8e: {  	[smem:$0x3FA6] =	sst s2  }
0x8f: {  	_ = 	snop  }
0x90: {  	(tm) =	ssettm $0x1  }
0x91: {  	s17 =	sld [smem:$0x3FFB];
	_ =	sdelay $0x3  }
0x92: {  	_ =	strace s17  }
0x93: {  	s2 =	sld [smem:$0x3FFC];
	_ =	sdelay $0x3  }
0x94: {  	_ =	strace s2  }
0x95: {  	s2 =	sld [smem:$0x3FFD];
	_ =	sdelay $0x3  }
0x96: {  	_ =	strace s2  }
0x97: {  	_ =	strace $0x8FFFFFFF  }
0x98: {  	s18 =	sld [smem:$0x3FDB];
	_ =	sdelay $0x1  }
0x99: {  	s19 =	simm.s32 $_scs_section_size  }
0x9a: {  	s4 =	simm.s32 $_size__tile_overlayer_lowered;
	s5 =	simm.s32 $_tile_overlayer_lowered  }
0x9b: {  	s22 =	simm.s32 $0x1BFF;
	s21 =	sshll.u32 s5, $0x1;
	s2 =	sadd.s32 s19, s18  }
0x9c: {  	s6 =	simm.s32 $0x0;
	s20 =	sshll.u32 s4, $0x1;
	s4 =	sadd.s32 s21, s2  }
0x9d: {  	[timem:s6], [sflag:s22] =	dma.local [hbm:s4], s20  }
0x9e: {  	_ =	swait.ge [sflag:s22], s20  }
0x9f: {  	s3 =	ssub.s32 $0x0, s20;
	[sflag:s22] =	ssyncset.done $0x0  }
0xa0: {  	[sflag:s22] =	ssyncadd.s32 s3;
	_ =	sdelay $0x1  }
0xa1: {  	s23 =	simm.s32 $0x1B8B  }
0xa2: {  	_ =	swait.ge [sflag:s23], $0x1  }
0xa3: {  	[sflag:s23] =	ssyncset.done $0x0  }
0xa4: {  	s25 =	simm.s32 $0x1B8E;
	s24 =	sld [smem:$0x3FFE];
	[sflag:s23] =	ssyncadd.s32 $0xFFFFFFFF  }
0xa5: {  	s26 =	simm.s32 $execute0_lowered;
	[smem:$0x3FD2] =	sst s25  }
0xa6: {  	s4 =	sshll.u32 s26, $0x1;
	_ =	strace $0x80000049;
	[dreg:$0x1] =	wrdreg $0xFFFFFFFF  }
0xa7: {  	s28 =	simm.s32 $_size_execute0_lowered;
	s2 =	sadd.s32 s2, s4;
	[dreg:$0x0] =	wrdreg $0x0  }
0xa8: {  	s4 =	sshll.u32 s28, $0x1;
	[dreg:$0x2] =	wrdreg s2  }
0xa9: {  	[dreg:$0x3] =	wrdreg s4  }
0xaa: {  	[dreg:$0x4] =	wrdreg $0xC0  }
0xab: {  	_ =	task [dreg:s6], $0x5FFFF  }
0xac: {  	[dreg:$0x1] =	wrdreg $0xFFFFFFFF  }
0xad: {  	[dreg:$0x0] =	wrdreg $0x60  }
0xae: {  	[dreg:$0x2] =	wrdreg s24  }
0xaf: {  	[dreg:$0x3] =	wrdreg $0x9  }
0xb0: {  	_ =	task.clear_ibuf [dreg:s6], $0x4FFFF;
	_ =	strace $0x90000049  }
0xb1: {  	s29 =	simm.s32 $0x9;
	_ =	strace $0x8000004B  }
0xb2: {  	_ =	swait.ge [sflag:s29], $0x1  }
0xb3: {  	[sflag:s29] =	ssyncadd.s32 $0xFFFFFFFF  }
0xb4: {  	_ =	strace $0x9000004B  }
0xb5: {  	_ =	sfence  }
0xb6: {  	s30 =	sld [smem:$0x0];
	_ =	sdelay $0x2  }
0xb7: {  	s31 =	sshll.u32 s1, $0xD;
	s1 =	sshrl.u32 s1, $0x2  }
0xb8: {  	s3 =	sand.u32 $0x4000, s31;
	s1 =	sadd.s32 s1, s30  }
0xb9: {  	s0 =	sor.u32 s3, s0;
	s1 =	sshll.u32 s1, $0x11  }
0xba: {  	s0 =	sor.u32 s1, s0  }
0xbb: {  	s0 =	sadd.s32 $0x8F2B, s0  }
0xbc: {  	[sflag:s0] =	ssyncadd.remote.s32 $0x1  }
0xbd: {  	_ =	sfence.sel $0xFFFF  }
0xbe: {  	[dreg:$0x0] =	wrdreg $0xFFFFFFFF;
	(pc) =	sbr.abs _section_cstart, $3  }
0xbf: {  	[dreg:$0x1] =	wrdreg $0xFFFFFFFF  }
0xc0: {  	_ =	task.clear_ibuf [dreg:s6], $0x2FFFF;
	_ =	strace $0x9FFFFFFF  }
0xc1: {  	(tm) =	ssettm $0x7FFFFFFF  }
tec
execute0_lowered:
.L_overlay_start_1:
0x0: {  	(tag) =	ssettag $0x1  }
0x1: {  	s1 =	srdreg.scid  }
0x2: {  	s0 =	stileid.u32;
	s5 =	rddreg [dreg:$0x0];
	s2 =	simm.s32 $0x0  }
0x3: {  	s31 =	simm.s32 $0x3710;
	s11 =	simm.s32 $0x5710;
	s12 =	simm.s32 $0x6710  }
0x4: {  	s13 =	simm.s32 $0x7710;
	s14 =	simm.s32 $0x8710;
	s15 =	simm.s32 $0x9710  }
0x5: {  	s16 =	simm.s32 $0xA710;
	s17 =	simm.s32 $0xB710;
	s18 =	simm.s32 $0xC710  }
0x6: {  	s19 =	simm.s32 $0xD710;
	s20 =	simm.s32 $0xE710;
	s21 =	simm.s32 $0x1  }
0x7: {  	s22 =	simm.s32 $0x10;
	s23 =	simm.s32 $0x2700;
	s24 =	simm.s32 $0x0  }
0x8: {  	s4 =	sand.u32 $0x1, s1;
	s28 =	sshll.u32 s0, $0x1;
	s1 =	rddreg [dreg:$0x1]  }
0x9: {  	[smem:$0x7FF] =	sst s2;
	s10 =	smul.u32 $0x13880, s0;
	s6 =	sor.u32 s4, s28  }
0xa: {  	s3 =	sadd.s32 $0x15000, s5;
	_ =	strace $0x8000004A;
	s7 =	smul.u32 $0x2710, s6  }
0xb: {  	s8 =	ssub.s32 $0x2, s4;
	s29 =	smul.u32 $0x9C40, s4;
	[dreg:$0x3] =	wrdreg s31  }
0xc: {  	s6 =	smul.u32 $0x4E200, s6;
	s9 =	sshrl.u32 s8, $0x1;
	s7 =	sshrl.u32 s7, $0x3  }
0xd: {  	s8 =	ssub.s32 s8, s9;
	s9 =	simm.s32 $0x2710;
	s7 =	sadd.s32 s7, s5  }
0xe: {  	s6 =	sshrl.u32 s6, $0x3;
	s5 =	sadd.s32 $0x1EE00, s5;
	s4 =	sadd.s32 $0xB200, s7  }
0xf: {  	s6 =	sadd.s32 s5, s6;
	s30 =	sadd.s32 s10, s5;
	s10 =	simm.s32 $0x4710  }
0x10: {  	s5 =	sadd.s32 $0x9C00, s6;
	s6 =	smax.u32 s8, $0x1;
	s7 =	sadd.s32 s29, s30  }
0x11: {  	s8 =	simm.s32 $0x80;
	[dreg:$0x2] =	wrdreg s7;
	s7 =	simm.s32 $0x2  }
.LBB2_1:
0x12: {  	[tilespmem:s2], [sflag:$0x2] =	stream.linear.gather [hbm4b:s4+s2], $0x2710, $0x38;
	[tilespmem:$0xF710] =	vst v63  }
0x13: {  	_ =	swait.ge [sflag:s7], $0x2710  }
0x14: {  	[sflag:s7] =	ssyncset.done $0x0  }
0x15: {  	s25 =	simm.s32 $0x0;
	[sflag:s7] =	ssyncadd.s32 $0xFFFFD8F0  }
0x16: {  	[tilespmem:s9], [sflag:$0x1] =	stream.indirect.gather [hbm4b:s3+s8], $0x20, s25, s8, $0xb8;
	[tilespmem:$0xF710] =	vst v63  }
0x17: {  	s29 =	simm.s32 $0x80;
	s26 =	rddreg [dreg:$0x3]  }
0x18: {  	[tilespmem:s26], [sflag:$0x1] =	stream.indirect.gather [hbm4b:s3+s8], $0x20, s29, s8, $0xb8;
	[tilespmem:$0xF710] =	vst v63  }
0x19: {  	s30 =	simm.s32 $0x100  }
0x1a: {  	[tilespmem:s10], [sflag:$0x1] =	stream.indirect.gather [hbm4b:s3+s8], $0x20, s30, s8, $0xb8;
	[tilespmem:$0xF710] =	vst v63  }
0x1b: {  	s31 =	simm.s32 $0x180  }
0x1c: {  	[tilespmem:s11], [sflag:$0x1] =	stream.indirect.gather [hbm4b:s3+s8], $0x20, s31, s8, $0xb8;
	[tilespmem:$0xF710] =	vst v63  }
0x1d: {  	s26 =	simm.s32 $0x200  }
0x1e: {  	[tilespmem:s12], [sflag:$0x1] =	stream.indirect.gather [hbm4b:s3+s8], $0x20, s26, s8, $0xb8;
	[tilespmem:$0xF710] =	vst v63  }
0x1f: {  	s28 =	simm.s32 $0x280  }
0x20: {  	[tilespmem:s13], [sflag:$0x1] =	stream.indirect.gather [hbm4b:s3+s8], $0x20, s28, s8, $0xb8;
	[tilespmem:$0xF710] =	vst v63  }
0x21: {  	s29 =	simm.s32 $0x300  }
0x22: {  	[tilespmem:s14], [sflag:$0x1] =	stream.indirect.gather [hbm4b:s3+s8], $0x20, s29, s8, $0xb8;
	[tilespmem:$0xF710] =	vst v63  }
0x23: {  	s30 =	simm.s32 $0x380  }
0x24: {  	[tilespmem:s15], [sflag:$0x1] =	stream.indirect.gather [hbm4b:s3+s8], $0x20, s30, s8, $0xb8;
	[tilespmem:$0xF710] =	vst v63  }
0x25: {  	s31 =	simm.s32 $0x400  }
0x26: {  	[tilespmem:s16], [sflag:$0x1] =	stream.indirect.gather [hbm4b:s3+s8], $0x20, s31, s8, $0xb8;
	[tilespmem:$0xF710] =	vst v63  }
0x27: {  	s26 =	simm.s32 $0x480  }
0x28: {  	[tilespmem:s17], [sflag:$0x1] =	stream.indirect.gather [hbm4b:s3+s8], $0x20, s26, s8, $0xb8;
	[tilespmem:$0xF710] =	vst v63  }
0x29: {  	s28 =	simm.s32 $0x500  }
0x2a: {  	[tilespmem:s18], [sflag:$0x1] =	stream.indirect.gather [hbm4b:s3+s8], $0x20, s28, s8, $0xb8;
	[tilespmem:$0xF710] =	vst v63  }
0x2b: {  	s29 =	simm.s32 $0x580  }
0x2c: {  	[tilespmem:s19], [sflag:$0x1] =	stream.indirect.gather [hbm4b:s3+s8], $0x20, s29, s8, $0xb8;
	[tilespmem:$0xF710] =	vst v63  }
0x2d: {  	s30 =	simm.s32 $0x600  }
0x2e: {  	[tilespmem:s20], [sflag:$0x1] =	stream.indirect.gather [hbm4b:s3+s8], $0x20, s30, s8, $0xb8;
	[tilespmem:$0xF710] =	vst v63  }
0x2f: {  	_ =	swait.ge [sflag:s21], $0x1000  }
0x30: {  	[sflag:s21] =	ssyncset.done $0x0  }
0x31: {  	[sflag:s21] =	ssyncadd.s32 $0xFFFFF000  }
0x32: {  	_ =	swait.ge [sflag:s21], $0x1000  }
0x33: {  	[sflag:s21] =	ssyncset.done $0x0  }
0x34: {  	[sflag:s21] =	ssyncadd.s32 $0xFFFFF000  }
0x35: {  	_ =	swait.ge [sflag:s21], $0x1000  }
0x36: {  	[sflag:s21] =	ssyncset.done $0x0  }
0x37: {  	[sflag:s21] =	ssyncadd.s32 $0xFFFFF000  }
0x38: {  	_ =	swait.ge [sflag:s21], $0x1000  }
0x39: {  	[sflag:s21] =	ssyncset.done $0x0  }
0x3a: {  	[sflag:s21] =	ssyncadd.s32 $0xFFFFF000  }
0x3b: {  	_ =	swait.ge [sflag:s21], $0x1000  }
0x3c: {  	[sflag:s21] =	ssyncset.done $0x0  }
0x3d: {  	[sflag:s21] =	ssyncadd.s32 $0xFFFFF000  }
0x3e: {  	_ =	swait.ge [sflag:s21], $0x1000  }
0x3f: {  	[sflag:s21] =	ssyncset.done $0x0  }
0x40: {  	[sflag:s21] =	ssyncadd.s32 $0xFFFFF000  }
0x41: {  	_ =	swait.ge [sflag:s21], $0x1000  }
0x42: {  	[sflag:s21] =	ssyncset.done $0x0  }
0x43: {  	[sflag:s21] =	ssyncadd.s32 $0xFFFFF000  }
0x44: {  	_ =	swait.ge [sflag:s21], $0x1000  }
0x45: {  	[sflag:s21] =	ssyncset.done $0x0  }
0x46: {  	[sflag:s21] =	ssyncadd.s32 $0xFFFFF000  }
0x47: {  	_ =	swait.ge [sflag:s21], $0x1000  }
0x48: {  	[sflag:s21] =	ssyncset.done $0x0  }
0x49: {  	[sflag:s21] =	ssyncadd.s32 $0xFFFFF000  }
0x4a: {  	_ =	swait.ge [sflag:s21], $0x1000  }
0x4b: {  	[sflag:s21] =	ssyncset.done $0x0  }
0x4c: {  	[sflag:s21] =	ssyncadd.s32 $0xFFFFF000  }
0x4d: {  	_ =	swait.ge [sflag:s21], $0x1000  }
0x4e: {  	[sflag:s21] =	ssyncset.done $0x0  }
0x4f: {  	[sflag:s21] =	ssyncadd.s32 $0xFFFFF000  }
0x50: {  	_ =	swait.ge [sflag:s21], $0x1000  }
0x51: {  	[sflag:s21] =	ssyncset.done $0x0  }
0x52: {  	[sflag:s21] =	ssyncadd.s32 $0xFFFFF000  }
0x53: {  	_ =	swait.ge [sflag:s21], $0x1000  }
0x54: {  	s31 =	rddreg [dreg:$0x2];
	[sflag:s21] =	ssyncset.done $0x0  }
0x55: {  	[sflag:s21] =	ssyncadd.s32 $0xFFFFF000;
	s25 =	sadd.s32 $0x0, s31  }
0x56: {  	[hbm4b:s25+s2] =	stream.linear.scatter [tilespmem:s9], [sflag:$0x2], $0xD000, $0x38;
	[tilespmem:$0xF710] =	vst v63  }
0x57: {  	_ =	swait.ge [sflag:s7], $0xD000  }
0x58: {  	s26 =	simm.s32 $0x3400;
	s25 =	simm.s32 $0x1A00;
	[sflag:s7] =	ssyncset.done $0x0  }
.LBB2_2:
0x59: {  	s29 =	sshra.s32 s25, $0x2;
	[sflag:s7] =	ssyncadd.s32 $0xFFFF3000  }
0x5a: {  	[tilespmem:s9], [sflag:$0x1] =	stream.indirect.gather [hbm4b:s3+s8], $0x20, s29, s8, $0xb8;
	[tilespmem:$0xF710] =	vst v63  }
0x5b: {  	s30 =	rddreg [dreg:$0x3];
	s31 =	sadd.s32 $0x80, s29  }
0x5c: {  	[tilespmem:s30], [sflag:$0x1] =	stream.indirect.gather [hbm4b:s3+s8], $0x20, s31, s8, $0xb8;
	[tilespmem:$0xF710] =	vst v63  }
0x5d: {  	s31 =	sadd.s32 $0x100, s29  }
0x5e: {  	[tilespmem:s10], [sflag:$0x1] =	stream.indirect.gather [hbm4b:s3+s8], $0x20, s31, s8, $0xb8;
	[tilespmem:$0xF710] =	vst v63  }
0x5f: {  	s31 =	sadd.s32 $0x180, s29  }
0x60: {  	[tilespmem:s11], [sflag:$0x1] =	stream.indirect.gather [hbm4b:s3+s8], $0x20, s31, s8, $0xb8;
	[tilespmem:$0xF710] =	vst v63  }
0x61: {  	s31 =	sadd.s32 $0x200, s29  }
0x62: {  	[tilespmem:s12], [sflag:$0x1] =	stream.indirect.gather [hbm4b:s3+s8], $0x20, s31, s8, $0xb8;
	[tilespmem:$0xF710] =	vst v63  }
0x63: {  	s31 =	sadd.s32 $0x280, s29  }
0x64: {  	[tilespmem:s13], [sflag:$0x1] =	stream.indirect.gather [hbm4b:s3+s8], $0x20, s31, s8, $0xb8;
	[tilespmem:$0xF710] =	vst v63  }
0x65: {  	s31 =	sadd.s32 $0x300, s29  }
0x66: {  	[tilespmem:s14], [sflag:$0x1] =	stream.indirect.gather [hbm4b:s3+s8], $0x20, s31, s8, $0xb8;
	[tilespmem:$0xF710] =	vst v63  }
0x67: {  	s31 =	sadd.s32 $0x380, s29  }
0x68: {  	[tilespmem:s15], [sflag:$0x1] =	stream.indirect.gather [hbm4b:s3+s8], $0x20, s31, s8, $0xb8;
	[tilespmem:$0xF710] =	vst v63  }
0x69: {  	s31 =	sadd.s32 $0x400, s29  }
0x6a: {  	[tilespmem:s16], [sflag:$0x1] =	stream.indirect.gather [hbm4b:s3+s8], $0x20, s31, s8, $0xb8;
	[tilespmem:$0xF710] =	vst v63  }
0x6b: {  	s31 =	sadd.s32 $0x480, s29  }
0x6c: {  	[tilespmem:s17], [sflag:$0x1] =	stream.indirect.gather [hbm4b:s3+s8], $0x20, s31, s8, $0xb8;
	[tilespmem:$0xF710] =	vst v63  }
0x6d: {  	s31 =	sadd.s32 $0x500, s29  }
0x6e: {  	[tilespmem:s18], [sflag:$0x1] =	stream.indirect.gather [hbm4b:s3+s8], $0x20, s31, s8, $0xb8;
	[tilespmem:$0xF710] =	vst v63  }
0x6f: {  	s31 =	sadd.s32 $0x580, s29  }
0x70: {  	[tilespmem:s19], [sflag:$0x1] =	stream.indirect.gather [hbm4b:s3+s8], $0x20, s31, s8, $0xb8;
	[tilespmem:$0xF710] =	vst v63  }
0x71: {  	s29 =	sadd.s32 $0x600, s29  }
0x72: {  	[tilespmem:s20], [sflag:$0x1] =	stream.indirect.gather [hbm4b:s3+s8], $0x20, s29, s8, $0xb8;
	[tilespmem:$0xF710] =	vst v63  }
0x73: {  	_ =	swait.ge [sflag:s21], $0x1000  }
0x74: {  	[sflag:s21] =	ssyncset.done $0x0  }
0x75: {  	[sflag:s21] =	ssyncadd.s32 $0xFFFFF000  }
0x76: {  	_ =	swait.ge [sflag:s21], $0x1000  }
0x77: {  	[sflag:s21] =	ssyncset.done $0x0  }
0x78: {  	[sflag:s21] =	ssyncadd.s32 $0xFFFFF000  }
0x79: {  	_ =	swait.ge [sflag:s21], $0x1000  }
0x7a: {  	[sflag:s21] =	ssyncset.done $0x0  }
0x7b: {  	[sflag:s21] =	ssyncadd.s32 $0xFFFFF000  }
0x7c: {  	_ =	swait.ge [sflag:s21], $0x1000  }
0x7d: {  	[sflag:s21] =	ssyncset.done $0x0  }
0x7e: {  	[sflag:s21] =	ssyncadd.s32 $0xFFFFF000  }
0x7f: {  	_ =	swait.ge [sflag:s21], $0x1000  }
0x80: {  	[sflag:s21] =	ssyncset.done $0x0  }
0x81: {  	[sflag:s21] =	ssyncadd.s32 $0xFFFFF000  }
0x82: {  	_ =	swait.ge [sflag:s21], $0x1000  }
0x83: {  	[sflag:s21] =	ssyncset.done $0x0  }
0x84: {  	[sflag:s21] =	ssyncadd.s32 $0xFFFFF000  }
0x85: {  	_ =	swait.ge [sflag:s21], $0x1000  }
0x86: {  	[sflag:s21] =	ssyncset.done $0x0  }
0x87: {  	[sflag:s21] =	ssyncadd.s32 $0xFFFFF000  }
0x88: {  	_ =	swait.ge [sflag:s21], $0x1000  }
0x89: {  	[sflag:s21] =	ssyncset.done $0x0  }
0x8a: {  	[sflag:s21] =	ssyncadd.s32 $0xFFFFF000  }
0x8b: {  	_ =	swait.ge [sflag:s21], $0x1000  }
0x8c: {  	[sflag:s21] =	ssyncset.done $0x0  }
0x8d: {  	[sflag:s21] =	ssyncadd.s32 $0xFFFFF000  }
0x8e: {  	_ =	swait.ge [sflag:s21], $0x1000  }
0x8f: {  	[sflag:s21] =	ssyncset.done $0x0  }
0x90: {  	[sflag:s21] =	ssyncadd.s32 $0xFFFFF000  }
0x91: {  	_ =	swait.ge [sflag:s21], $0x1000  }
0x92: {  	[sflag:s21] =	ssyncset.done $0x0  }
0x93: {  	[sflag:s21] =	ssyncadd.s32 $0xFFFFF000  }
0x94: {  	_ =	swait.ge [sflag:s21], $0x1000  }
0x95: {  	[sflag:s21] =	ssyncset.done $0x0  }
0x96: {  	[sflag:s21] =	ssyncadd.s32 $0xFFFFF000  }
0x97: {  	p0 =	sne.s32 s26, $0x8200;
	_ =	swait.ge [sflag:s21], $0x1000  }
.Ltmp0:
0x98: {  	s31 =	rddreg [dreg:$0x2];
	[sflag:s21] =	ssyncset.done $0x0;
	(pc) =	sbr.rel @p0 .LBB2_2-.Ltmp0, $4  }
0x99: {  	[sflag:s21] =	ssyncadd.s32 $0xFFFFF000;
	s29 =	sadd.s32 s25, s31  }
0x9a: {  	[hbm4b:s29+s2] =	stream.linear.scatter [tilespmem:s9], [sflag:$0x2], $0xD000, $0x38;
	[tilespmem:$0xF710] =	vst v63  }
0x9b: {  	s28 =	smov.u32 s26;
	_ =	swait.ge [sflag:s7], $0xD000  }
0x9c: {  	s26 =	sadd.s32 $0x1A00, s26;
	s25 =	smov.u32 s28;
	[sflag:s7] =	ssyncset.done $0x0  }
0x9d: {  	s26 =	sshra.s32 s25, $0x2;
	[sflag:s7] =	ssyncadd.s32 $0xFFFF3000  }
0x9e: {  	[tilespmem:s9], [sflag:$0x1] =	stream.indirect.gather [hbm4b:s3+s8], $0x20, s26, s8, $0xb8;
	[tilespmem:$0xF710] =	vst v63  }
0x9f: {  	s28 =	rddreg [dreg:$0x3];
	s29 =	sadd.s32 $0x80, s26  }
0xa0: {  	[tilespmem:s28], [sflag:$0x1] =	stream.indirect.gather [hbm4b:s3+s8], $0x20, s29, s8, $0xb8;
	[tilespmem:$0xF710] =	vst v63  }
0xa1: {  	s29 =	sadd.s32 $0x100, s26  }
0xa2: {  	[tilespmem:s10], [sflag:$0x1] =	stream.indirect.gather [hbm4b:s3+s8], $0x20, s29, s8, $0xb8;
	[tilespmem:$0xF710] =	vst v63  }
0xa3: {  	s30 =	sadd.s32 $0x180, s26  }
0xa4: {  	[tilespmem:s11], [sflag:$0x1] =	stream.indirect.gather [hbm4b:s3+s8], $0x20, s30, s8, $0xb8;
	[tilespmem:$0xF710] =	vst v63  }
0xa5: {  	s31 =	sadd.s32 $0x200, s26  }
0xa6: {  	[tilespmem:s12], [sflag:$0x1] =	stream.indirect.gather [hbm4b:s3+s8], $0x20, s31, s8, $0xb8;
	[tilespmem:$0xF710] =	vst v63  }
0xa7: {  	s29 =	sadd.s32 $0x280, s26  }
0xa8: {  	[tilespmem:s13], [sflag:$0x1] =	stream.indirect.gather [hbm4b:s3+s8], $0x20, s29, s8, $0xb8;
	[tilespmem:$0xF710] =	vst v63  }
0xa9: {  	s30 =	sadd.s32 $0x300, s26  }
0xaa: {  	[tilespmem:s14], [sflag:$0x1] =	stream.indirect.gather [hbm4b:s3+s8], $0x20, s30, s8, $0xb8;
	[tilespmem:$0xF710] =	vst v63  }
0xab: {  	s31 =	sadd.s32 $0x380, s26  }
0xac: {  	[tilespmem:s15], [sflag:$0x1] =	stream.indirect.gather [hbm4b:s3+s8], $0x20, s31, s8, $0xb8;
	[tilespmem:$0xF710] =	vst v63  }
0xad: {  	s29 =	sadd.s32 $0x400, s26  }
0xae: {  	[tilespmem:s16], [sflag:$0x1] =	stream.indirect.gather [hbm4b:s3+s8], $0x20, s29, s8, $0xb8;
	[tilespmem:$0xF710] =	vst v63  }
0xaf: {  	s30 =	sadd.s32 $0x480, s26  }
0xb0: {  	[tilespmem:s17], [sflag:$0x1] =	stream.indirect.gather [hbm4b:s3+s8], $0x20, s30, s8, $0xb8;
	[tilespmem:$0xF710] =	vst v63  }
0xb1: {  	s31 =	sadd.s32 $0x500, s26  }
0xb2: {  	[tilespmem:s18], [sflag:$0x1] =	stream.indirect.gather [hbm4b:s3+s8], $0x20, s31, s8, $0xb8;
	[tilespmem:$0xF710] =	vst v63  }
0xb3: {  	s29 =	sadd.s32 $0x580, s26  }
0xb4: {  	[tilespmem:s19], [sflag:$0x1] =	stream.indirect.gather [hbm4b:s3+s8], $0x20, s29, s8, $0xb8;
	[tilespmem:$0xF710] =	vst v63  }
0xb5: {  	s26 =	sadd.s32 $0x600, s26  }
0xb6: {  	[tilespmem:s20], [sflag:$0x1] =	stream.indirect.gather [hbm4b:s3+s8], $0x20, s26, s8, $0xb8;
	[tilespmem:$0xF710] =	vst v63  }
0xb7: {  	_ =	swait.ge [sflag:s21], $0x1000  }
0xb8: {  	[sflag:s21] =	ssyncset.done $0x0  }
0xb9: {  	[sflag:s21] =	ssyncadd.s32 $0xFFFFF000  }
0xba: {  	_ =	swait.ge [sflag:s21], $0x1000  }
0xbb: {  	[sflag:s21] =	ssyncset.done $0x0  }
0xbc: {  	[sflag:s21] =	ssyncadd.s32 $0xFFFFF000  }
0xbd: {  	_ =	swait.ge [sflag:s21], $0x1000  }
0xbe: {  	[sflag:s21] =	ssyncset.done $0x0  }
0xbf: {  	[sflag:s21] =	ssyncadd.s32 $0xFFFFF000  }
0xc0: {  	_ =	swait.ge [sflag:s21], $0x1000  }
0xc1: {  	[sflag:s21] =	ssyncset.done $0x0  }
0xc2: {  	[sflag:s21] =	ssyncadd.s32 $0xFFFFF000  }
0xc3: {  	_ =	swait.ge [sflag:s21], $0x1000  }
0xc4: {  	[sflag:s21] =	ssyncset.done $0x0  }
0xc5: {  	[sflag:s21] =	ssyncadd.s32 $0xFFFFF000  }
0xc6: {  	_ =	swait.ge [sflag:s21], $0x1000  }
0xc7: {  	[sflag:s21] =	ssyncset.done $0x0  }
0xc8: {  	[sflag:s21] =	ssyncadd.s32 $0xFFFFF000  }
0xc9: {  	_ =	swait.ge [sflag:s21], $0x1000  }
0xca: {  	[sflag:s21] =	ssyncset.done $0x0  }
0xcb: {  	[sflag:s21] =	ssyncadd.s32 $0xFFFFF000  }
0xcc: {  	_ =	swait.ge [sflag:s21], $0x1000  }
0xcd: {  	[sflag:s21] =	ssyncset.done $0x0  }
0xce: {  	[sflag:s21] =	ssyncadd.s32 $0xFFFFF000  }
0xcf: {  	_ =	swait.ge [sflag:s21], $0x1000  }
0xd0: {  	[sflag:s21] =	ssyncset.done $0x0  }
0xd1: {  	[sflag:s21] =	ssyncadd.s32 $0xFFFFF000  }
0xd2: {  	_ =	swait.ge [sflag:s21], $0x1000  }
0xd3: {  	[sflag:s21] =	ssyncset.done $0x0  }
0xd4: {  	[sflag:s21] =	ssyncadd.s32 $0xFFFFF000  }
0xd5: {  	_ =	swait.ge [sflag:s21], $0x1000  }
0xd6: {  	[sflag:s21] =	ssyncset.done $0x0  }
0xd7: {  	[sflag:s21] =	ssyncadd.s32 $0xFFFFF000  }
0xd8: {  	_ =	swait.ge [sflag:s21], $0x1000  }
0xd9: {  	[sflag:s21] =	ssyncset.done $0x0  }
0xda: {  	[sflag:s21] =	ssyncadd.s32 $0xFFFFF000  }
0xdb: {  	_ =	swait.ge [sflag:s21], $0x1000  }
0xdc: {  	s30 =	rddreg [dreg:$0x2];
	[sflag:s21] =	ssyncset.done $0x0  }
0xdd: {  	[sflag:s21] =	ssyncadd.s32 $0xFFFFF000;
	s31 =	sadd.s32 s25, s30  }
0xde: {  	[hbm4b:s31+s2] =	stream.linear.scatter [tilespmem:s9], [sflag:$0x2], $0xD000, $0x38;
	[tilespmem:$0xF710] =	vst v63  }
0xdf: {  	_ =	swait.ge [sflag:s7], $0xD000  }
0xe0: {  	[sflag:s7] =	ssyncset.done $0x0  }
0xe1: {  	[sflag:s7] =	ssyncadd.s32 $0xFFFF3000  }
0xe2: {  	[tilespmem:s9], [sflag:$0x1] =	stream.indirect.gather [hbm4b:s3+s22], $0x20, s23, s22, $0xb8;
	[tilespmem:$0xF710] =	vst v63  }
0xe3: {  	s24 =	sadd.s32 $0x1, s24;
	_ =	swait.ge [sflag:s21], $0x200  }
0xe4: {  	p0 =	sne.s32 s24, s6;
	[sflag:s21] =	ssyncset.done $0x0  }
.Ltmp1:
0xe5: {  	[sflag:s21] =	ssyncadd.s32 $0xFFFFFE00;
	(pc) =	sbr.rel @p0 .LBB2_1-.Ltmp1, $4  }
0xe6: {  	[hbm4b:s5+s2] =	stream.linear.scatter [tilespmem:s9], [sflag:$0x2], $0x200, $0x38;
	[tilespmem:$0xF710] =	vst v63  }
0xe7: {  	_ =	swait.ge [sflag:s7], $0x200  }
0xe8: {  	[sflag:s7] =	ssyncset.done $0x0  }
0xe9: {  	[sflag:s7] =	ssyncadd.s32 $0xFFFFFE00  }
0xea: {  	_ =	sfence.sel $0x180000  }
0xeb: {  	[bflag:$0x0] =	sbarrier.arrive $0xFFFF  }
0xec: {  	p0 =	sne.s32 s0, $0x0;
	_ =	strace $0x9000004A  }
0xed: {  	s0 =	sadd.s32 @!p0 $0x100000, s1;
	[bflag:$0x2] =	sbarrier.arrive $0xFFFF  }
0xee: {  	[sflag:s0] =	ssyncadd.tile.s32 @!p0 $0x1;
	_ =	shalt  }
.Lfunc_end2:
_tile_overlayer_lowered:
.L_overlay_start_2:
0xef: {  	(tag) =	ssettag $0x2  }
0xf0: {  	s0 =	rddreg [dreg:$0x0];
	s2 =	stileid.u32  }
0xf1: {  	s1 =	rddreg [dreg:$0x1];
	p0 =	sne.s32 s2, $0x0  }
0xf2: {  	s3 =	rddreg [dreg:$0x2];
	[bflag:$0x3] =	sbarrier.arrive $0xFFFF;
	s2 =	simm.s32 @!p0 $0x1C02  }
0xf3: {  	[timem:s3], [sflag:s2] =	dma.local @!p0 [hbm:s0], s1  }
0xf4: {  	s0 =	simm.s32 @!p0 $0x2  }
0xf5: {  	_ =	swait.ge @!p0 [sflag:s0], s1  }
0xf6: {  	s1 =	ssub.s32 @!p0 $0x0, s1;
	[sflag:s0] =	ssyncset.done @!p0 $0x0  }
0xf7: {  	[sflag:s0] =	ssyncadd.s32 @!p0 s1  }
0xf8: {  	[bflag:$0x3] =	sbarrier.arrive $0xFFFF  }
0xf9: {  	_ =	shalt  }

// kernel: kernel.7.cloned.1.call-start
scs
__scs_entry_jumppad:
0x0: {  	(pc) =	sbr.rel $0x88, $3  }
0x1: {  	(tag) =	ssettag $0x0;
	lr =	simm.s32 $0x1  }
0x2: {  	[smem:$0x3F7F] =	sst lr;
	_ =	strace $0xD0000000  }
0x3: {  	_ = 	snop  }
0x4: {  	_ = 	snop  }
0x5: {  	_ = 	snop  }
0x6: {  	_ = 	snop  }
0x7: {  	_ = 	snop  }
__scs_overlays_trampoline_lowered:
0x8: {  	[smem:$0x3F8E] =	sst s0  }
0x9: {  	[smem:$0x3F8F] =	sst s1  }
0xa: {  	[smem:$0x3F90] =	sst s2  }
0xb: {  	[smem:$0x3F91] =	sst s3  }
0xc: {  	[smem:$0x3F92] =	sst s4  }
0xd: {  	[smem:$0x3F93] =	sst s5  }
0xe: {  	[smem:$0x3F94] =	sst s6  }
0xf: {  	[smem:$0x3F95] =	sst s7  }
0x10: {  	[smem:$0x3F96] =	sst s8  }
0x11: {  	[smem:$0x3F97] =	sst s9;
	s0 =	simm.s32 @!p0 $0x0  }
0x12: {  	s1 =	sld [smem:$0x3F7D];
	s0 =	simm.s32 @p0 $0x1  }
0x13: {  	[smem:$0x3F98] =	sst s0;
	s0 =	simm.s32 @!p1 $0x0  }
0x14: {  	s2 =	sld [smem:$0x3F7C];
	s0 =	simm.s32 @p1 $0x1  }
0x15: {  	[smem:$0x3F99] =	sst s0;
	s0 =	simm.s32 @!p2 $0x0  }
0x16: {  	s3 =	sld [smem:$0x3FDB];
	s0 =	simm.s32 @p2 $0x1  }
0x17: {  	s4 =	simm.s32 $0x1BF5;
	[smem:$0x3F9B] =	sst s0  }
0x18: {  	s0 =	sld [smem:$0x3F7E];
	_ =	swait.ge [sflag:s4], $0x0  }
0x19: {  	s7 =	sld [smem:$0x3F7F]  }
0x1a: {  	s8 =	sadd.s32 $0xFFFFE003, lr  }
0x1b: {  	s9 =	sadd.s32 $0xFFFFFEF7, lr;
	s5 =	simm.s32 $0xFFFFFFFF;
	p2 =	slt.u32 s8, $0xFFFFF086  }
0x1c: {  	p1 =	slt.u32 s9, $0xF7A;
	s5 =	simm.s32 @!p2 $0x0  }
0x1d: {  	s5 =	simm.s32 @p1 $0x1;
	p0 =	seq.s32 s7, s2  }
0x1e: {  	s7 =	smul.u32 @!p0 $0xF7A, s2;
	p2 =	seq.s32 @!p0 s5, $0x0  }
0x1f: {  	s9 =	smul.u32 $0xF7A, s1;
	s8 =	simm.s32 @!p0 $0x1BF5;
	p2 =	por !p2, p0  }
0x20: {  	[sflag:s8] =	ssyncset.s32 @!p0 $0xFFFFF086;
	s6 =	sadd.s32 @!p0 s3, s7;
	s7 =	simm.s32 @!p0 $0x108  }
0x21: {  	s3 =	sadd.s32 s3, s9;
	s6 =	sadd.s32 @!p0 $0x88, s6;
	s7 =	simm.s32 @p2 $0x1082  }
0x22: {  	[simem:s7], [sflag:s8] =	dma.local @!p0 [hbm:s6], $0xF7A  }
0x23: {  	s9 =	sor.u32 $0xD0000000, s2;
	s6 =	simm.s32 $0x108;
	_ =	swait.ge @!p0 [sflag:s8], $0x0  }
0x24: {  	s3 =	sadd.s32 $0x88, s3;
	s6 =	simm.s32 @!p1 $0x1082;
	[sflag:s4] =	ssyncset.s32 $0xFFFFF086  }
0x25: {  	[simem:s6], [sflag:s4] =	dma.local [hbm:s3], $0xF7A  }
0x26: {  	[smem:$0x3F7F] =	sst s1;
	(tag) =	ssettag s2;
	_ =	strace s9  }
0x27: {  	s1 =	sld [smem:$0x3F8F]  }
0x28: {  	s2 =	sld [smem:$0x3F90]  }
0x29: {  	s4 =	sld [smem:$0x3F92]  }
0x2a: {  	p0 =	seq.s32 s5, $0x0;
	s5 =	sld [smem:$0x3F93]  }
0x2b: {  	s6 =	sld [smem:$0x3F94]  }
0x2c: {  	s7 =	sld [smem:$0x3F95]  }
0x2d: {  	s3 =	simm.s32 $0x108;
	s8 =	sld [smem:$0x3F96]  }
0x2e: {  	s3 =	simm.s32 @!p0 $0x1082;
	s9 =	sld [smem:$0x3F97]  }
0x2f: {  	lr =	sadd.s32 s0, s3;
	s0 =	sld [smem:$0x3F8E]  }
0x30: {  	s3 =	sld [smem:$0x3F91]  }
0x31: {  	[smem:$0x3F9A] =	sst s10  }
0x32: {  	s10 =	sld [smem:$0x3F98];
	_ =	sdelay $0x3  }
0x33: {  	p0 =	seq.s32 s10, $0x1;
	s10 =	sld [smem:$0x3F9A];
	_ =	sdelay $0x3  }
0x34: {  	[smem:$0x3F9A] =	sst s10  }
0x35: {  	s10 =	sld [smem:$0x3F99];
	_ =	sdelay $0x3  }
0x36: {  	p1 =	seq.s32 s10, $0x1;
	s10 =	sld [smem:$0x3F9A];
	_ =	sdelay $0x3  }
0x37: {  	[smem:$0x3F9A] =	sst s10  }
0x38: {  	s10 =	sld [smem:$0x3F9B]  }
0x39: {  	_ = 	snop;
	(pc) =	sbr.ind lr, $3  }
0x3a: {  	_ = 	snop  }
0x3b: {  	_ = 	snop  }
0x3c: {  	p2 =	seq.s32 s10, $0x1;
	s10 =	sld [smem:$0x3F9A]  }
0x3d: {  	_ =	shalt  }
0x3e: {  	_ =	shalt  }
0x3f: {  	_ =	shalt  }
0x40: {  	_ =	shalt  }
0x41: {  	_ =	shalt  }
0x42: {  	_ =	shalt  }
0x43: {  	_ =	shalt  }
0x44: {  	_ =	shalt  }
0x45: {  	_ =	shalt  }
0x46: {  	_ =	shalt  }
0x47: {  	_ =	shalt  }
0x48: {  	_ =	shalt  }
0x49: {  	_ =	shalt  }
0x4a: {  	_ =	shalt  }
0x4b: {  	_ =	shalt  }
0x4c: {  	_ =	shalt  }
0x4d: {  	_ =	shalt  }
0x4e: {  	_ =	shalt  }
0x4f: {  	_ =	shalt  }
0x50: {  	_ =	shalt  }
0x51: {  	_ =	shalt  }
0x52: {  	_ =	shalt  }
0x53: {  	_ =	shalt  }
0x54: {  	_ =	shalt  }
0x55: {  	_ =	shalt  }
0x56: {  	_ =	shalt  }
0x57: {  	_ =	shalt  }
0x58: {  	_ =	shalt  }
0x59: {  	_ =	shalt  }
0x5a: {  	_ =	shalt  }
0x5b: {  	_ =	shalt  }
0x5c: {  	_ =	shalt  }
0x5d: {  	_ =	shalt  }
0x5e: {  	_ =	shalt  }
0x5f: {  	_ =	shalt  }
0x60: {  	_ =	shalt  }
0x61: {  	_ =	shalt  }
0x62: {  	_ =	shalt  }
0x63: {  	_ =	shalt  }
0x64: {  	_ =	shalt  }
0x65: {  	_ =	shalt  }
0x66: {  	_ =	shalt  }
0x67: {  	_ =	shalt  }
0x68: {  	_ =	shalt  }
0x69: {  	_ =	shalt  }
0x6a: {  	_ =	shalt  }
0x6b: {  	_ =	shalt  }
0x6c: {  	_ =	shalt  }
0x6d: {  	_ =	shalt  }
0x6e: {  	_ =	shalt  }
0x6f: {  	_ =	shalt  }
0x70: {  	_ =	shalt  }
0x71: {  	_ =	shalt  }
0x72: {  	_ =	shalt  }
0x73: {  	_ =	shalt  }
0x74: {  	_ =	shalt  }
0x75: {  	_ =	shalt  }
0x76: {  	_ =	shalt  }
0x77: {  	_ =	shalt  }
0x78: {  	_ =	shalt  }
0x79: {  	_ =	shalt  }
0x7a: {  	_ =	shalt  }
0x7b: {  	_ =	shalt  }
0x7c: {  	_ =	shalt  }
0x7d: {  	_ =	shalt  }
0x7e: {  	_ =	shalt  }
0x7f: {  	_ =	shalt  }
0x80: {  	_ =	shalt  }
0x81: {  	_ =	shalt  }
0x82: {  	_ =	shalt  }
0x83: {  	_ =	shalt  }
0x84: {  	_ =	shalt  }
0x85: {  	_ =	shalt  }
0x86: {  	_ =	shalt  }
0x87: {  	_ =	shalt  }
.Lfunc_end0:
.L_simem_size_0:
called_computation_lowered:
.L_overlay_start_0:
0x88: {  	s2 =	sld [smem:$0x3FD9]  }
0x89: {  	s3 =	sld [smem:$0x3FFE];
	_ =	sdelay $0x1  }
0x8a: {  	s1 =	srdreg.scid  }
0x8b: {  	s0 =	sand.u32 $0x1, s1  }
0x8c: {  	s16 =	sshll.u32 s0, $0xA;
	s2 =	sadd.s32 s3, s2  }
0x8d: {  	s2 =	sadd.s32 s2, s16  }
0x8e: {  	[smem:$0x3FA6] =	sst s2  }
0x8f: {  	_ = 	snop  }
0x90: {  	(tm) =	ssettm $0x1  }
0x91: {  	s17 =	sld [smem:$0x3FFB];
	_ =	sdelay $0x3  }
0x92: {  	_ =	strace s17  }
0x93: {  	s2 =	sld [smem:$0x3FFC];
	_ =	sdelay $0x3  }
0x94: {  	_ =	strace s2  }
0x95: {  	s2 =	sld [smem:$0x3FFD];
	_ =	sdelay $0x3  }
0x96: {  	_ =	strace s2  }
0x97: {  	_ =	strace $0x8FFFFFFF  }
0x98: {  	s18 =	sld [smem:$0x3FDB];
	_ =	sdelay $0x1  }
0x99: {  	s19 =	simm.s32 $_scs_section_size  }
0x9a: {  	s4 =	simm.s32 $_size__tile_overlayer_lowered;
	s5 =	simm.s32 $_tile_overlayer_lowered  }
0x9b: {  	s22 =	simm.s32 $0x1BFF;
	s21 =	sshll.u32 s5, $0x1;
	s2 =	sadd.s32 s19, s18  }
0x9c: {  	s6 =	simm.s32 $0x0;
	s20 =	sshll.u32 s4, $0x1;
	s4 =	sadd.s32 s21, s2  }
0x9d: {  	[timem:s6], [sflag:s22] =	dma.local [hbm:s4], s20  }
0x9e: {  	_ =	swait.ge [sflag:s22], s20  }
0x9f: {  	s3 =	ssub.s32 $0x0, s20;
	[sflag:s22] =	ssyncset.done $0x0  }
0xa0: {  	[sflag:s22] =	ssyncadd.s32 s3;
	_ =	sdelay $0x1  }
0xa1: {  	s23 =	simm.s32 $0x1B8B  }
0xa2: {  	_ =	swait.ge [sflag:s23], $0x1  }
0xa3: {  	[sflag:s23] =	ssyncset.done $0x0  }
0xa4: {  	s25 =	simm.s32 $0x1B8E;
	s24 =	sld [smem:$0x3FFE];
	[sflag:s23] =	ssyncadd.s32 $0xFFFFFFFF  }
0xa5: {  	s26 =	simm.s32 $execute0_lowered;
	[smem:$0x3FD2] =	sst s25  }
0xa6: {  	s4 =	sshll.u32 s26, $0x1;
	_ =	strace $0x80000046;
	[dreg:$0x1] =	wrdreg $0xFFFFFFFF  }
0xa7: {  	s28 =	simm.s32 $_size_execute0_lowered;
	s2 =	sadd.s32 s2, s4;
	[dreg:$0x0] =	wrdreg $0x0  }
0xa8: {  	s4 =	sshll.u32 s28, $0x1;
	[dreg:$0x2] =	wrdreg s2  }
0xa9: {  	[dreg:$0x3] =	wrdreg s4  }
0xaa: {  	[dreg:$0x4] =	wrdreg $0xC0  }
0xab: {  	_ =	task [dreg:s6], $0x5FFFF  }
0xac: {  	[dreg:$0x1] =	wrdreg $0xFFFFFFFF  }
0xad: {  	[dreg:$0x0] =	wrdreg $0x60  }
0xae: {  	[dreg:$0x2] =	wrdreg s24  }
0xaf: {  	[dreg:$0x3] =	wrdreg $0x9  }
0xb0: {  	_ =	task.clear_ibuf [dreg:s6], $0x4FFFF;
	_ =	strace $0x90000046  }
0xb1: {  	s29 =	simm.s32 $0x9;
	_ =	strace $0x80000048  }
0xb2: {  	_ =	swait.ge [sflag:s29], $0x1  }
0xb3: {  	[sflag:s29] =	ssyncadd.s32 $0xFFFFFFFF  }
0xb4: {  	_ =	strace $0x90000048  }
0xb5: {  	_ =	sfence  }
0xb6: {  	s30 =	sld [smem:$0x0];
	_ =	sdelay $0x2  }
0xb7: {  	s31 =	sshll.u32 s1, $0xD;
	s1 =	sshrl.u32 s1, $0x2  }
0xb8: {  	s3 =	sand.u32 $0x4000, s31;
	s1 =	sadd.s32 s1, s30  }
0xb9: {  	s0 =	sor.u32 s3, s0;
	s1 =	sshll.u32 s1, $0x11  }
0xba: {  	s0 =	sor.u32 s1, s0  }
0xbb: {  	s0 =	sadd.s32 $0x8F2B, s0  }
0xbc: {  	[sflag:s0] =	ssyncadd.remote.s32 $0x1  }
0xbd: {  	_ =	sfence.sel $0xFFFF  }
0xbe: {  	[dreg:$0x0] =	wrdreg $0xFFFFFFFF;
	(pc) =	sbr.abs _section_cstart, $3  }
0xbf: {  	[dreg:$0x1] =	wrdreg $0xFFFFFFFF  }
0xc0: {  	_ =	task.clear_ibuf [dreg:s6], $0x2FFFF;
	_ =	strace $0x9FFFFFFF  }
0xc1: {  	(tm) =	ssettm $0x7FFFFFFF  }
tec
execute0_lowered:
.L_overlay_start_1:
0x0: {  	(tag) =	ssettag $0x1  }
0x1: {  	s1 =	srdreg.scid  }
0x2: {  	s0 =	stileid.u32;
	s5 =	rddreg [dreg:$0x0]  }
0x3: {  	s2 =	simm.s32 $0x0;
	s11 =	simm.s32 $0x2F10;
	s31 =	simm.s32 $0x3710  }
0x4: {  	s12 =	simm.s32 $0x4710;
	s13 =	simm.s32 $0x4F10;
	s14 =	simm.s32 $0x5710  }
0x5: {  	s15 =	simm.s32 $0x5F10;
	s16 =	simm.s32 $0x6710;
	s17 =	simm.s32 $0x6F10  }
0x6: {  	s18 =	simm.s32 $0x7710;
	s19 =	simm.s32 $0x7F10;
	s20 =	simm.s32 $0x8710  }
0x7: {  	s21 =	simm.s32 $0x1;
	s22 =	simm.s32 $0x10;
	s23 =	simm.s32 $0x2700  }
0x8: {  	s24 =	simm.s32 $0x0;
	s4 =	sand.u32 $0x1, s1;
	s28 =	sshll.u32 s0, $0x1  }
0x9: {  	[smem:$0x7FF] =	sst s2;
	s3 =	sadd.s32 $0x6200, s5;
	s10 =	smul.u32 $0x9C40, s0  }
0xa: {  	s6 =	sor.u32 s4, s28;
	_ =	strace $0x80000047;
	s29 =	smul.u32 $0x4E20, s4  }
0xb: {  	s8 =	ssub.s32 $0x2, s4;
	[dreg:$0x2] =	wrdreg s11;
	s7 =	smul.u32 $0x2710, s6  }
0xc: {  	[dreg:$0x3] =	wrdreg s31;
	s6 =	smul.u32 $0x27100, s6;
	s9 =	sshrl.u32 s8, $0x1  }
0xd: {  	s11 =	simm.s32 $0x3F10;
	s8 =	ssub.s32 s8, s9;
	s7 =	sshrl.u32 s7, $0x3  }
0xe: {  	s6 =	sshrl.u32 s6, $0x3;
	s7 =	sadd.s32 s7, s5;
	s5 =	sadd.s32 $0x15000, s5  }
0xf: {  	s9 =	simm.s32 $0x80;
	s4 =	sadd.s32 $0xB200, s7;
	s6 =	sadd.s32 s5, s6  }
0x10: {  	s30 =	sadd.s32 s10, s5;
	s10 =	simm.s32 $0x2710;
	s5 =	sadd.s32 $0x4E00, s6  }
0x11: {  	s6 =	smax.u32 s8, $0x1;
	s7 =	sadd.s32 s29, s30;
	s8 =	simm.s32 $0x2  }
.LBB2_1:
0x12: {  	[tilespmem:s2], [sflag:$0x2] =	stream.linear.gather [hbm4b:s4+s2], $0x2710, $0x38;
	[tilespmem:$0x8F10] =	vst v63  }
0x13: {  	_ =	swait.ge [sflag:s8], $0x2710  }
0x14: {  	[sflag:s8] =	ssyncset.done $0x0  }
0x15: {  	s25 =	simm.s32 $0x0;
	[sflag:s8] =	ssyncadd.s32 $0xFFFFD8F0  }
0x16: {  	[tilespmem:s10], [sflag:$0x1] =	stream.indirect.gather [hbm4b:s3+s9], $0x10, s25, s9, $0xb8;
	[tilespmem:$0x8F10] =	vst v63  }
0x17: {  	s0 =	simm.s32 $0x80;
	s26 =	rddreg [dreg:$0x2]  }
0x18: {  	[tilespmem:s26], [sflag:$0x1] =	stream.indirect.gather [hbm4b:s3+s9], $0x10, s0, s9, $0xb8;
	[tilespmem:$0x8F10] =	vst v63  }
0x19: {  	s1 =	simm.s32 $0x100;
	s28 =	rddreg [dreg:$0x3]  }
0x1a: {  	[tilespmem:s28], [sflag:$0x1] =	stream.indirect.gather [hbm4b:s3+s9], $0x10, s1, s9, $0xb8;
	[tilespmem:$0x8F10] =	vst v63  }
0x1b: {  	s26 =	simm.s32 $0x180  }
0x1c: {  	[tilespmem:s11], [sflag:$0x1] =	stream.indirect.gather [hbm4b:s3+s9], $0x10, s26, s9, $0xb8;
	[tilespmem:$0x8F10] =	vst v63  }
0x1d: {  	s28 =	simm.s32 $0x200  }
0x1e: {  	[tilespmem:s12], [sflag:$0x1] =	stream.indirect.gather [hbm4b:s3+s9], $0x10, s28, s9, $0xb8;
	[tilespmem:$0x8F10] =	vst v63  }
0x1f: {  	s30 =	simm.s32 $0x280  }
0x20: {  	[tilespmem:s13], [sflag:$0x1] =	stream.indirect.gather [hbm4b:s3+s9], $0x10, s30, s9, $0xb8;
	[tilespmem:$0x8F10] =	vst v63  }
0x21: {  	s31 =	simm.s32 $0x300  }
0x22: {  	[tilespmem:s14], [sflag:$0x1] =	stream.indirect.gather [hbm4b:s3+s9], $0x10, s31, s9, $0xb8;
	[tilespmem:$0x8F10] =	vst v63  }
0x23: {  	s0 =	simm.s32 $0x380  }
0x24: {  	[tilespmem:s15], [sflag:$0x1] =	stream.indirect.gather [hbm4b:s3+s9], $0x10, s0, s9, $0xb8;
	[tilespmem:$0x8F10] =	vst v63  }
0x25: {  	s1 =	simm.s32 $0x400  }
0x26: {  	[tilespmem:s16], [sflag:$0x1] =	stream.indirect.gather [hbm4b:s3+s9], $0x10, s1, s9, $0xb8;
	[tilespmem:$0x8F10] =	vst v63  }
0x27: {  	s26 =	simm.s32 $0x480  }
0x28: {  	[tilespmem:s17], [sflag:$0x1] =	stream.indirect.gather [hbm4b:s3+s9], $0x10, s26, s9, $0xb8;
	[tilespmem:$0x8F10] =	vst v63  }
0x29: {  	s28 =	simm.s32 $0x500  }
0x2a: {  	[tilespmem:s18], [sflag:$0x1] =	stream.indirect.gather [hbm4b:s3+s9], $0x10, s28, s9, $0xb8;
	[tilespmem:$0x8F10] =	vst v63  }
0x2b: {  	s30 =	simm.s32 $0x580  }
0x2c: {  	[tilespmem:s19], [sflag:$0x1] =	stream.indirect.gather [hbm4b:s3+s9], $0x10, s30, s9, $0xb8;
	[tilespmem:$0x8F10] =	vst v63  }
0x2d: {  	s31 =	simm.s32 $0x600  }
0x2e: {  	[tilespmem:s20], [sflag:$0x1] =	stream.indirect.gather [hbm4b:s3+s9], $0x10, s31, s9, $0xb8;
	[tilespmem:$0x8F10] =	vst v63  }
0x2f: {  	_ =	swait.ge [sflag:s21], $0x800  }
0x30: {  	[sflag:s21] =	ssyncset.done $0x0  }
0x31: {  	[sflag:s21] =	ssyncadd.s32 $0xFFFFF800  }
0x32: {  	_ =	swait.ge [sflag:s21], $0x800  }
0x33: {  	[sflag:s21] =	ssyncset.done $0x0  }
0x34: {  	[sflag:s21] =	ssyncadd.s32 $0xFFFFF800  }
0x35: {  	_ =	swait.ge [sflag:s21], $0x800  }
0x36: {  	[sflag:s21] =	ssyncset.done $0x0  }
0x37: {  	[sflag:s21] =	ssyncadd.s32 $0xFFFFF800  }
0x38: {  	_ =	swait.ge [sflag:s21], $0x800  }
0x39: {  	[sflag:s21] =	ssyncset.done $0x0  }
0x3a: {  	[sflag:s21] =	ssyncadd.s32 $0xFFFFF800  }
0x3b: {  	_ =	swait.ge [sflag:s21], $0x800  }
0x3c: {  	[sflag:s21] =	ssyncset.done $0x0  }
0x3d: {  	[sflag:s21] =	ssyncadd.s32 $0xFFFFF800  }
0x3e: {  	_ =	swait.ge [sflag:s21], $0x800  }
0x3f: {  	[sflag:s21] =	ssyncset.done $0x0  }
0x40: {  	[sflag:s21] =	ssyncadd.s32 $0xFFFFF800  }
0x41: {  	_ =	swait.ge [sflag:s21], $0x800  }
0x42: {  	[sflag:s21] =	ssyncset.done $0x0  }
0x43: {  	[sflag:s21] =	ssyncadd.s32 $0xFFFFF800  }
0x44: {  	_ =	swait.ge [sflag:s21], $0x800  }
0x45: {  	[sflag:s21] =	ssyncset.done $0x0  }
0x46: {  	[sflag:s21] =	ssyncadd.s32 $0xFFFFF800  }
0x47: {  	_ =	swait.ge [sflag:s21], $0x800  }
0x48: {  	[sflag:s21] =	ssyncset.done $0x0  }
0x49: {  	[sflag:s21] =	ssyncadd.s32 $0xFFFFF800  }
0x4a: {  	_ =	swait.ge [sflag:s21], $0x800  }
0x4b: {  	[sflag:s21] =	ssyncset.done $0x0  }
0x4c: {  	[sflag:s21] =	ssyncadd.s32 $0xFFFFF800  }
0x4d: {  	_ =	swait.ge [sflag:s21], $0x800  }
0x4e: {  	[sflag:s21] =	ssyncset.done $0x0  }
0x4f: {  	[sflag:s21] =	ssyncadd.s32 $0xFFFFF800  }
0x50: {  	_ =	swait.ge [sflag:s21], $0x800  }
0x51: {  	[sflag:s21] =	ssyncset.done $0x0  }
0x52: {  	[sflag:s21] =	ssyncadd.s32 $0xFFFFF800  }
0x53: {  	_ =	swait.ge [sflag:s21], $0x800  }
0x54: {  	[sflag:s21] =	ssyncset.done $0x0  }
0x55: {  	[sflag:s21] =	ssyncadd.s32 $0xFFFFF800  }
0x56: {  	[hbm4b:s7+s2] =	stream.linear.scatter [tilespmem:s10], [sflag:$0x2], $0x6800, $0x38;
	[tilespmem:$0x8F10] =	vst v63  }
0x57: {  	s29 =	simm.s32 $0x3400;
	_ =	swait.ge [sflag:s8], $0x6800  }
0x58: {  	s25 =	sadd.s32 $0xD00, s7;
	s26 =	simm.s32 $0x1A00;
	[sflag:s8] =	ssyncset.done $0x0  }
.LBB2_2:
0x59: {  	s30 =	sshra.s32 s26, $0x2;
	[sflag:s8] =	ssyncadd.s32 $0xFFFF9800  }
0x5a: {  	[tilespmem:s10], [sflag:$0x1] =	stream.indirect.gather [hbm4b:s3+s9], $0x10, s30, s9, $0xb8;
	[tilespmem:$0x8F10] =	vst v63  }
0x5b: {  	s31 =	rddreg [dreg:$0x2];
	s1 =	sadd.s32 $0x80, s30  }
0x5c: {  	[tilespmem:s31], [sflag:$0x1] =	stream.indirect.gather [hbm4b:s3+s9], $0x10, s1, s9, $0xb8;
	[tilespmem:$0x8F10] =	vst v63  }
0x5d: {  	s0 =	rddreg [dreg:$0x3];
	s31 =	sadd.s32 $0x100, s30  }
0x5e: {  	[tilespmem:s0], [sflag:$0x1] =	stream.indirect.gather [hbm4b:s3+s9], $0x10, s31, s9, $0xb8;
	[tilespmem:$0x8F10] =	vst v63  }
0x5f: {  	s1 =	sadd.s32 $0x180, s30  }
0x60: {  	[tilespmem:s11], [sflag:$0x1] =	stream.indirect.gather [hbm4b:s3+s9], $0x10, s1, s9, $0xb8;
	[tilespmem:$0x8F10] =	vst v63  }
0x61: {  	s31 =	sadd.s32 $0x200, s30  }
0x62: {  	[tilespmem:s12], [sflag:$0x1] =	stream.indirect.gather [hbm4b:s3+s9], $0x10, s31, s9, $0xb8;
	[tilespmem:$0x8F10] =	vst v63  }
0x63: {  	s1 =	sadd.s32 $0x280, s30  }
0x64: {  	[tilespmem:s13], [sflag:$0x1] =	stream.indirect.gather [hbm4b:s3+s9], $0x10, s1, s9, $0xb8;
	[tilespmem:$0x8F10] =	vst v63  }
0x65: {  	s31 =	sadd.s32 $0x300, s30  }
0x66: {  	[tilespmem:s14], [sflag:$0x1] =	stream.indirect.gather [hbm4b:s3+s9], $0x10, s31, s9, $0xb8;
	[tilespmem:$0x8F10] =	vst v63  }
0x67: {  	s1 =	sadd.s32 $0x380, s30  }
0x68: {  	[tilespmem:s15], [sflag:$0x1] =	stream.indirect.gather [hbm4b:s3+s9], $0x10, s1, s9, $0xb8;
	[tilespmem:$0x8F10] =	vst v63  }
0x69: {  	s31 =	sadd.s32 $0x400, s30  }
0x6a: {  	[tilespmem:s16], [sflag:$0x1] =	stream.indirect.gather [hbm4b:s3+s9], $0x10, s31, s9, $0xb8;
	[tilespmem:$0x8F10] =	vst v63  }
0x6b: {  	s1 =	sadd.s32 $0x480, s30  }
0x6c: {  	[tilespmem:s17], [sflag:$0x1] =	stream.indirect.gather [hbm4b:s3+s9], $0x10, s1, s9, $0xb8;
	[tilespmem:$0x8F10] =	vst v63  }
0x6d: {  	s31 =	sadd.s32 $0x500, s30  }
0x6e: {  	[tilespmem:s18], [sflag:$0x1] =	stream.indirect.gather [hbm4b:s3+s9], $0x10, s31, s9, $0xb8;
	[tilespmem:$0x8F10] =	vst v63  }
0x6f: {  	s1 =	sadd.s32 $0x580, s30  }
0x70: {  	[tilespmem:s19], [sflag:$0x1] =	stream.indirect.gather [hbm4b:s3+s9], $0x10, s1, s9, $0xb8;
	[tilespmem:$0x8F10] =	vst v63  }
0x71: {  	s31 =	sadd.s32 $0x600, s30  }
0x72: {  	[tilespmem:s20], [sflag:$0x1] =	stream.indirect.gather [hbm4b:s3+s9], $0x10, s31, s9, $0xb8;
	[tilespmem:$0x8F10] =	vst v63  }
0x73: {  	_ =	swait.ge [sflag:s21], $0x800  }
0x74: {  	[sflag:s21] =	ssyncset.done $0x0  }
0x75: {  	[sflag:s21] =	ssyncadd.s32 $0xFFFFF800  }
0x76: {  	_ =	swait.ge [sflag:s21], $0x800  }
0x77: {  	[sflag:s21] =	ssyncset.done $0x0  }
0x78: {  	[sflag:s21] =	ssyncadd.s32 $0xFFFFF800  }
0x79: {  	_ =	swait.ge [sflag:s21], $0x800  }
0x7a: {  	[sflag:s21] =	ssyncset.done $0x0  }
0x7b: {  	[sflag:s21] =	ssyncadd.s32 $0xFFFFF800  }
0x7c: {  	_ =	swait.ge [sflag:s21], $0x800  }
0x7d: {  	[sflag:s21] =	ssyncset.done $0x0  }
0x7e: {  	[sflag:s21] =	ssyncadd.s32 $0xFFFFF800  }
0x7f: {  	_ =	swait.ge [sflag:s21], $0x800  }
0x80: {  	[sflag:s21] =	ssyncset.done $0x0  }
0x81: {  	[sflag:s21] =	ssyncadd.s32 $0xFFFFF800  }
0x82: {  	_ =	swait.ge [sflag:s21], $0x800  }
0x83: {  	[sflag:s21] =	ssyncset.done $0x0  }
0x84: {  	[sflag:s21] =	ssyncadd.s32 $0xFFFFF800  }
0x85: {  	_ =	swait.ge [sflag:s21], $0x800  }
0x86: {  	[sflag:s21] =	ssyncset.done $0x0  }
0x87: {  	[sflag:s21] =	ssyncadd.s32 $0xFFFFF800  }
0x88: {  	_ =	swait.ge [sflag:s21], $0x800  }
0x89: {  	[sflag:s21] =	ssyncset.done $0x0  }
0x8a: {  	[sflag:s21] =	ssyncadd.s32 $0xFFFFF800  }
0x8b: {  	_ =	swait.ge [sflag:s21], $0x800  }
0x8c: {  	[sflag:s21] =	ssyncset.done $0x0  }
0x8d: {  	[sflag:s21] =	ssyncadd.s32 $0xFFFFF800  }
0x8e: {  	_ =	swait.ge [sflag:s21], $0x800  }
0x8f: {  	[sflag:s21] =	ssyncset.done $0x0  }
0x90: {  	[sflag:s21] =	ssyncadd.s32 $0xFFFFF800  }
0x91: {  	_ =	swait.ge [sflag:s21], $0x800  }
0x92: {  	[sflag:s21] =	ssyncset.done $0x0  }
0x93: {  	[sflag:s21] =	ssyncadd.s32 $0xFFFFF800  }
0x94: {  	_ =	swait.ge [sflag:s21], $0x800  }
0x95: {  	[sflag:s21] =	ssyncset.done $0x0  }
0x96: {  	[sflag:s21] =	ssyncadd.s32 $0xFFFFF800  }
0x97: {  	p0 =	sne.s32 s29, $0x8200;
	_ =	swait.ge [sflag:s21], $0x800  }
.Ltmp0:
0x98: {  	[sflag:s21] =	ssyncset.done $0x0;
	(pc) =	sbr.rel @p0 .LBB2_2-.Ltmp0, $4  }
0x99: {  	[sflag:s21] =	ssyncadd.s32 $0xFFFFF800  }
0x9a: {  	[hbm4b:s25+s2] =	stream.linear.scatter [tilespmem:s10], [sflag:$0x2], $0x6800, $0x38;
	[tilespmem:$0x8F10] =	vst v63  }
0x9b: {  	s26 =	smov.u32 s29;
	s28 =	sadd.s32 $0x1A00, s29;
	_ =	swait.ge [sflag:s8], $0x6800  }
0x9c: {  	s29 =	smov.u32 s28;
	s25 =	sadd.s32 $0xD00, s25;
	[sflag:s8] =	ssyncset.done $0x0  }
0x9d: {  	s0 =	sshra.s32 s26, $0x2;
	[sflag:s8] =	ssyncadd.s32 $0xFFFF9800  }
0x9e: {  	[tilespmem:s10], [sflag:$0x1] =	stream.indirect.gather [hbm4b:s3+s9], $0x10, s0, s9, $0xb8;
	[tilespmem:$0x8F10] =	vst v63  }
0x9f: {  	s1 =	rddreg [dreg:$0x2];
	s26 =	sadd.s32 $0x80, s0  }
0xa0: {  	[tilespmem:s1], [sflag:$0x1] =	stream.indirect.gather [hbm4b:s3+s9], $0x10, s26, s9, $0xb8;
	[tilespmem:$0x8F10] =	vst v63  }
0xa1: {  	s28 =	rddreg [dreg:$0x3];
	s26 =	sadd.s32 $0x100, s0  }
0xa2: {  	[tilespmem:s28], [sflag:$0x1] =	stream.indirect.gather [hbm4b:s3+s9], $0x10, s26, s9, $0xb8;
	[tilespmem:$0x8F10] =	vst v63  }
0xa3: {  	s28 =	sadd.s32 $0x180, s0  }
0xa4: {  	[tilespmem:s11], [sflag:$0x1] =	stream.indirect.gather [hbm4b:s3+s9], $0x10, s28, s9, $0xb8;
	[tilespmem:$0x8F10] =	vst v63  }
0xa5: {  	s29 =	sadd.s32 $0x200, s0  }
0xa6: {  	[tilespmem:s12], [sflag:$0x1] =	stream.indirect.gather [hbm4b:s3+s9], $0x10, s29, s9, $0xb8;
	[tilespmem:$0x8F10] =	vst v63  }
0xa7: {  	s30 =	sadd.s32 $0x280, s0  }
0xa8: {  	[tilespmem:s13], [sflag:$0x1] =	stream.indirect.gather [hbm4b:s3+s9], $0x10, s30, s9, $0xb8;
	[tilespmem:$0x8F10] =	vst v63  }
0xa9: {  	s31 =	sadd.s32 $0x300, s0  }
0xaa: {  	[tilespmem:s14], [sflag:$0x1] =	stream.indirect.gather [hbm4b:s3+s9], $0x10, s31, s9, $0xb8;
	[tilespmem:$0x8F10] =	vst v63  }
0xab: {  	s26 =	sadd.s32 $0x380, s0  }
0xac: {  	[tilespmem:s15], [sflag:$0x1] =	stream.indirect.gather [hbm4b:s3+s9], $0x10, s26, s9, $0xb8;
	[tilespmem:$0x8F10] =	vst v63  }
0xad: {  	s28 =	sadd.s32 $0x400, s0  }
0xae: {  	[tilespmem:s16], [sflag:$0x1] =	stream.indirect.gather [hbm4b:s3+s9], $0x10, s28, s9, $0xb8;
	[tilespmem:$0x8F10] =	vst v63  }
0xaf: {  	s29 =	sadd.s32 $0x480, s0  }
0xb0: {  	[tilespmem:s17], [sflag:$0x1] =	stream.indirect.gather [hbm4b:s3+s9], $0x10, s29, s9, $0xb8;
	[tilespmem:$0x8F10] =	vst v63  }
0xb1: {  	s30 =	sadd.s32 $0x500, s0  }
0xb2: {  	[tilespmem:s18], [sflag:$0x1] =	stream.indirect.gather [hbm4b:s3+s9], $0x10, s30, s9, $0xb8;
	[tilespmem:$0x8F10] =	vst v63  }
0xb3: {  	s31 =	sadd.s32 $0x580, s0  }
0xb4: {  	[tilespmem:s19], [sflag:$0x1] =	stream.indirect.gather [hbm4b:s3+s9], $0x10, s31, s9, $0xb8;
	[tilespmem:$0x8F10] =	vst v63  }
0xb5: {  	s0 =	sadd.s32 $0x600, s0  }
0xb6: {  	[tilespmem:s20], [sflag:$0x1] =	stream.indirect.gather [hbm4b:s3+s9], $0x10, s0, s9, $0xb8;
	[tilespmem:$0x8F10] =	vst v63  }
0xb7: {  	_ =	swait.ge [sflag:s21], $0x800  }
0xb8: {  	[sflag:s21] =	ssyncset.done $0x0  }
0xb9: {  	[sflag:s21] =	ssyncadd.s32 $0xFFFFF800  }
0xba: {  	_ =	swait.ge [sflag:s21], $0x800  }
0xbb: {  	[sflag:s21] =	ssyncset.done $0x0  }
0xbc: {  	[sflag:s21] =	ssyncadd.s32 $0xFFFFF800  }
0xbd: {  	_ =	swait.ge [sflag:s21], $0x800  }
0xbe: {  	[sflag:s21] =	ssyncset.done $0x0  }
0xbf: {  	[sflag:s21] =	ssyncadd.s32 $0xFFFFF800  }
0xc0: {  	_ =	swait.ge [sflag:s21], $0x800  }
0xc1: {  	[sflag:s21] =	ssyncset.done $0x0  }
0xc2: {  	[sflag:s21] =	ssyncadd.s32 $0xFFFFF800  }
0xc3: {  	_ =	swait.ge [sflag:s21], $0x800  }
0xc4: {  	[sflag:s21] =	ssyncset.done $0x0  }
0xc5: {  	[sflag:s21] =	ssyncadd.s32 $0xFFFFF800  }
0xc6: {  	_ =	swait.ge [sflag:s21], $0x800  }
0xc7: {  	[sflag:s21] =	ssyncset.done $0x0  }
0xc8: {  	[sflag:s21] =	ssyncadd.s32 $0xFFFFF800  }
0xc9: {  	_ =	swait.ge [sflag:s21], $0x800  }
0xca: {  	[sflag:s21] =	ssyncset.done $0x0  }
0xcb: {  	[sflag:s21] =	ssyncadd.s32 $0xFFFFF800  }
0xcc: {  	_ =	swait.ge [sflag:s21], $0x800  }
0xcd: {  	[sflag:s21] =	ssyncset.done $0x0  }
0xce: {  	[sflag:s21] =	ssyncadd.s32 $0xFFFFF800  }
0xcf: {  	_ =	swait.ge [sflag:s21], $0x800  }
0xd0: {  	[sflag:s21] =	ssyncset.done $0x0  }
0xd1: {  	[sflag:s21] =	ssyncadd.s32 $0xFFFFF800  }
0xd2: {  	_ =	swait.ge [sflag:s21], $0x800  }
0xd3: {  	[sflag:s21] =	ssyncset.done $0x0  }
0xd4: {  	[sflag:s21] =	ssyncadd.s32 $0xFFFFF800  }
0xd5: {  	_ =	swait.ge [sflag:s21], $0x800  }
0xd6: {  	[sflag:s21] =	ssyncset.done $0x0  }
0xd7: {  	[sflag:s21] =	ssyncadd.s32 $0xFFFFF800  }
0xd8: {  	_ =	swait.ge [sflag:s21], $0x800  }
0xd9: {  	[sflag:s21] =	ssyncset.done $0x0  }
0xda: {  	[sflag:s21] =	ssyncadd.s32 $0xFFFFF800  }
0xdb: {  	_ =	swait.ge [sflag:s21], $0x800  }
0xdc: {  	[sflag:s21] =	ssyncset.done $0x0  }
0xdd: {  	[sflag:s21] =	ssyncadd.s32 $0xFFFFF800  }
0xde: {  	[hbm4b:s25+s2] =	stream.linear.scatter [tilespmem:s10], [sflag:$0x2], $0x6800, $0x38;
	[tilespmem:$0x8F10] =	vst v63  }
0xdf: {  	_ =	swait.ge [sflag:s8], $0x6800  }
0xe0: {  	[sflag:s8] =	ssyncset.done $0x0  }
0xe1: {  	[sflag:s8] =	ssyncadd.s32 $0xFFFF9800  }
0xe2: {  	[tilespmem:s10], [sflag:$0x1] =	stream.indirect.gather [hbm4b:s3+s22], $0x10, s23, s22, $0xb8;
	[tilespmem:$0x8F10] =	vst v63  }
0xe3: {  	s24 =	sadd.s32 $0x1, s24;
	_ =	swait.ge [sflag:s21], $0x100  }
0xe4: {  	p0 =	sne.s32 s24, s6;
	[sflag:s21] =	ssyncset.done $0x0  }
.Ltmp1:
0xe5: {  	[sflag:s21] =	ssyncadd.s32 $0xFFFFFF00;
	(pc) =	sbr.rel @p0 .LBB2_1-.Ltmp1, $4  }
0xe6: {  	[hbm4b:s5+s2] =	stream.linear.scatter [tilespmem:s10], [sflag:$0x2], $0x100, $0x38;
	[tilespmem:$0x8F10] =	vst v63  }
0xe7: {  	_ =	swait.ge [sflag:s8], $0x100  }
0xe8: {  	[sflag:s8] =	ssyncset.done $0x0  }
0xe9: {  	[sflag:s8] =	ssyncadd.s32 $0xFFFFFF00  }
0xea: {  	_ =	sfence.sel $0x180000  }
0xeb: {  	[bflag:$0x0] =	sbarrier.arrive $0xFFFF  }
0xec: {  	_ =	strace $0x90000047  }
0xed: {  	s0 =	stileid.u32;
	[bflag:$0x2] =	sbarrier.arrive $0xFFFF  }
0xee: {  	p0 =	sne.s32 s0, $0x0;
	s0 =	rddreg [dreg:$0x1]  }
0xef: {  	s0 =	sadd.s32 @!p0 $0x100000, s0  }
0xf0: {  	[sflag:s0] =	ssyncadd.tile.s32 @!p0 $0x1;
	_ =	shalt  }
.Lfunc_end2:
_tile_overlayer_lowered:
.L_overlay_start_2:
0xf1: {  	(tag) =	ssettag $0x2  }
0xf2: {  	s0 =	rddreg [dreg:$0x0];
	s2 =	stileid.u32  }
0xf3: {  	s1 =	rddreg [dreg:$0x1];
	p0 =	sne.s32 s2, $0x0  }
0xf4: {  	s3 =	rddreg [dreg:$0x2];
	[bflag:$0x3] =	sbarrier.arrive $0xFFFF;
	s2 =	simm.s32 @!p0 $0x1C02  }
0xf5: {  	[timem:s3], [sflag:s2] =	dma.local @!p0 [hbm:s0], s1  }
0xf6: {  	s0 =	simm.s32 @!p0 $0x2  }
0xf7: {  	_ =	swait.ge @!p0 [sflag:s0], s1  }
0xf8: {  	s1 =	ssub.s32 @!p0 $0x0, s1;
	[sflag:s0] =	ssyncset.done @!p0 $0x0  }
0xf9: {  	[sflag:s0] =	ssyncadd.s32 @!p0 s1  }
0xfa: {  	[bflag:$0x3] =	sbarrier.arrive $0xFFFF  }
0xfb: {  	_ =	shalt  }

</sc_bundles>
